<compile_context>
chip_gen: v7x
topology: tpu7x:2x2x1
jax: 0.10.2.dev20260603
libtpu: 0.0.44.dev20260713+nightly
codegen_flags: <defaults>
</compile_context>

<pallas_src>
import functools

import jax
import jax.numpy as jnp
from jax import lax
from jax.experimental import pallas as pl
from jax.experimental.pallas import tpu as pltpu
from jax.experimental.pallas import tpu_sc as plsc

L = 16
NC, NS = 2, 16
NW = NC * NS
HW = 256
B_DIM, C_DIM = 64, 768
CT = C_DIM // 128
UNITS = B_DIM * CT
UNITS_PER_TILE = UNITS // NW
NCLS = 21841


def _vs(v, desc):
    s = lax.sort(v)
    return lax.rev(s, (0,)) if desc else s


def _bmerge(vs, desc):
    m = len(vs)
    if m == 1:
        return [_vs(vs[0], desc)]
    half = m // 2
    lo, hi = [], []
    for i in range(half):
        a, b = vs[i], vs[i + half]
        mn = jnp.minimum(a, b)
        mx = jnp.maximum(a, b)
        lo.append(mx if desc else mn)
        hi.append(mn if desc else mx)
    return _bmerge(lo, desc) + _bmerge(hi, desc)


def _bsort(vs, desc):
    if len(vs) == 1:
        return [_vs(vs[0], desc)]
    half = len(vs) // 2
    return _bmerge(_bsort(vs[:half], False) + _bsort(vs[half:], True), desc)


def _row_median(vs):
    a = _bsort(vs[:8], False)
    b = _bsort(vs[8:], True)
    u = jnp.maximum(a[0], b[0])
    for i in range(1, 8):
        u = jnp.minimum(u, jnp.maximum(a[i], b[i]))
    m = lax.reduce_min(u, (0,))
    return jnp.broadcast_to(m, (L,))


def _median_sc(xt):
    mesh = plsc.VectorSubcoreMesh(
        core_axis_name="c", subcore_axis_name="s",
        num_cores=NC, num_subcores=NS)

    @functools.partial(
        pl.kernel,
        out_type=jax.ShapeDtypeStruct((B_DIM, C_DIM), jnp.float32),
        mesh=mesh,
        scratch_types=[
            pltpu.VMEM((HW, 128), jnp.float32),
            pltpu.VMEM((HW, 128), jnp.float32),
            pltpu.VMEM((128,), jnp.float32),
            pltpu.SemaphoreType.DMA,
            pltpu.SemaphoreType.DMA,
        ],
        compiler_params=pltpu.CompilerParams(
            needs_layout_passes=False, use_tc_tiling_on_sc=True),
    )
    def med_kernel(x_hbm, out_hbm, buf0, buf1, medv, sem0, sem1):
        wid = lax.axis_index("s") * NC + lax.axis_index("c")
        base_u = wid * UNITS_PER_TILE
        iota = lax.iota(jnp.int32, L)
        mask0 = iota == 0

        def issue(u, buf, sem):
            b = u // CT
            ct = u % CT
            pltpu.async_copy(
                x_hbm.at[b, :, pl.ds(ct * 128, 128)], buf, sem)

        def wait(buf, sem):
            pltpu.make_async_copy(
                x_hbm.at[0, :, pl.ds(0, 128)], buf, sem).wait()

        def process(buf, u):
            b = u // CT
            ct = u % CT

            @plsc.parallel_loop(0, 128, 1, unroll=2)
            def ch_body(c):
                cidx = jnp.broadcast_to(c, (L,)).astype(jnp.int32)
                vs = [plsc.load_gather(buf, [iota + (16 * j), cidx])
                      for j in range(16)]
                med16 = _row_median(vs)
                plsc.store_scatter(medv, [cidx], med16, mask=mask0)
            pltpu.sync_copy(medv, out_hbm.at[b, pl.ds(ct * 128, 128)])

        issue(base_u, buf0, sem0)

        def pair_body(k2, carry):
            u0 = base_u + 2 * k2
            issue(u0 + 1, buf1, sem1)
            wait(buf0, sem0)
            process(buf0, u0)

            @pl.when(k2 < UNITS_PER_TILE // 2 - 1)
            def _():
                issue(u0 + 2, buf0, sem0)

            wait(buf1, sem1)
            process(buf1, u0 + 1)
            return carry

        lax.fori_loop(0, UNITS_PER_TILE // 2, pair_body, 0)

    return med_kernel(xt)


def _linear_tc(med2, W, b2):
    BN = 2048

    def mm_kernel(med_ref, w_ref, b_ref, o_ref):
        o_ref[...] = lax.dot_general(
            med_ref[...], w_ref[...], (((1,), (1,)), ((), ())),
            preferred_element_type=jnp.float32) + b_ref[...]

    return pl.pallas_call(
        mm_kernel,
        grid=(pl.cdiv(NCLS, BN),),
        in_specs=[
            pl.BlockSpec((B_DIM, C_DIM), lambda i: (0, 0)),
            pl.BlockSpec((BN, C_DIM), lambda i: (i, 0)),
            pl.BlockSpec((1, BN), lambda i: (0, i)),
        ],
        out_specs=pl.BlockSpec((B_DIM, BN), lambda i: (0, i)),
        out_shape=jax.ShapeDtypeStruct((B_DIM, NCLS), jnp.float32),
    )(med2, W, b2)


def kernel(x, W, b):
    xt = x.transpose(0, 2, 3, 1).reshape(B_DIM, HW, C_DIM)
    med = _median_sc(xt)
    return _linear_tc(med, W, b.reshape(1, NCLS))

# --- scband reference (transcript-rebuilt; emitter-appended) ---
"""Pipeline reference for scband-gmed-pblock-34789235097660 (READ-ONLY COPY).

The authoritative reference and input builder live on the scoring server;
editing this copy changes nothing except your own understanding.
"""

import jax, jax.numpy as jnp
import numpy as np


def setup_inputs(seed: int = 0) -> dict:
    key = jax.random.key(seed)
    k1, k2, k3 = jax.random.split(key, 3)
    x = jax.random.normal(k1, (64, 768, 16, 16), dtype=jnp.float32)
    # nn.Linear(in_features=768, num_classes=21841): weight [out, in], bias [out]
    W = jax.random.normal(k2, (21841, 768), dtype=jnp.float32) * (1.0 / np.sqrt(768.0))
    b = jax.random.uniform(k3, (21841,), dtype=jnp.float32, minval=-1.0 / np.sqrt(768.0), maxval=1.0 / np.sqrt(768.0))
    return {"x": x, "W": W, "b": b}


def reference(x, W, b):
    B, C = x.shape[0], x.shape[1]
    xf = x.reshape(B, C, -1)              # [B, C, HW]
    hw = xf.shape[2]
    k = hw // 2
    vals, _ = jax.lax.top_k(xf, k)        # sorted descending: [B, C, k]
    med = vals[:, :, -1]                  # k-th largest per channel (approx median): [B, C]
    med = med.reshape(B, -1)
    out = med @ W.T + b                   # linear: [B, num_classes]
    return out

if __name__ == "__main__":
    import jax
    _d = setup_inputs()
    print(jax.jit(kernel)(*tuple(_d.values())))

</pallas_src>

<mosaic_0001>
#map = affine_map<(d0, d1) -> (0, 0, 0)>
#map1 = affine_map<(d0, d1) -> (0, 0)>
module attributes {stable_mosaic.version = 14 : i64} {
  func.func @med_kernel(%arg0: i32, %arg1: i32, %arg2: memref<64x256x768xf32, #tpu.memory_space<hbm>>, %arg3: memref<64x768xf32, #tpu.memory_space<hbm>>, %arg4: memref<256x128xf32, #tpu.memory_space<vmem>>, %arg5: memref<256x128xf32, #tpu.memory_space<vmem>>, %arg6: memref<128xf32, #tpu.memory_space<vmem>>, %arg7: memref<!tpu.dma_semaphore, #tpu.memory_space<semaphore_mem>>, %arg8: memref<!tpu.dma_semaphore, #tpu.memory_space<semaphore_mem>>) attributes {dimension_semantics = [#tpu.dimension_semantics<core_parallel>, #tpu.dimension_semantics<subcore_parallel>], iteration_bounds = array<i64: 2, 16>, scalar_prefetch = 0 : i64, scratch_operands = 5 : i64, tpu.core_type = #tpu.core_type<sc_vector_subcore>, window_params = [{transform_indices = #map}, {transform_indices = #map1}]} {
    %mul3A = arith.constant 2 : i32
    %mul3A_0 = arith.muli %arg1, %mul3A : i32
    %add3A = arith.addi %mul3A_0, %arg0 : i32
    %mul3A_1 = arith.constant 12 : i32
    %mul3A_2 = arith.muli %add3A, %mul3A_1 : i32
    %iota3A = tpu.iota {dimensions = array<i32: 0>} : vector<16xi32>
    %eq3A = arith.constant 0 : i32
    %eq3A_3 = vector.broadcast %eq3A : i32 to vector<16xi32>
    %eq3A_4 = arith.cmpi eq, %iota3A, %eq3A_3 : vector<16xi32>
    %jit3A = arith.constant 6 : i32
    %div3A = arith.divsi %mul3A_2, %jit3A : i32
    %sign3A = arith.constant 0 : i32
    %sign3A_5 = arith.cmpi sgt, %mul3A_2, %sign3A : i32
    %sign3A_6 = arith.extui %sign3A_5 : i1 to i32
    %sign3A_7 = arith.constant 0 : i32
    %sign3A_8 = arith.cmpi slt, %mul3A_2, %sign3A_7 : i32
    %sign3A_9 = arith.extui %sign3A_8 : i1 to i32
    %sign3A_10 = arith.subi %sign3A_6, %sign3A_9 : i32
    %sign3A_11 = arith.constant 0 : i32
    %sign3A_12 = arith.cmpi sgt, %jit3A, %sign3A_11 : i32
    %sign3A_13 = arith.extui %sign3A_12 : i1 to i32
    %sign3A_14 = arith.constant 0 : i32
    %sign3A_15 = arith.cmpi slt, %jit3A, %sign3A_14 : i32
    %sign3A_16 = arith.extui %sign3A_15 : i1 to i32
    %sign3A_17 = arith.subi %sign3A_13, %sign3A_16 : i32
    %ne3A = arith.cmpi ne, %sign3A_10, %sign3A_17 : i32
    %rem3A = arith.remsi %mul3A_2, %jit3A : i32
    %ne3A_18 = arith.constant 0 : i32
    %ne3A_19 = arith.cmpi ne, %rem3A, %ne3A_18 : i32
    %and3A = arith.andi %ne3A, %ne3A_19 : i1
    %sub3A = arith.constant 1 : i32
    %sub3A_20 = arith.subi %div3A, %sub3A : i32
    %select_n3A = arith.select %and3A, %sub3A_20, %div3A : i32
    %jit3A_21 = arith.constant 6 : i32
    %eq3A_22 = arith.constant 0 : i32
    %eq3A_23 = arith.cmpi eq, %jit3A_21, %eq3A_22 : i32
    %jit3A_24 = arith.constant 1 : i32
    %select_n3A_25 = arith.select %eq3A_23, %jit3A_24, %jit3A_21 : i32
    %rem3A_26 = arith.remsi %mul3A_2, %select_n3A_25 : i32
    %ne3A_27 = arith.constant 0 : i32
    %ne3A_28 = arith.cmpi ne, %rem3A_26, %ne3A_27 : i32
    %lt3A = arith.constant 0 : i32
    %lt3A_29 = arith.cmpi slt, %rem3A_26, %lt3A : i32
    %lt3A_30 = arith.constant 0 : i32
    %lt3A_31 = arith.cmpi slt, %select_n3A_25, %lt3A_30 : i32
    %ne3A_32 = arith.xori %lt3A_29, %lt3A_31 : i1
    %and3A_33 = arith.andi %ne3A_32, %ne3A_28 : i1
    %add3A_34 = arith.addi %rem3A_26, %select_n3A_25 : i32
    %select_n3A_35 = arith.select %and3A_33, %add3A_34, %rem3A_26 : i32
    %mul3A_36 = arith.constant 128 : i32
    %mul3A_37 = arith.muli %select_n3A_35, %mul3A_36 : i32
    %dma_start3A = arith.constant 0 : i32
    %dma_start3A_38 = tpu.memref_slice %arg2[%select_n3A, %dma_start3A, %mul3A_37] : memref<64x256x768xf32, #tpu.memory_space<hbm>> -> memref<1x256x128xf32, #tpu.memory_space<hbm>>
    %dma_start3A_39 = tpu.memref_squeeze %dma_start3A_38 : memref<1x256x128xf32, #tpu.memory_space<hbm>> -> memref<256x128xf32, #tpu.memory_space<hbm>>
    %dma_start3A_40 = arith.constant 0 : i32
    %dma_start3A_41 = tpu.memref_slice %arg2[%select_n3A, %dma_start3A_40, %mul3A_37] : memref<64x256x768xf32, #tpu.memory_space<hbm>> -> memref<1x256x128xf32, #tpu.memory_space<hbm>>
    %dma_start3A_42 = tpu.memref_squeeze %dma_start3A_41 : memref<1x256x128xf32, #tpu.memory_space<hbm>> -> memref<256x128xf32, #tpu.memory_space<hbm>>
    tpu.enqueue_dma source(%dma_start3A_42 : memref<256x128xf32, #tpu.memory_space<hbm>>) target(%arg4 : memref<256x128xf32, #tpu.memory_space<vmem>>) target_semaphore(%arg7 : memref<!tpu.dma_semaphore, #tpu.memory_space<semaphore_mem>>)
    %scan3A = arith.constant 0 : i32
    %scan3A_43 = arith.constant 0 : i32
    %scan3A_44 = arith.constant 6 : i32
    %scan3A_45 = arith.addi %scan3A_43, %scan3A_44 : i32
    %scan3A_46 = arith.constant 1 : i32
    scf.for %scan3A_48 = %scan3A_43 to %scan3A_45 step %scan3A_46  : i32 {
      %mul3A_49 = arith.constant 2 : i32
      %mul3A_50 = arith.muli %mul3A_49, %scan3A_48 : i32
      %add3A_51 = arith.addi %mul3A_2, %mul3A_50 : i32
      %add3A_52 = arith.constant 1 : i32
      %add3A_53 = arith.addi %add3A_51, %add3A_52 : i32
      %jit3A_54 = arith.constant 6 : i32
      %div3A_55 = arith.divsi %add3A_53, %jit3A_54 : i32
      %sign3A_56 = arith.constant 0 : i32
      %sign3A_57 = arith.cmpi sgt, %add3A_53, %sign3A_56 : i32
      %sign3A_58 = arith.extui %sign3A_57 : i1 to i32
      %sign3A_59 = arith.constant 0 : i32
      %sign3A_60 = arith.cmpi slt, %add3A_53, %sign3A_59 : i32
      %sign3A_61 = arith.extui %sign3A_60 : i1 to i32
      %sign3A_62 = arith.subi %sign3A_58, %sign3A_61 : i32
      %sign3A_63 = arith.constant 0 : i32
      %sign3A_64 = arith.cmpi sgt, %jit3A_54, %sign3A_63 : i32
      %sign3A_65 = arith.extui %sign3A_64 : i1 to i32
      %sign3A_66 = arith.constant 0 : i32
      %sign3A_67 = arith.cmpi slt, %jit3A_54, %sign3A_66 : i32
      %sign3A_68 = arith.extui %sign3A_67 : i1 to i32
      %sign3A_69 = arith.subi %sign3A_65, %sign3A_68 : i32
      %ne3A_70 = arith.cmpi ne, %sign3A_62, %sign3A_69 : i32
      %rem3A_71 = arith.remsi %add3A_53, %jit3A_54 : i32
      %ne3A_72 = arith.constant 0 : i32
      %ne3A_73 = arith.cmpi ne, %rem3A_71, %ne3A_72 : i32
      %and3A_74 = arith.andi %ne3A_70, %ne3A_73 : i1
      %sub3A_75 = arith.constant 1 : i32
      %sub3A_76 = arith.subi %div3A_55, %sub3A_75 : i32
      %select_n3A_77 = arith.select %and3A_74, %sub3A_76, %div3A_55 : i32
      %jit3A_78 = arith.constant 6 : i32
      %eq3A_79 = arith.constant 0 : i32
      %eq3A_80 = arith.cmpi eq, %jit3A_78, %eq3A_79 : i32
      %jit3A_81 = arith.constant 1 : i32
      %select_n3A_82 = arith.select %eq3A_80, %jit3A_81, %jit3A_78 : i32
      %rem3A_83 = arith.remsi %add3A_53, %select_n3A_82 : i32
      %ne3A_84 = arith.constant 0 : i32
      %ne3A_85 = arith.cmpi ne, %rem3A_83, %ne3A_84 : i32
      %lt3A_86 = arith.constant 0 : i32
      %lt3A_87 = arith.cmpi slt, %rem3A_83, %lt3A_86 : i32
      %lt3A_88 = arith.constant 0 : i32
      %lt3A_89 = arith.cmpi slt, %select_n3A_82, %lt3A_88 : i32
      %ne3A_90 = arith.xori %lt3A_87, %lt3A_89 : i1
      %and3A_91 = arith.andi %ne3A_90, %ne3A_85 : i1
      %add3A_92 = arith.addi %rem3A_83, %select_n3A_82 : i32
      %select_n3A_93 = arith.select %and3A_91, %add3A_92, %rem3A_83 : i32
      %mul3A_94 = arith.constant 128 : i32
      %mul3A_95 = arith.muli %select_n3A_93, %mul3A_94 : i32
      %dma_start3A_96 = arith.constant 0 : i32
      %dma_start3A_97 = tpu.memref_slice %arg2[%select_n3A_77, %dma_start3A_96, %mul3A_95] : memref<64x256x768xf32, #tpu.memory_space<hbm>> -> memref<1x256x128xf32, #tpu.memory_space<hbm>>
      %dma_start3A_98 = tpu.memref_squeeze %dma_start3A_97 : memref<1x256x128xf32, #tpu.memory_space<hbm>> -> memref<256x128xf32, #tpu.memory_space<hbm>>
      %dma_start3A_99 = arith.constant 0 : i32
      %dma_start3A_100 = tpu.memref_slice %arg2[%select_n3A_77, %dma_start3A_99, %mul3A_95] : memref<64x256x768xf32, #tpu.memory_space<hbm>> -> memref<1x256x128xf32, #tpu.memory_space<hbm>>
      %dma_start3A_101 = tpu.memref_squeeze %dma_start3A_100 : memref<1x256x128xf32, #tpu.memory_space<hbm>> -> memref<256x128xf32, #tpu.memory_space<hbm>>
      tpu.enqueue_dma source(%dma_start3A_101 : memref<256x128xf32, #tpu.memory_space<hbm>>) target(%arg5 : memref<256x128xf32, #tpu.memory_space<vmem>>) target_semaphore(%arg8 : memref<!tpu.dma_semaphore, #tpu.memory_space<semaphore_mem>>)
      %dma_wait3A = arith.constant 0 : i32
      %dma_wait3A_102 = arith.constant 0 : i32
      %dma_wait3A_103 = arith.constant 0 : i32
      %dma_wait3A_104 = tpu.memref_slice %arg2[%dma_wait3A, %dma_wait3A_102, %dma_wait3A_103] : memref<64x256x768xf32, #tpu.memory_space<hbm>> -> memref<1x256x128xf32, #tpu.memory_space<hbm>>
      %dma_wait3A_105 = tpu.memref_squeeze %dma_wait3A_104 : memref<1x256x128xf32, #tpu.memory_space<hbm>> -> memref<256x128xf32, #tpu.memory_space<hbm>>
      %dma_wait3A_106 = arith.constant 0 : i32
      %dma_wait3A_107 = arith.constant 0 : i32
      %dma_wait3A_108 = tpu.memref_slice %arg2[%dma_wait3A, %dma_wait3A_106, %dma_wait3A_107] : memref<64x256x768xf32, #tpu.memory_space<hbm>> -> memref<1x256x128xf32, #tpu.memory_space<hbm>>
      %dma_wait3A_109 = tpu.memref_squeeze %dma_wait3A_108 : memref<1x256x128xf32, #tpu.memory_space<hbm>> -> memref<256x128xf32, #tpu.memory_space<hbm>>
      tpu.wait_dma2 semaphore(%arg7 : memref<!tpu.dma_semaphore, #tpu.memory_space<semaphore_mem>>) src(%dma_wait3A_109 : memref<256x128xf32, #tpu.memory_space<hbm>>) dst(%arg4 : memref<256x128xf32, #tpu.memory_space<vmem>>)
      %jit3A_110 = arith.constant 6 : i32
      %div3A_111 = arith.divsi %add3A_51, %jit3A_110 : i32
      %sign3A_112 = arith.constant 0 : i32
      %sign3A_113 = arith.cmpi sgt, %add3A_51, %sign3A_112 : i32
      %sign3A_114 = arith.extui %sign3A_113 : i1 to i32
      %sign3A_115 = arith.constant 0 : i32
      %sign3A_116 = arith.cmpi slt, %add3A_51, %sign3A_115 : i32
      %sign3A_117 = arith.extui %sign3A_116 : i1 to i32
      %sign3A_118 = arith.subi %sign3A_114, %sign3A_117 : i32
      %sign3A_119 = arith.constant 0 : i32
      %sign3A_120 = arith.cmpi sgt, %jit3A_110, %sign3A_119 : i32
      %sign3A_121 = arith.extui %sign3A_120 : i1 to i32
      %sign3A_122 = arith.constant 0 : i32
      %sign3A_123 = arith.cmpi slt, %jit3A_110, %sign3A_122 : i32
      %sign3A_124 = arith.extui %sign3A_123 : i1 to i32
      %sign3A_125 = arith.subi %sign3A_121, %sign3A_124 : i32
      %ne3A_126 = arith.cmpi ne, %sign3A_118, %sign3A_125 : i32
      %rem3A_127 = arith.remsi %add3A_51, %jit3A_110 : i32
      %ne3A_128 = arith.constant 0 : i32
      %ne3A_129 = arith.cmpi ne, %rem3A_127, %ne3A_128 : i32
      %and3A_130 = arith.andi %ne3A_126, %ne3A_129 : i1
      %sub3A_131 = arith.constant 1 : i32
      %sub3A_132 = arith.subi %div3A_111, %sub3A_131 : i32
      %select_n3A_133 = arith.select %and3A_130, %sub3A_132, %div3A_111 : i32
      %jit3A_134 = arith.constant 6 : i32
      %eq3A_135 = arith.constant 0 : i32
      %eq3A_136 = arith.cmpi eq, %jit3A_134, %eq3A_135 : i32
      %jit3A_137 = arith.constant 1 : i32
      %select_n3A_138 = arith.select %eq3A_136, %jit3A_137, %jit3A_134 : i32
      %rem3A_139 = arith.remsi %add3A_51, %select_n3A_138 : i32
      %ne3A_140 = arith.constant 0 : i32
      %ne3A_141 = arith.cmpi ne, %rem3A_139, %ne3A_140 : i32
      %lt3A_142 = arith.constant 0 : i32
      %lt3A_143 = arith.cmpi slt, %rem3A_139, %lt3A_142 : i32
      %lt3A_144 = arith.constant 0 : i32
      %lt3A_145 = arith.cmpi slt, %select_n3A_138, %lt3A_144 : i32
      %ne3A_146 = arith.xori %lt3A_143, %lt3A_145 : i1
      %and3A_147 = arith.andi %ne3A_146, %ne3A_141 : i1
      %add3A_148 = arith.addi %rem3A_139, %select_n3A_138 : i32
      %select_n3A_149 = arith.select %and3A_147, %add3A_148, %rem3A_139 : i32
      %parallel_loop3A = arith.constant 0 : i32
      %parallel_loop3A_150 = arith.constant 128 : i32
      %parallel_loop3A_151 = arith.constant 1 : i32
      scf.for %parallel_loop3A_213 = %parallel_loop3A to %parallel_loop3A_150 step %parallel_loop3A_151  : i32 {
        %parallel_loop3A_214 = vector.broadcast %parallel_loop3A_213 : i32 to vector<16xi32>
        %parallel_loop3A_215 = arith.constant 0 : i32
        %parallel_loop3A_216 = vector.broadcast %parallel_loop3A_215 : i32 to vector<16xi32>
        %parallel_loop3A_217 = arith.addi %iota3A, %parallel_loop3A_216 : vector<16xi32>
        %parallel_loop3A_218 = tpu.vector_load_idx %arg4[%parallel_loop3A_217, %parallel_loop3A_214] : memref<256x128xf32, #tpu.memory_space<vmem>>[vector<16xi32>, vector<16xi32>], vector<16xf32>,
        %parallel_loop3A_219 = arith.constant 16 : i32
        %parallel_loop3A_220 = vector.broadcast %parallel_loop3A_219 : i32 to vector<16xi32>
        %parallel_loop3A_221 = arith.addi %iota3A, %parallel_loop3A_220 : vector<16xi32>
        %parallel_loop3A_222 = tpu.vector_load_idx %arg4[%parallel_loop3A_221, %parallel_loop3A_214] : memref<256x128xf32, #tpu.memory_space<vmem>>[vector<16xi32>, vector<16xi32>], vector<16xf32>,
        %parallel_loop3A_223 = arith.constant 32 : i32
        %parallel_loop3A_224 = vector.broadcast %parallel_loop3A_223 : i32 to vector<16xi32>
        %parallel_loop3A_225 = arith.addi %iota3A, %parallel_loop3A_224 : vector<16xi32>
        %parallel_loop3A_226 = tpu.vector_load_idx %arg4[%parallel_loop3A_225, %parallel_loop3A_214] : memref<256x128xf32, #tpu.memory_space<vmem>>[vector<16xi32>, vector<16xi32>], vector<16xf32>,
        %parallel_loop3A_227 = arith.constant 48 : i32
        %parallel_loop3A_228 = vector.broadcast %parallel_loop3A_227 : i32 to vector<16xi32>
        %parallel_loop3A_229 = arith.addi %iota3A, %parallel_loop3A_228 : vector<16xi32>
        %parallel_loop3A_230 = tpu.vector_load_idx %arg4[%parallel_loop3A_229, %parallel_loop3A_214] : memref<256x128xf32, #tpu.memory_space<vmem>>[vector<16xi32>, vector<16xi32>], vector<16xf32>,
        %parallel_loop3A_231 = arith.constant 64 : i32
        %parallel_loop3A_232 = vector.broadcast %parallel_loop3A_231 : i32 to vector<16xi32>
        %parallel_loop3A_233 = arith.addi %iota3A, %parallel_loop3A_232 : vector<16xi32>
        %parallel_loop3A_234 = tpu.vector_load_idx %arg4[%parallel_loop3A_233, %parallel_loop3A_214] : memref<256x128xf32, #tpu.memory_space<vmem>>[vector<16xi32>, vector<16xi32>], vector<16xf32>,
        %parallel_loop3A_235 = arith.constant 80 : i32
        %parallel_loop3A_236 = vector.broadcast %parallel_loop3A_235 : i32 to vector<16xi32>
        %parallel_loop3A_237 = arith.addi %iota3A, %parallel_loop3A_236 : vector<16xi32>
        %parallel_loop3A_238 = tpu.vector_load_idx %arg4[%parallel_loop3A_237, %parallel_loop3A_214] : memref<256x128xf32, #tpu.memory_space<vmem>>[vector<16xi32>, vector<16xi32>], vector<16xf32>,
        %parallel_loop3A_239 = arith.constant 96 : i32
        %parallel_loop3A_240 = vector.broadcast %parallel_loop3A_239 : i32 to vector<16xi32>
        %parallel_loop3A_241 = arith.addi %iota3A, %parallel_loop3A_240 : vector<16xi32>
        %parallel_loop3A_242 = tpu.vector_load_idx %arg4[%parallel_loop3A_241, %parallel_loop3A_214] : memref<256x128xf32, #tpu.memory_space<vmem>>[vector<16xi32>, vector<16xi32>], vector<16xf32>,
        %parallel_loop3A_243 = arith.constant 112 : i32
        %parallel_loop3A_244 = vector.broadcast %parallel_loop3A_243 : i32 to vector<16xi32>
        %parallel_loop3A_245 = arith.addi %iota3A, %parallel_loop3A_244 : vector<16xi32>
        %parallel_loop3A_246 = tpu.vector_load_idx %arg4[%parallel_loop3A_245, %parallel_loop3A_214] : memref<256x128xf32, #tpu.memory_space<vmem>>[vector<16xi32>, vector<16xi32>], vector<16xf32>,
        %parallel_loop3A_247 = arith.constant 128 : i32
        %parallel_loop3A_248 = vector.broadcast %parallel_loop3A_247 : i32 to vector<16xi32>
        %parallel_loop3A_249 = arith.addi %iota3A, %parallel_loop3A_248 : vector<16xi32>
        %parallel_loop3A_250 = tpu.vector_load_idx %arg4[%parallel_loop3A_249, %parallel_loop3A_214] : memref<256x128xf32, #tpu.memory_space<vmem>>[vector<16xi32>, vector<16xi32>], vector<16xf32>,
        %parallel_loop3A_251 = arith.constant 144 : i32
        %parallel_loop3A_252 = vector.broadcast %parallel_loop3A_251 : i32 to vector<16xi32>
        %parallel_loop3A_253 = arith.addi %iota3A, %parallel_loop3A_252 : vector<16xi32>
        %parallel_loop3A_254 = tpu.vector_load_idx %arg4[%parallel_loop3A_253, %parallel_loop3A_214] : memref<256x128xf32, #tpu.memory_space<vmem>>[vector<16xi32>, vector<16xi32>], vector<16xf32>,
        %parallel_loop3A_255 = arith.constant 160 : i32
        %parallel_loop3A_256 = vector.broadcast %parallel_loop3A_255 : i32 to vector<16xi32>
        %parallel_loop3A_257 = arith.addi %iota3A, %parallel_loop3A_256 : vector<16xi32>
        %parallel_loop3A_258 = tpu.vector_load_idx %arg4[%parallel_loop3A_257, %parallel_loop3A_214] : memref<256x128xf32, #tpu.memory_space<vmem>>[vector<16xi32>, vector<16xi32>], vector<16xf32>,
        %parallel_loop3A_259 = arith.constant 176 : i32
        %parallel_loop3A_260 = vector.broadcast %parallel_loop3A_259 : i32 to vector<16xi32>
        %parallel_loop3A_261 = arith.addi %iota3A, %parallel_loop3A_260 : vector<16xi32>
        %parallel_loop3A_262 = tpu.vector_load_idx %arg4[%parallel_loop3A_261, %parallel_loop3A_214] : memref<256x128xf32, #tpu.memory_space<vmem>>[vector<16xi32>, vector<16xi32>], vector<16xf32>,
        %parallel_loop3A_263 = arith.constant 192 : i32
        %parallel_loop3A_264 = vector.broadcast %parallel_loop3A_263 : i32 to vector<16xi32>
        %parallel_loop3A_265 = arith.addi %iota3A, %parallel_loop3A_264 : vector<16xi32>
        %parallel_loop3A_266 = tpu.vector_load_idx %arg4[%parallel_loop3A_265, %parallel_loop3A_214] : memref<256x128xf32, #tpu.memory_space<vmem>>[vector<16xi32>, vector<16xi32>], vector<16xf32>,
        %parallel_loop3A_267 = arith.constant 208 : i32
        %parallel_loop3A_268 = vector.broadcast %parallel_loop3A_267 : i32 to vector<16xi32>
        %parallel_loop3A_269 = arith.addi %iota3A, %parallel_loop3A_268 : vector<16xi32>
        %parallel_loop3A_270 = tpu.vector_load_idx %arg4[%parallel_loop3A_269, %parallel_loop3A_214] : memref<256x128xf32, #tpu.memory_space<vmem>>[vector<16xi32>, vector<16xi32>], vector<16xf32>,
        %parallel_loop3A_271 = arith.constant 224 : i32
        %parallel_loop3A_272 = vector.broadcast %parallel_loop3A_271 : i32 to vector<16xi32>
        %parallel_loop3A_273 = arith.addi %iota3A, %parallel_loop3A_272 : vector<16xi32>
        %parallel_loop3A_274 = tpu.vector_load_idx %arg4[%parallel_loop3A_273, %parallel_loop3A_214] : memref<256x128xf32, #tpu.memory_space<vmem>>[vector<16xi32>, vector<16xi32>], vector<16xf32>,
        %parallel_loop3A_275 = arith.constant 240 : i32
        %parallel_loop3A_276 = vector.broadcast %parallel_loop3A_275 : i32 to vector<16xi32>
        %parallel_loop3A_277 = arith.addi %iota3A, %parallel_loop3A_276 : vector<16xi32>
        %parallel_loop3A_278 = tpu.vector_load_idx %arg4[%parallel_loop3A_277, %parallel_loop3A_214] : memref<256x128xf32, #tpu.memory_space<vmem>>[vector<16xi32>, vector<16xi32>], vector<16xf32>,
        %parallel_loop3A_279 = arith.constant dense<true> : vector<16xi1>
        %parallel_loop3A_280, %parallel_loop3A_281, %parallel_loop3A_282 = tpu.sort %parallel_loop3A_218, %parallel_loop3A_218 masked %parallel_loop3A_279 : (vector<16xf32>, vector<16xf32>, vector<16xi1>) -> (vector<16xi1>, vector<16xf32>, vector<16xf32>)
        %parallel_loop3A_283 = arith.constant dense<true> : vector<16xi1>
        %parallel_loop3A_284, %parallel_loop3A_285, %parallel_loop3A_286 = tpu.sort %parallel_loop3A_222, %parallel_loop3A_222 masked %parallel_loop3A_283 : (vector<16xf32>, vector<16xf32>, vector<16xi1>) -> (vector<16xi1>, vector<16xf32>, vector<16xf32>)
        %parallel_loop3A_287 = arith.constant 15 : i32
        %parallel_loop3A_288 = vector.broadcast %parallel_loop3A_287 : i32 to vector<16xi32>
        %parallel_loop3A_289 = tpu.iota {dimensions = array<i32: 0>} : vector<16xi32>
        %parallel_loop3A_290 = arith.subi %parallel_loop3A_288, %parallel_loop3A_289 : vector<16xi32>
        %parallel_loop3A_291 = tpu.dynamic_gather %parallel_loop3A_285[%parallel_loop3A_290] in [0] : vector<16xf32>, vector<16xi32> -> vector<16xf32>
        %parallel_loop3A_292 = arith.minimumf %parallel_loop3A_281, %parallel_loop3A_291 : vector<16xf32>
        %parallel_loop3A_293 = arith.maximumf %parallel_loop3A_281, %parallel_loop3A_291 : vector<16xf32>
        %parallel_loop3A_294 = arith.constant dense<true> : vector<16xi1>
        %parallel_loop3A_295, %parallel_loop3A_296, %parallel_loop3A_297 = tpu.sort %parallel_loop3A_292, %parallel_loop3A_292 masked %parallel_loop3A_294 : (vector<16xf32>, vector<16xf32>, vector<16xi1>) -> (vector<16xi1>, vector<16xf32>, vector<16xf32>)
        %parallel_loop3A_298 = arith.constant dense<true> : vector<16xi1>
        %parallel_loop3A_299, %parallel_loop3A_300, %parallel_loop3A_301 = tpu.sort %parallel_loop3A_293, %parallel_loop3A_293 masked %parallel_loop3A_298 : (vector<16xf32>, vector<16xf32>, vector<16xi1>) -> (vector<16xi1>, vector<16xf32>, vector<16xf32>)
        %parallel_loop3A_302 = arith.constant dense<true> : vector<16xi1>
        %parallel_loop3A_303, %parallel_loop3A_304, %parallel_loop3A_305 = tpu.sort %parallel_loop3A_226, %parallel_loop3A_226 masked %parallel_loop3A_302 : (vector<16xf32>, vector<16xf32>, vector<16xi1>) -> (vector<16xi1>, vector<16xf32>, vector<16xf32>)
        %parallel_loop3A_306 = arith.constant dense<true> : vector<16xi1>
        %parallel_loop3A_307, %parallel_loop3A_308, %parallel_loop3A_309 = tpu.sort %parallel_loop3A_230, %parallel_loop3A_230 masked %parallel_loop3A_306 : (vector<16xf32>, vector<16xf32>, vector<16xi1>) -> (vector<16xi1>, vector<16xf32>, vector<16xf32>)
        %parallel_loop3A_310 = arith.constant 15 : i32
        %parallel_loop3A_311 = vector.broadcast %parallel_loop3A_310 : i32 to vector<16xi32>
        %parallel_loop3A_312 = tpu.iota {dimensions = array<i32: 0>} : vector<16xi32>
        %parallel_loop3A_313 = arith.subi %parallel_loop3A_311, %parallel_loop3A_312 : vector<16xi32>
        %parallel_loop3A_314 = tpu.dynamic_gather %parallel_loop3A_308[%parallel_loop3A_313] in [0] : vector<16xf32>, vector<16xi32> -> vector<16xf32>
        %parallel_loop3A_315 = arith.minimumf %parallel_loop3A_304, %parallel_loop3A_314 : vector<16xf32>
        %parallel_loop3A_316 = arith.maximumf %parallel_loop3A_304, %parallel_loop3A_314 : vector<16xf32>
        %parallel_loop3A_317 = arith.constant dense<true> : vector<16xi1>
        %parallel_loop3A_318, %parallel_loop3A_319, %parallel_loop3A_320 = tpu.sort %parallel_loop3A_316, %parallel_loop3A_316 masked %parallel_loop3A_317 : (vector<16xf32>, vector<16xf32>, vector<16xi1>) -> (vector<16xi1>, vector<16xf32>, vector<16xf32>)
        %parallel_loop3A_321 = arith.constant 15 : i32
        %parallel_loop3A_322 = vector.broadcast %parallel_loop3A_321 : i32 to vector<16xi32>
        %parallel_loop3A_323 = tpu.iota {dimensions = array<i32: 0>} : vector<16xi32>
        %parallel_loop3A_324 = arith.subi %parallel_loop3A_322, %parallel_loop3A_323 : vector<16xi32>
        %parallel_loop3A_325 = tpu.dynamic_gather %parallel_loop3A_319[%parallel_loop3A_324] in [0] : vector<16xf32>, vector<16xi32> -> vector<16xf32>
        %parallel_loop3A_326 = arith.constant dense<true> : vector<16xi1>
        %parallel_loop3A_327, %parallel_loop3A_328, %parallel_loop3A_329 = tpu.sort %parallel_loop3A_315, %parallel_loop3A_315 masked %parallel_loop3A_326 : (vector<16xf32>, vector<16xf32>, vector<16xi1>) -> (vector<16xi1>, vector<16xf32>, vector<16xf32>)
        %parallel_loop3A_330 = arith.constant 15 : i32
        %parallel_loop3A_331 = vector.broadcast %parallel_loop3A_330 : i32 to vector<16xi32>
        %parallel_loop3A_332 = tpu.iota {dimensions = array<i32: 0>} : vector<16xi32>
        %parallel_loop3A_333 = arith.subi %parallel_loop3A_331, %parallel_loop3A_332 : vector<16xi32>
        %parallel_loop3A_334 = tpu.dynamic_gather %parallel_loop3A_328[%parallel_loop3A_333] in [0] : vector<16xf32>, vector<16xi32> -> vector<16xf32>
        %parallel_loop3A_335 = arith.minimumf %parallel_loop3A_296, %parallel_loop3A_325 : vector<16xf32>
        %parallel_loop3A_336 = arith.maximumf %parallel_loop3A_296, %parallel_loop3A_325 : vector<16xf32>
        %parallel_loop3A_337 = arith.minimumf %parallel_loop3A_300, %parallel_loop3A_334 : vector<16xf32>
        %parallel_loop3A_338 = arith.maximumf %parallel_loop3A_300, %parallel_loop3A_334 : vector<16xf32>
        %parallel_loop3A_339 = arith.minimumf %parallel_loop3A_335, %parallel_loop3A_337 : vector<16xf32>
        %parallel_loop3A_340 = arith.maximumf %parallel_loop3A_335, %parallel_loop3A_337 : vector<16xf32>
        %parallel_loop3A_341 = arith.constant dense<true> : vector<16xi1>
        %parallel_loop3A_342, %parallel_loop3A_343, %parallel_loop3A_344 = tpu.sort %parallel_loop3A_339, %parallel_loop3A_339 masked %parallel_loop3A_341 : (vector<16xf32>, vector<16xf32>, vector<16xi1>) -> (vector<16xi1>, vector<16xf32>, vector<16xf32>)
        %parallel_loop3A_345 = arith.constant dense<true> : vector<16xi1>
        %parallel_loop3A_346, %parallel_loop3A_347, %parallel_loop3A_348 = tpu.sort %parallel_loop3A_340, %parallel_loop3A_340 masked %parallel_loop3A_345 : (vector<16xf32>, vector<16xf32>, vector<16xi1>) -> (vector<16xi1>, vector<16xf32>, vector<16xf32>)
        %parallel_loop3A_349 = arith.minimumf %parallel_loop3A_336, %parallel_loop3A_338 : vector<16xf32>
        %parallel_loop3A_350 = arith.maximumf %parallel_loop3A_336, %parallel_loop3A_338 : vector<16xf32>
        %parallel_loop3A_351 = arith.constant dense<true> : vector<16xi1>
        %parallel_loop3A_352, %parallel_loop3A_353, %parallel_loop3A_354 = tpu.sort %parallel_loop3A_349, %parallel_loop3A_349 masked %parallel_loop3A_351 : (vector<16xf32>, vector<16xf32>, vector<16xi1>) -> (vector<16xi1>, vector<16xf32>, vector<16xf32>)
        %parallel_loop3A_355 = arith.constant dense<true> : vector<16xi1>
        %parallel_loop3A_356, %parallel_loop3A_357, %parallel_loop3A_358 = tpu.sort %parallel_loop3A_350, %parallel_loop3A_350 masked %parallel_loop3A_355 : (vector<16xf32>, vector<16xf32>, vector<16xi1>) -> (vector<16xi1>, vector<16xf32>, vector<16xf32>)
        %parallel_loop3A_359 = arith.constant dense<true> : vector<16xi1>
        %parallel_loop3A_360, %parallel_loop3A_361, %parallel_loop3A_362 = tpu.sort %parallel_loop3A_234, %parallel_loop3A_234 masked %parallel_loop3A_359 : (vector<16xf32>, vector<16xf32>, vector<16xi1>) -> (vector<16xi1>, vector<16xf32>, vector<16xf32>)
        %parallel_loop3A_363 = arith.constant dense<true> : vector<16xi1>
        %parallel_loop3A_364, %parallel_loop3A_365, %parallel_loop3A_366 = tpu.sort %parallel_loop3A_238, %parallel_loop3A_238 masked %parallel_loop3A_363 : (vector<16xf32>, vector<16xf32>, vector<16xi1>) -> (vector<16xi1>, vector<16xf32>, vector<16xf32>)
        %parallel_loop3A_367 = arith.constant 15 : i32
        %parallel_loop3A_368 = vector.broadcast %parallel_loop3A_367 : i32 to vector<16xi32>
        %parallel_loop3A_369 = tpu.iota {dimensions = array<i32: 0>} : vector<16xi32>
        %parallel_loop3A_370 = arith.subi %parallel_loop3A_368, %parallel_loop3A_369 : vector<16xi32>
        %parallel_loop3A_371 = tpu.dynamic_gather %parallel_loop3A_365[%parallel_loop3A_370] in [0] : vector<16xf32>, vector<16xi32> -> vector<16xf32>
        %parallel_loop3A_372 = arith.minimumf %parallel_loop3A_361, %parallel_loop3A_371 : vector<16xf32>
        %parallel_loop3A_373 = arith.maximumf %parallel_loop3A_361, %parallel_loop3A_371 : vector<16xf32>
        %parallel_loop3A_374 = arith.constant dense<true> : vector<16xi1>
        %parallel_loop3A_375, %parallel_loop3A_376, %parallel_loop3A_377 = tpu.sort %parallel_loop3A_372, %parallel_loop3A_372 masked %parallel_loop3A_374 : (vector<16xf32>, vector<16xf32>, vector<16xi1>) -> (vector<16xi1>, vector<16xf32>, vector<16xf32>)
        %parallel_loop3A_378 = arith.constant dense<true> : vector<16xi1>
        %parallel_loop3A_379, %parallel_loop3A_380, %parallel_loop3A_381 = tpu.sort %parallel_loop3A_373, %parallel_loop3A_373 masked %parallel_loop3A_378 : (vector<16xf32>, vector<16xf32>, vector<16xi1>) -> (vector<16xi1>, vector<16xf32>, vector<16xf32>)
        %parallel_loop3A_382 = arith.constant dense<true> : vector<16xi1>
        %parallel_loop3A_383, %parallel_loop3A_384, %parallel_loop3A_385 = tpu.sort %parallel_loop3A_242, %parallel_loop3A_242 masked %parallel_loop3A_382 : (vector<16xf32>, vector<16xf32>, vector<16xi1>) -> (vector<16xi1>, vector<16xf32>, vector<16xf32>)
        %parallel_loop3A_386 = arith.constant dense<true> : vector<16xi1>
        %parallel_loop3A_387, %parallel_loop3A_388, %parallel_loop3A_389 = tpu.sort %parallel_loop3A_246, %parallel_loop3A_246 masked %parallel_loop3A_386 : (vector<16xf32>, vector<16xf32>, vector<16xi1>) -> (vector<16xi1>, vector<16xf32>, vector<16xf32>)
        %parallel_loop3A_390 = arith.constant 15 : i32
        %parallel_loop3A_391 = vector.broadcast %parallel_loop3A_390 : i32 to vector<16xi32>
        %parallel_loop3A_392 = tpu.iota {dimensions = array<i32: 0>} : vector<16xi32>
        %parallel_loop3A_393 = arith.subi %parallel_loop3A_391, %parallel_loop3A_392 : vector<16xi32>
        %parallel_loop3A_394 = tpu.dynamic_gather %parallel_loop3A_388[%parallel_loop3A_393] in [0] : vector<16xf32>, vector<16xi32> -> vector<16xf32>
        %parallel_loop3A_395 = arith.minimumf %parallel_loop3A_384, %parallel_loop3A_394 : vector<16xf32>
        %parallel_loop3A_396 = arith.maximumf %parallel_loop3A_384, %parallel_loop3A_394 : vector<16xf32>
        %parallel_loop3A_397 = arith.constant dense<true> : vector<16xi1>
        %parallel_loop3A_398, %parallel_loop3A_399, %parallel_loop3A_400 = tpu.sort %parallel_loop3A_396, %parallel_loop3A_396 masked %parallel_loop3A_397 : (vector<16xf32>, vector<16xf32>, vector<16xi1>) -> (vector<16xi1>, vector<16xf32>, vector<16xf32>)
        %parallel_loop3A_401 = arith.constant 15 : i32
        %parallel_loop3A_402 = vector.broadcast %parallel_loop3A_401 : i32 to vector<16xi32>
        %parallel_loop3A_403 = tpu.iota {dimensions = array<i32: 0>} : vector<16xi32>
        %parallel_loop3A_404 = arith.subi %parallel_loop3A_402, %parallel_loop3A_403 : vector<16xi32>
        %parallel_loop3A_405 = tpu.dynamic_gather %parallel_loop3A_399[%parallel_loop3A_404] in [0] : vector<16xf32>, vector<16xi32> -> vector<16xf32>
        %parallel_loop3A_406 = arith.constant dense<true> : vector<16xi1>
        %parallel_loop3A_407, %parallel_loop3A_408, %parallel_loop3A_409 = tpu.sort %parallel_loop3A_395, %parallel_loop3A_395 masked %parallel_loop3A_406 : (vector<16xf32>, vector<16xf32>, vector<16xi1>) -> (vector<16xi1>, vector<16xf32>, vector<16xf32>)
        %parallel_loop3A_410 = arith.constant 15 : i32
        %parallel_loop3A_411 = vector.broadcast %parallel_loop3A_410 : i32 to vector<16xi32>
        %parallel_loop3A_412 = tpu.iota {dimensions = array<i32: 0>} : vector<16xi32>
        %parallel_loop3A_413 = arith.subi %parallel_loop3A_411, %parallel_loop3A_412 : vector<16xi32>
        %parallel_loop3A_414 = tpu.dynamic_gather %parallel_loop3A_408[%parallel_loop3A_413] in [0] : vector<16xf32>, vector<16xi32> -> vector<16xf32>
        %parallel_loop3A_415 = arith.minimumf %parallel_loop3A_376, %parallel_loop3A_405 : vector<16xf32>
        %parallel_loop3A_416 = arith.maximumf %parallel_loop3A_376, %parallel_loop3A_405 : vector<16xf32>
        %parallel_loop3A_417 = arith.minimumf %parallel_loop3A_380, %parallel_loop3A_414 : vector<16xf32>
        %parallel_loop3A_418 = arith.maximumf %parallel_loop3A_380, %parallel_loop3A_414 : vector<16xf32>
        %parallel_loop3A_419 = arith.minimumf %parallel_loop3A_416, %parallel_loop3A_418 : vector<16xf32>
        %parallel_loop3A_420 = arith.maximumf %parallel_loop3A_416, %parallel_loop3A_418 : vector<16xf32>
        %parallel_loop3A_421 = arith.constant dense<true> : vector<16xi1>
        %parallel_loop3A_422, %parallel_loop3A_423, %parallel_loop3A_424 = tpu.sort %parallel_loop3A_420, %parallel_loop3A_420 masked %parallel_loop3A_421 : (vector<16xf32>, vector<16xf32>, vector<16xi1>) -> (vector<16xi1>, vector<16xf32>, vector<16xf32>)
        %parallel_loop3A_425 = arith.constant 15 : i32
        %parallel_loop3A_426 = vector.broadcast %parallel_loop3A_425 : i32 to vector<16xi32>
        %parallel_loop3A_427 = tpu.iota {dimensions = array<i32: 0>} : vector<16xi32>
        %parallel_loop3A_428 = arith.subi %parallel_loop3A_426, %parallel_loop3A_427 : vector<16xi32>
        %parallel_loop3A_429 = tpu.dynamic_gather %parallel_loop3A_423[%parallel_loop3A_428] in [0] : vector<16xf32>, vector<16xi32> -> vector<16xf32>
        %parallel_loop3A_430 = arith.constant dense<true> : vector<16xi1>
        %parallel_loop3A_431, %parallel_loop3A_432, %parallel_loop3A_433 = tpu.sort %parallel_loop3A_419, %parallel_loop3A_419 masked %parallel_loop3A_430 : (vector<16xf32>, vector<16xf32>, vector<16xi1>) -> (vector<16xi1>, vector<16xf32>, vector<16xf32>)
        %parallel_loop3A_434 = arith.constant 15 : i32
        %parallel_loop3A_435 = vector.broadcast %parallel_loop3A_434 : i32 to vector<16xi32>
        %parallel_loop3A_436 = tpu.iota {dimensions = array<i32: 0>} : vector<16xi32>
        %parallel_loop3A_437 = arith.subi %parallel_loop3A_435, %parallel_loop3A_436 : vector<16xi32>
        %parallel_loop3A_438 = tpu.dynamic_gather %parallel_loop3A_432[%parallel_loop3A_437] in [0] : vector<16xf32>, vector<16xi32> -> vector<16xf32>
        %parallel_loop3A_439 = arith.minimumf %parallel_loop3A_415, %parallel_loop3A_417 : vector<16xf32>
        %parallel_loop3A_440 = arith.maximumf %parallel_loop3A_415, %parallel_loop3A_417 : vector<16xf32>
        %parallel_loop3A_441 = arith.constant dense<true> : vector<16xi1>
        %parallel_loop3A_442, %parallel_loop3A_443, %parallel_loop3A_444 = tpu.sort %parallel_loop3A_440, %parallel_loop3A_440 masked %parallel_loop3A_441 : (vector<16xf32>, vector<16xf32>, vector<16xi1>) -> (vector<16xi1>, vector<16xf32>, vector<16xf32>)
        %parallel_loop3A_445 = arith.constant 15 : i32
        %parallel_loop3A_446 = vector.broadcast %parallel_loop3A_445 : i32 to vector<16xi32>
        %parallel_loop3A_447 = tpu.iota {dimensions = array<i32: 0>} : vector<16xi32>
        %parallel_loop3A_448 = arith.subi %parallel_loop3A_446, %parallel_loop3A_447 : vector<16xi32>
        %parallel_loop3A_449 = tpu.dynamic_gather %parallel_loop3A_443[%parallel_loop3A_448] in [0] : vector<16xf32>, vector<16xi32> -> vector<16xf32>
        %parallel_loop3A_450 = arith.constant dense<true> : vector<16xi1>
        %parallel_loop3A_451, %parallel_loop3A_452, %parallel_loop3A_453 = tpu.sort %parallel_loop3A_439, %parallel_loop3A_439 masked %parallel_loop3A_450 : (vector<16xf32>, vector<16xf32>, vector<16xi1>) -> (vector<16xi1>, vector<16xf32>, vector<16xf32>)
        %parallel_loop3A_454 = arith.constant 15 : i32
        %parallel_loop3A_455 = vector.broadcast %parallel_loop3A_454 : i32 to vector<16xi32>
        %parallel_loop3A_456 = tpu.iota {dimensions = array<i32: 0>} : vector<16xi32>
        %parallel_loop3A_457 = arith.subi %parallel_loop3A_455, %parallel_loop3A_456 : vector<16xi32>
        %parallel_loop3A_458 = tpu.dynamic_gather %parallel_loop3A_452[%parallel_loop3A_457] in [0] : vector<16xf32>, vector<16xi32> -> vector<16xf32>
        %parallel_loop3A_459 = arith.minimumf %parallel_loop3A_343, %parallel_loop3A_429 : vector<16xf32>
        %parallel_loop3A_460 = arith.maximumf %parallel_loop3A_343, %parallel_loop3A_429 : vector<16xf32>
        %parallel_loop3A_461 = arith.minimumf %parallel_loop3A_347, %parallel_loop3A_438 : vector<16xf32>
        %parallel_loop3A_462 = arith.maximumf %parallel_loop3A_347, %parallel_loop3A_438 : vector<16xf32>
        %parallel_loop3A_463 = arith.minimumf %parallel_loop3A_353, %parallel_loop3A_449 : vector<16xf32>
        %parallel_loop3A_464 = arith.maximumf %parallel_loop3A_353, %parallel_loop3A_449 : vector<16xf32>
        %parallel_loop3A_465 = arith.minimumf %parallel_loop3A_357, %parallel_loop3A_458 : vector<16xf32>
        %parallel_loop3A_466 = arith.maximumf %parallel_loop3A_357, %parallel_loop3A_458 : vector<16xf32>
        %parallel_loop3A_467 = arith.minimumf %parallel_loop3A_459, %parallel_loop3A_463 : vector<16xf32>
        %parallel_loop3A_468 = arith.maximumf %parallel_loop3A_459, %parallel_loop3A_463 : vector<16xf32>
        %parallel_loop3A_469 = arith.minimumf %parallel_loop3A_461, %parallel_loop3A_465 : vector<16xf32>
        %parallel_loop3A_470 = arith.maximumf %parallel_loop3A_461, %parallel_loop3A_465 : vector<16xf32>
        %parallel_loop3A_471 = arith.minimumf %parallel_loop3A_467, %parallel_loop3A_469 : vector<16xf32>
        %parallel_loop3A_472 = arith.maximumf %parallel_loop3A_467, %parallel_loop3A_469 : vector<16xf32>
        %parallel_loop3A_473 = arith.constant dense<true> : vector<16xi1>
        %parallel_loop3A_474, %parallel_loop3A_475, %parallel_loop3A_476 = tpu.sort %parallel_loop3A_471, %parallel_loop3A_471 masked %parallel_loop3A_473 : (vector<16xf32>, vector<16xf32>, vector<16xi1>) -> (vector<16xi1>, vector<16xf32>, vector<16xf32>)
        %parallel_loop3A_477 = arith.constant dense<true> : vector<16xi1>
        %parallel_loop3A_478, %parallel_loop3A_479, %parallel_loop3A_480 = tpu.sort %parallel_loop3A_472, %parallel_loop3A_472 masked %parallel_loop3A_477 : (vector<16xf32>, vector<16xf32>, vector<16xi1>) -> (vector<16xi1>, vector<16xf32>, vector<16xf32>)
        %parallel_loop3A_481 = arith.minimumf %parallel_loop3A_468, %parallel_loop3A_470 : vector<16xf32>
        %parallel_loop3A_482 = arith.maximumf %parallel_loop3A_468, %parallel_loop3A_470 : vector<16xf32>
        %parallel_loop3A_483 = arith.constant dense<true> : vector<16xi1>
        %parallel_loop3A_484, %parallel_loop3A_485, %parallel_loop3A_486 = tpu.sort %parallel_loop3A_481, %parallel_loop3A_481 masked %parallel_loop3A_483 : (vector<16xf32>, vector<16xf32>, vector<16xi1>) -> (vector<16xi1>, vector<16xf32>, vector<16xf32>)
        %parallel_loop3A_487 = arith.constant dense<true> : vector<16xi1>
        %parallel_loop3A_488, %parallel_loop3A_489, %parallel_loop3A_490 = tpu.sort %parallel_loop3A_482, %parallel_loop3A_482 masked %parallel_loop3A_487 : (vector<16xf32>, vector<16xf32>, vector<16xi1>) -> (vector<16xi1>, vector<16xf32>, vector<16xf32>)
        %parallel_loop3A_491 = arith.minimumf %parallel_loop3A_460, %parallel_loop3A_464 : vector<16xf32>
        %parallel_loop3A_492 = arith.maximumf %parallel_loop3A_460, %parallel_loop3A_464 : vector<16xf32>
        %parallel_loop3A_493 = arith.minimumf %parallel_loop3A_462, %parallel_loop3A_466 : vector<16xf32>
        %parallel_loop3A_494 = arith.maximumf %parallel_loop3A_462, %parallel_loop3A_466 : vector<16xf32>
        %parallel_loop3A_495 = arith.minimumf %parallel_loop3A_491, %parallel_loop3A_493 : vector<16xf32>
        %parallel_loop3A_496 = arith.maximumf %parallel_loop3A_491, %parallel_loop3A_493 : vector<16xf32>
        %parallel_loop3A_497 = arith.constant dense<true> : vector<16xi1>
        %parallel_loop3A_498, %parallel_loop3A_499, %parallel_loop3A_500 = tpu.sort %parallel_loop3A_495, %parallel_loop3A_495 masked %parallel_loop3A_497 : (vector<16xf32>, vector<16xf32>, vector<16xi1>) -> (vector<16xi1>, vector<16xf32>, vector<16xf32>)
        %parallel_loop3A_501 = arith.constant dense<true> : vector<16xi1>
        %parallel_loop3A_502, %parallel_loop3A_503, %parallel_loop3A_504 = tpu.sort %parallel_loop3A_496, %parallel_loop3A_496 masked %parallel_loop3A_501 : (vector<16xf32>, vector<16xf32>, vector<16xi1>) -> (vector<16xi1>, vector<16xf32>, vector<16xf32>)
        %parallel_loop3A_505 = arith.minimumf %parallel_loop3A_492, %parallel_loop3A_494 : vector<16xf32>
        %parallel_loop3A_506 = arith.maximumf %parallel_loop3A_492, %parallel_loop3A_494 : vector<16xf32>
        %parallel_loop3A_507 = arith.constant dense<true> : vector<16xi1>
        %parallel_loop3A_508, %parallel_loop3A_509, %parallel_loop3A_510 = tpu.sort %parallel_loop3A_505, %parallel_loop3A_505 masked %parallel_loop3A_507 : (vector<16xf32>, vector<16xf32>, vector<16xi1>) -> (vector<16xi1>, vector<16xf32>, vector<16xf32>)
        %parallel_loop3A_511 = arith.constant dense<true> : vector<16xi1>
        %parallel_loop3A_512, %parallel_loop3A_513, %parallel_loop3A_514 = tpu.sort %parallel_loop3A_506, %parallel_loop3A_506 masked %parallel_loop3A_511 : (vector<16xf32>, vector<16xf32>, vector<16xi1>) -> (vector<16xi1>, vector<16xf32>, vector<16xf32>)
        %parallel_loop3A_515 = arith.constant dense<true> : vector<16xi1>
        %parallel_loop3A_516, %parallel_loop3A_517, %parallel_loop3A_518 = tpu.sort %parallel_loop3A_250, %parallel_loop3A_250 masked %parallel_loop3A_515 : (vector<16xf32>, vector<16xf32>, vector<16xi1>) -> (vector<16xi1>, vector<16xf32>, vector<16xf32>)
        %parallel_loop3A_519 = arith.constant dense<true> : vector<16xi1>
        %parallel_loop3A_520, %parallel_loop3A_521, %parallel_loop3A_522 = tpu.sort %parallel_loop3A_254, %parallel_loop3A_254 masked %parallel_loop3A_519 : (vector<16xf32>, vector<16xf32>, vector<16xi1>) -> (vector<16xi1>, vector<16xf32>, vector<16xf32>)
        %parallel_loop3A_523 = arith.constant 15 : i32
        %parallel_loop3A_524 = vector.broadcast %parallel_loop3A_523 : i32 to vector<16xi32>
        %parallel_loop3A_525 = tpu.iota {dimensions = array<i32: 0>} : vector<16xi32>
        %parallel_loop3A_526 = arith.subi %parallel_loop3A_524, %parallel_loop3A_525 : vector<16xi32>
        %parallel_loop3A_527 = tpu.dynamic_gather %parallel_loop3A_521[%parallel_loop3A_526] in [0] : vector<16xf32>, vector<16xi32> -> vector<16xf32>
        %parallel_loop3A_528 = arith.minimumf %parallel_loop3A_517, %parallel_loop3A_527 : vector<16xf32>
        %parallel_loop3A_529 = arith.maximumf %parallel_loop3A_517, %parallel_loop3A_527 : vector<16xf32>
        %parallel_loop3A_530 = arith.constant dense<true> : vector<16xi1>
        %parallel_loop3A_531, %parallel_loop3A_532, %parallel_loop3A_533 = tpu.sort %parallel_loop3A_528, %parallel_loop3A_528 masked %parallel_loop3A_530 : (vector<16xf32>, vector<16xf32>, vector<16xi1>) -> (vector<16xi1>, vector<16xf32>, vector<16xf32>)
        %parallel_loop3A_534 = arith.constant dense<true> : vector<16xi1>
        %parallel_loop3A_535, %parallel_loop3A_536, %parallel_loop3A_537 = tpu.sort %parallel_loop3A_529, %parallel_loop3A_529 masked %parallel_loop3A_534 : (vector<16xf32>, vector<16xf32>, vector<16xi1>) -> (vector<16xi1>, vector<16xf32>, vector<16xf32>)
        %parallel_loop3A_538 = arith.constant dense<true> : vector<16xi1>
        %parallel_loop3A_539, %parallel_loop3A_540, %parallel_loop3A_541 = tpu.sort %parallel_loop3A_258, %parallel_loop3A_258 masked %parallel_loop3A_538 : (vector<16xf32>, vector<16xf32>, vector<16xi1>) -> (vector<16xi1>, vector<16xf32>, vector<16xf32>)
        %parallel_loop3A_542 = arith.constant dense<true> : vector<16xi1>
        %parallel_loop3A_543, %parallel_loop3A_544, %parallel_loop3A_545 = tpu.sort %parallel_loop3A_262, %parallel_loop3A_262 masked %parallel_loop3A_542 : (vector<16xf32>, vector<16xf32>, vector<16xi1>) -> (vector<16xi1>, vector<16xf32>, vector<16xf32>)
        %parallel_loop3A_546 = arith.constant 15 : i32
        %parallel_loop3A_547 = vector.broadcast %parallel_loop3A_546 : i32 to vector<16xi32>
        %parallel_loop3A_548 = tpu.iota {dimensions = array<i32: 0>} : vector<16xi32>
        %parallel_loop3A_549 = arith.subi %parallel_loop3A_547, %parallel_loop3A_548 : vector<16xi32>
        %parallel_loop3A_550 = tpu.dynamic_gather %parallel_loop3A_544[%parallel_loop3A_549] in [0] : vector<16xf32>, vector<16xi32> -> vector<16xf32>
        %parallel_loop3A_551 = arith.minimumf %parallel_loop3A_540, %parallel_loop3A_550 : vector<16xf32>
        %parallel_loop3A_552 = arith.maximumf %parallel_loop3A_540, %parallel_loop3A_550 : vector<16xf32>
        %parallel_loop3A_553 = arith.constant dense<true> : vector<16xi1>
        %parallel_loop3A_554, %parallel_loop3A_555, %parallel_loop3A_556 = tpu.sort %parallel_loop3A_552, %parallel_loop3A_552 masked %parallel_loop3A_553 : (vector<16xf32>, vector<16xf32>, vector<16xi1>) -> (vector<16xi1>, vector<16xf32>, vector<16xf32>)
        %parallel_loop3A_557 = arith.constant 15 : i32
        %parallel_loop3A_558 = vector.broadcast %parallel_loop3A_557 : i32 to vector<16xi32>
        %parallel_loop3A_559 = tpu.iota {dimensions = array<i32: 0>} : vector<16xi32>
        %parallel_loop3A_560 = arith.subi %parallel_loop3A_558, %parallel_loop3A_559 : vector<16xi32>
        %parallel_loop3A_561 = tpu.dynamic_gather %parallel_loop3A_555[%parallel_loop3A_560] in [0] : vector<16xf32>, vector<16xi32> -> vector<16xf32>
        %parallel_loop3A_562 = arith.constant dense<true> : vector<16xi1>
        %parallel_loop3A_563, %parallel_loop3A_564, %parallel_loop3A_565 = tpu.sort %parallel_loop3A_551, %parallel_loop3A_551 masked %parallel_loop3A_562 : (vector<16xf32>, vector<16xf32>, vector<16xi1>) -> (vector<16xi1>, vector<16xf32>, vector<16xf32>)
        %parallel_loop3A_566 = arith.constant 15 : i32
        %parallel_loop3A_567 = vector.broadcast %parallel_loop3A_566 : i32 to vector<16xi32>
        %parallel_loop3A_568 = tpu.iota {dimensions = array<i32: 0>} : vector<16xi32>
        %parallel_loop3A_569 = arith.subi %parallel_loop3A_567, %parallel_loop3A_568 : vector<16xi32>
        %parallel_loop3A_570 = tpu.dynamic_gather %parallel_loop3A_564[%parallel_loop3A_569] in [0] : vector<16xf32>, vector<16xi32> -> vector<16xf32>
        %parallel_loop3A_571 = arith.minimumf %parallel_loop3A_532, %parallel_loop3A_561 : vector<16xf32>
        %parallel_loop3A_572 = arith.maximumf %parallel_loop3A_532, %parallel_loop3A_561 : vector<16xf32>
        %parallel_loop3A_573 = arith.minimumf %parallel_loop3A_536, %parallel_loop3A_570 : vector<16xf32>
        %parallel_loop3A_574 = arith.maximumf %parallel_loop3A_536, %parallel_loop3A_570 : vector<16xf32>
        %parallel_loop3A_575 = arith.minimumf %parallel_loop3A_571, %parallel_loop3A_573 : vector<16xf32>
        %parallel_loop3A_576 = arith.maximumf %parallel_loop3A_571, %parallel_loop3A_573 : vector<16xf32>
        %parallel_loop3A_577 = arith.constant dense<true> : vector<16xi1>
        %parallel_loop3A_578, %parallel_loop3A_579, %parallel_loop3A_580 = tpu.sort %parallel_loop3A_575, %parallel_loop3A_575 masked %parallel_loop3A_577 : (vector<16xf32>, vector<16xf32>, vector<16xi1>) -> (vector<16xi1>, vector<16xf32>, vector<16xf32>)
        %parallel_loop3A_581 = arith.constant dense<true> : vector<16xi1>
        %parallel_loop3A_582, %parallel_loop3A_583, %parallel_loop3A_584 = tpu.sort %parallel_loop3A_576, %parallel_loop3A_576 masked %parallel_loop3A_581 : (vector<16xf32>, vector<16xf32>, vector<16xi1>) -> (vector<16xi1>, vector<16xf32>, vector<16xf32>)
        %parallel_loop3A_585 = arith.minimumf %parallel_loop3A_572, %parallel_loop3A_574 : vector<16xf32>
        %parallel_loop3A_586 = arith.maximumf %parallel_loop3A_572, %parallel_loop3A_574 : vector<16xf32>
        %parallel_loop3A_587 = arith.constant dense<true> : vector<16xi1>
        %parallel_loop3A_588, %parallel_loop3A_589, %parallel_loop3A_590 = tpu.sort %parallel_loop3A_585, %parallel_loop3A_585 masked %parallel_loop3A_587 : (vector<16xf32>, vector<16xf32>, vector<16xi1>) -> (vector<16xi1>, vector<16xf32>, vector<16xf32>)
        %parallel_loop3A_591 = arith.constant dense<true> : vector<16xi1>
        %parallel_loop3A_592, %parallel_loop3A_593, %parallel_loop3A_594 = tpu.sort %parallel_loop3A_586, %parallel_loop3A_586 masked %parallel_loop3A_591 : (vector<16xf32>, vector<16xf32>, vector<16xi1>) -> (vector<16xi1>, vector<16xf32>, vector<16xf32>)
        %parallel_loop3A_595 = arith.constant dense<true> : vector<16xi1>
        %parallel_loop3A_596, %parallel_loop3A_597, %parallel_loop3A_598 = tpu.sort %parallel_loop3A_266, %parallel_loop3A_266 masked %parallel_loop3A_595 : (vector<16xf32>, vector<16xf32>, vector<16xi1>) -> (vector<16xi1>, vector<16xf32>, vector<16xf32>)
        %parallel_loop3A_599 = arith.constant dense<true> : vector<16xi1>
        %parallel_loop3A_600, %parallel_loop3A_601, %parallel_loop3A_602 = tpu.sort %parallel_loop3A_270, %parallel_loop3A_270 masked %parallel_loop3A_599 : (vector<16xf32>, vector<16xf32>, vector<16xi1>) -> (vector<16xi1>, vector<16xf32>, vector<16xf32>)
        %parallel_loop3A_603 = arith.constant 15 : i32
        %parallel_loop3A_604 = vector.broadcast %parallel_loop3A_603 : i32 to vector<16xi32>
        %parallel_loop3A_605 = tpu.iota {dimensions = array<i32: 0>} : vector<16xi32>
        %parallel_loop3A_606 = arith.subi %parallel_loop3A_604, %parallel_loop3A_605 : vector<16xi32>
        %parallel_loop3A_607 = tpu.dynamic_gather %parallel_loop3A_601[%parallel_loop3A_606] in [0] : vector<16xf32>, vector<16xi32> -> vector<16xf32>
        %parallel_loop3A_608 = arith.minimumf %parallel_loop3A_597, %parallel_loop3A_607 : vector<16xf32>
        %parallel_loop3A_609 = arith.maximumf %parallel_loop3A_597, %parallel_loop3A_607 : vector<16xf32>
        %parallel_loop3A_610 = arith.constant dense<true> : vector<16xi1>
        %parallel_loop3A_611, %parallel_loop3A_612, %parallel_loop3A_613 = tpu.sort %parallel_loop3A_608, %parallel_loop3A_608 masked %parallel_loop3A_610 : (vector<16xf32>, vector<16xf32>, vector<16xi1>) -> (vector<16xi1>, vector<16xf32>, vector<16xf32>)
        %parallel_loop3A_614 = arith.constant dense<true> : vector<16xi1>
        %parallel_loop3A_615, %parallel_loop3A_616, %parallel_loop3A_617 = tpu.sort %parallel_loop3A_609, %parallel_loop3A_609 masked %parallel_loop3A_614 : (vector<16xf32>, vector<16xf32>, vector<16xi1>) -> (vector<16xi1>, vector<16xf32>, vector<16xf32>)
        %parallel_loop3A_618 = arith.constant dense<true> : vector<16xi1>
        %parallel_loop3A_619, %parallel_loop3A_620, %parallel_loop3A_621 = tpu.sort %parallel_loop3A_274, %parallel_loop3A_274 masked %parallel_loop3A_618 : (vector<16xf32>, vector<16xf32>, vector<16xi1>) -> (vector<16xi1>, vector<16xf32>, vector<16xf32>)
        %parallel_loop3A_622 = arith.constant dense<true> : vector<16xi1>
        %parallel_loop3A_623, %parallel_loop3A_624, %parallel_loop3A_625 = tpu.sort %parallel_loop3A_278, %parallel_loop3A_278 masked %parallel_loop3A_622 : (vector<16xf32>, vector<16xf32>, vector<16xi1>) -> (vector<16xi1>, vector<16xf32>, vector<16xf32>)
        %parallel_loop3A_626 = arith.constant 15 : i32
        %parallel_loop3A_627 = vector.broadcast %parallel_loop3A_626 : i32 to vector<16xi32>
        %parallel_loop3A_628 = tpu.iota {dimensions = array<i32: 0>} : vector<16xi32>
        %parallel_loop3A_629 = arith.subi %parallel_loop3A_627, %parallel_loop3A_628 : vector<16xi32>
        %parallel_loop3A_630 = tpu.dynamic_gather %parallel_loop3A_624[%parallel_loop3A_629] in [0] : vector<16xf32>, vector<16xi32> -> vector<16xf32>
        %parallel_loop3A_631 = arith.minimumf %parallel_loop3A_620, %parallel_loop3A_630 : vector<16xf32>
        %parallel_loop3A_632 = arith.maximumf %parallel_loop3A_620, %parallel_loop3A_630 : vector<16xf32>
        %parallel_loop3A_633 = arith.constant dense<true> : vector<16xi1>
        %parallel_loop3A_634, %parallel_loop3A_635, %parallel_loop3A_636 = tpu.sort %parallel_loop3A_632, %parallel_loop3A_632 masked %parallel_loop3A_633 : (vector<16xf32>, vector<16xf32>, vector<16xi1>) -> (vector<16xi1>, vector<16xf32>, vector<16xf32>)
        %parallel_loop3A_637 = arith.constant 15 : i32
        %parallel_loop3A_638 = vector.broadcast %parallel_loop3A_637 : i32 to vector<16xi32>
        %parallel_loop3A_639 = tpu.iota {dimensions = array<i32: 0>} : vector<16xi32>
        %parallel_loop3A_640 = arith.subi %parallel_loop3A_638, %parallel_loop3A_639 : vector<16xi32>
        %parallel_loop3A_641 = tpu.dynamic_gather %parallel_loop3A_635[%parallel_loop3A_640] in [0] : vector<16xf32>, vector<16xi32> -> vector<16xf32>
        %parallel_loop3A_642 = arith.constant dense<true> : vector<16xi1>
        %parallel_loop3A_643, %parallel_loop3A_644, %parallel_loop3A_645 = tpu.sort %parallel_loop3A_631, %parallel_loop3A_631 masked %parallel_loop3A_642 : (vector<16xf32>, vector<16xf32>, vector<16xi1>) -> (vector<16xi1>, vector<16xf32>, vector<16xf32>)
        %parallel_loop3A_646 = arith.constant 15 : i32
        %parallel_loop3A_647 = vector.broadcast %parallel_loop3A_646 : i32 to vector<16xi32>
        %parallel_loop3A_648 = tpu.iota {dimensions = array<i32: 0>} : vector<16xi32>
        %parallel_loop3A_649 = arith.subi %parallel_loop3A_647, %parallel_loop3A_648 : vector<16xi32>
        %parallel_loop3A_650 = tpu.dynamic_gather %parallel_loop3A_644[%parallel_loop3A_649] in [0] : vector<16xf32>, vector<16xi32> -> vector<16xf32>
        %parallel_loop3A_651 = arith.minimumf %parallel_loop3A_612, %parallel_loop3A_641 : vector<16xf32>
        %parallel_loop3A_652 = arith.maximumf %parallel_loop3A_612, %parallel_loop3A_641 : vector<16xf32>
        %parallel_loop3A_653 = arith.minimumf %parallel_loop3A_616, %parallel_loop3A_650 : vector<16xf32>
        %parallel_loop3A_654 = arith.maximumf %parallel_loop3A_616, %parallel_loop3A_650 : vector<16xf32>
        %parallel_loop3A_655 = arith.minimumf %parallel_loop3A_652, %parallel_loop3A_654 : vector<16xf32>
        %parallel_loop3A_656 = arith.maximumf %parallel_loop3A_652, %parallel_loop3A_654 : vector<16xf32>
        %parallel_loop3A_657 = arith.constant dense<true> : vector<16xi1>
        %parallel_loop3A_658, %parallel_loop3A_659, %parallel_loop3A_660 = tpu.sort %parallel_loop3A_656, %parallel_loop3A_656 masked %parallel_loop3A_657 : (vector<16xf32>, vector<16xf32>, vector<16xi1>) -> (vector<16xi1>, vector<16xf32>, vector<16xf32>)
        %parallel_loop3A_661 = arith.constant 15 : i32
        %parallel_loop3A_662 = vector.broadcast %parallel_loop3A_661 : i32 to vector<16xi32>
        %parallel_loop3A_663 = tpu.iota {dimensions = array<i32: 0>} : vector<16xi32>
        %parallel_loop3A_664 = arith.subi %parallel_loop3A_662, %parallel_loop3A_663 : vector<16xi32>
        %parallel_loop3A_665 = tpu.dynamic_gather %parallel_loop3A_659[%parallel_loop3A_664] in [0] : vector<16xf32>, vector<16xi32> -> vector<16xf32>
        %parallel_loop3A_666 = arith.constant dense<true> : vector<16xi1>
        %parallel_loop3A_667, %parallel_loop3A_668, %parallel_loop3A_669 = tpu.sort %parallel_loop3A_655, %parallel_loop3A_655 masked %parallel_loop3A_666 : (vector<16xf32>, vector<16xf32>, vector<16xi1>) -> (vector<16xi1>, vector<16xf32>, vector<16xf32>)
        %parallel_loop3A_670 = arith.constant 15 : i32
        %parallel_loop3A_671 = vector.broadcast %parallel_loop3A_670 : i32 to vector<16xi32>
        %parallel_loop3A_672 = tpu.iota {dimensions = array<i32: 0>} : vector<16xi32>
        %parallel_loop3A_673 = arith.subi %parallel_loop3A_671, %parallel_loop3A_672 : vector<16xi32>
        %parallel_loop3A_674 = tpu.dynamic_gather %parallel_loop3A_668[%parallel_loop3A_673] in [0] : vector<16xf32>, vector<16xi32> -> vector<16xf32>
        %parallel_loop3A_675 = arith.minimumf %parallel_loop3A_651, %parallel_loop3A_653 : vector<16xf32>
        %parallel_loop3A_676 = arith.maximumf %parallel_loop3A_651, %parallel_loop3A_653 : vector<16xf32>
        %parallel_loop3A_677 = arith.constant dense<true> : vector<16xi1>
        %parallel_loop3A_678, %parallel_loop3A_679, %parallel_loop3A_680 = tpu.sort %parallel_loop3A_676, %parallel_loop3A_676 masked %parallel_loop3A_677 : (vector<16xf32>, vector<16xf32>, vector<16xi1>) -> (vector<16xi1>, vector<16xf32>, vector<16xf32>)
        %parallel_loop3A_681 = arith.constant 15 : i32
        %parallel_loop3A_682 = vector.broadcast %parallel_loop3A_681 : i32 to vector<16xi32>
        %parallel_loop3A_683 = tpu.iota {dimensions = array<i32: 0>} : vector<16xi32>
        %parallel_loop3A_684 = arith.subi %parallel_loop3A_682, %parallel_loop3A_683 : vector<16xi32>
        %parallel_loop3A_685 = tpu.dynamic_gather %parallel_loop3A_679[%parallel_loop3A_684] in [0] : vector<16xf32>, vector<16xi32> -> vector<16xf32>
        %parallel_loop3A_686 = arith.constant dense<true> : vector<16xi1>
        %parallel_loop3A_687, %parallel_loop3A_688, %parallel_loop3A_689 = tpu.sort %parallel_loop3A_675, %parallel_loop3A_675 masked %parallel_loop3A_686 : (vector<16xf32>, vector<16xf32>, vector<16xi1>) -> (vector<16xi1>, vector<16xf32>, vector<16xf32>)
        %parallel_loop3A_690 = arith.constant 15 : i32
        %parallel_loop3A_691 = vector.broadcast %parallel_loop3A_690 : i32 to vector<16xi32>
        %parallel_loop3A_692 = tpu.iota {dimensions = array<i32: 0>} : vector<16xi32>
        %parallel_loop3A_693 = arith.subi %parallel_loop3A_691, %parallel_loop3A_692 : vector<16xi32>
        %parallel_loop3A_694 = tpu.dynamic_gather %parallel_loop3A_688[%parallel_loop3A_693] in [0] : vector<16xf32>, vector<16xi32> -> vector<16xf32>
        %parallel_loop3A_695 = arith.minimumf %parallel_loop3A_579, %parallel_loop3A_665 : vector<16xf32>
        %parallel_loop3A_696 = arith.maximumf %parallel_loop3A_579, %parallel_loop3A_665 : vector<16xf32>
        %parallel_loop3A_697 = arith.minimumf %parallel_loop3A_583, %parallel_loop3A_674 : vector<16xf32>
        %parallel_loop3A_698 = arith.maximumf %parallel_loop3A_583, %parallel_loop3A_674 : vector<16xf32>
        %parallel_loop3A_699 = arith.minimumf %parallel_loop3A_589, %parallel_loop3A_685 : vector<16xf32>
        %parallel_loop3A_700 = arith.maximumf %parallel_loop3A_589, %parallel_loop3A_685 : vector<16xf32>
        %parallel_loop3A_701 = arith.minimumf %parallel_loop3A_593, %parallel_loop3A_694 : vector<16xf32>
        %parallel_loop3A_702 = arith.maximumf %parallel_loop3A_593, %parallel_loop3A_694 : vector<16xf32>
        %parallel_loop3A_703 = arith.minimumf %parallel_loop3A_696, %parallel_loop3A_700 : vector<16xf32>
        %parallel_loop3A_704 = arith.maximumf %parallel_loop3A_696, %parallel_loop3A_700 : vector<16xf32>
        %parallel_loop3A_705 = arith.minimumf %parallel_loop3A_698, %parallel_loop3A_702 : vector<16xf32>
        %parallel_loop3A_706 = arith.maximumf %parallel_loop3A_698, %parallel_loop3A_702 : vector<16xf32>
        %parallel_loop3A_707 = arith.minimumf %parallel_loop3A_704, %parallel_loop3A_706 : vector<16xf32>
        %parallel_loop3A_708 = arith.maximumf %parallel_loop3A_704, %parallel_loop3A_706 : vector<16xf32>
        %parallel_loop3A_709 = arith.constant dense<true> : vector<16xi1>
        %parallel_loop3A_710, %parallel_loop3A_711, %parallel_loop3A_712 = tpu.sort %parallel_loop3A_708, %parallel_loop3A_708 masked %parallel_loop3A_709 : (vector<16xf32>, vector<16xf32>, vector<16xi1>) -> (vector<16xi1>, vector<16xf32>, vector<16xf32>)
        %parallel_loop3A_713 = arith.constant 15 : i32
        %parallel_loop3A_714 = vector.broadcast %parallel_loop3A_713 : i32 to vector<16xi32>
        %parallel_loop3A_715 = tpu.iota {dimensions = array<i32: 0>} : vector<16xi32>
        %parallel_loop3A_716 = arith.subi %parallel_loop3A_714, %parallel_loop3A_715 : vector<16xi32>
        %parallel_loop3A_717 = tpu.dynamic_gather %parallel_loop3A_711[%parallel_loop3A_716] in [0] : vector<16xf32>, vector<16xi32> -> vector<16xf32>
        %parallel_loop3A_718 = arith.constant dense<true> : vector<16xi1>
        %parallel_loop3A_719, %parallel_loop3A_720, %parallel_loop3A_721 = tpu.sort %parallel_loop3A_707, %parallel_loop3A_707 masked %parallel_loop3A_718 : (vector<16xf32>, vector<16xf32>, vector<16xi1>) -> (vector<16xi1>, vector<16xf32>, vector<16xf32>)
        %parallel_loop3A_722 = arith.constant 15 : i32
        %parallel_loop3A_723 = vector.broadcast %parallel_loop3A_722 : i32 to vector<16xi32>
        %parallel_loop3A_724 = tpu.iota {dimensions = array<i32: 0>} : vector<16xi32>
        %parallel_loop3A_725 = arith.subi %parallel_loop3A_723, %parallel_loop3A_724 : vector<16xi32>
        %parallel_loop3A_726 = tpu.dynamic_gather %parallel_loop3A_720[%parallel_loop3A_725] in [0] : vector<16xf32>, vector<16xi32> -> vector<16xf32>
        %parallel_loop3A_727 = arith.minimumf %parallel_loop3A_703, %parallel_loop3A_705 : vector<16xf32>
        %parallel_loop3A_728 = arith.maximumf %parallel_loop3A_703, %parallel_loop3A_705 : vector<16xf32>
        %parallel_loop3A_729 = arith.constant dense<true> : vector<16xi1>
        %parallel_loop3A_730, %parallel_loop3A_731, %parallel_loop3A_732 = tpu.sort %parallel_loop3A_728, %parallel_loop3A_728 masked %parallel_loop3A_729 : (vector<16xf32>, vector<16xf32>, vector<16xi1>) -> (vector<16xi1>, vector<16xf32>, vector<16xf32>)
        %parallel_loop3A_733 = arith.constant 15 : i32
        %parallel_loop3A_734 = vector.broadcast %parallel_loop3A_733 : i32 to vector<16xi32>
        %parallel_loop3A_735 = tpu.iota {dimensions = array<i32: 0>} : vector<16xi32>
        %parallel_loop3A_736 = arith.subi %parallel_loop3A_734, %parallel_loop3A_735 : vector<16xi32>
        %parallel_loop3A_737 = tpu.dynamic_gather %parallel_loop3A_731[%parallel_loop3A_736] in [0] : vector<16xf32>, vector<16xi32> -> vector<16xf32>
        %parallel_loop3A_738 = arith.constant dense<true> : vector<16xi1>
        %parallel_loop3A_739, %parallel_loop3A_740, %parallel_loop3A_741 = tpu.sort %parallel_loop3A_727, %parallel_loop3A_727 masked %parallel_loop3A_738 : (vector<16xf32>, vector<16xf32>, vector<16xi1>) -> (vector<16xi1>, vector<16xf32>, vector<16xf32>)
        %parallel_loop3A_742 = arith.constant 15 : i32
        %parallel_loop3A_743 = vector.broadcast %parallel_loop3A_742 : i32 to vector<16xi32>
        %parallel_loop3A_744 = tpu.iota {dimensions = array<i32: 0>} : vector<16xi32>
        %parallel_loop3A_745 = arith.subi %parallel_loop3A_743, %parallel_loop3A_744 : vector<16xi32>
        %parallel_loop3A_746 = tpu.dynamic_gather %parallel_loop3A_740[%parallel_loop3A_745] in [0] : vector<16xf32>, vector<16xi32> -> vector<16xf32>
        %parallel_loop3A_747 = arith.minimumf %parallel_loop3A_695, %parallel_loop3A_699 : vector<16xf32>
        %parallel_loop3A_748 = arith.maximumf %parallel_loop3A_695, %parallel_loop3A_699 : vector<16xf32>
        %parallel_loop3A_749 = arith.minimumf %parallel_loop3A_697, %parallel_loop3A_701 : vector<16xf32>
        %parallel_loop3A_750 = arith.maximumf %parallel_loop3A_697, %parallel_loop3A_701 : vector<16xf32>
        %parallel_loop3A_751 = arith.minimumf %parallel_loop3A_748, %parallel_loop3A_750 : vector<16xf32>
        %parallel_loop3A_752 = arith.maximumf %parallel_loop3A_748, %parallel_loop3A_750 : vector<16xf32>
        %parallel_loop3A_753 = arith.constant dense<true> : vector<16xi1>
        %parallel_loop3A_754, %parallel_loop3A_755, %parallel_loop3A_756 = tpu.sort %parallel_loop3A_752, %parallel_loop3A_752 masked %parallel_loop3A_753 : (vector<16xf32>, vector<16xf32>, vector<16xi1>) -> (vector<16xi1>, vector<16xf32>, vector<16xf32>)
        %parallel_loop3A_757 = arith.constant 15 : i32
        %parallel_loop3A_758 = vector.broadcast %parallel_loop3A_757 : i32 to vector<16xi32>
        %parallel_loop3A_759 = tpu.iota {dimensions = array<i32: 0>} : vector<16xi32>
        %parallel_loop3A_760 = arith.subi %parallel_loop3A_758, %parallel_loop3A_759 : vector<16xi32>
        %parallel_loop3A_761 = tpu.dynamic_gather %parallel_loop3A_755[%parallel_loop3A_760] in [0] : vector<16xf32>, vector<16xi32> -> vector<16xf32>
        %parallel_loop3A_762 = arith.constant dense<true> : vector<16xi1>
        %parallel_loop3A_763, %parallel_loop3A_764, %parallel_loop3A_765 = tpu.sort %parallel_loop3A_751, %parallel_loop3A_751 masked %parallel_loop3A_762 : (vector<16xf32>, vector<16xf32>, vector<16xi1>) -> (vector<16xi1>, vector<16xf32>, vector<16xf32>)
        %parallel_loop3A_766 = arith.constant 15 : i32
        %parallel_loop3A_767 = vector.broadcast %parallel_loop3A_766 : i32 to vector<16xi32>
        %parallel_loop3A_768 = tpu.iota {dimensions = array<i32: 0>} : vector<16xi32>
        %parallel_loop3A_769 = arith.subi %parallel_loop3A_767, %parallel_loop3A_768 : vector<16xi32>
        %parallel_loop3A_770 = tpu.dynamic_gather %parallel_loop3A_764[%parallel_loop3A_769] in [0] : vector<16xf32>, vector<16xi32> -> vector<16xf32>
        %parallel_loop3A_771 = arith.minimumf %parallel_loop3A_747, %parallel_loop3A_749 : vector<16xf32>
        %parallel_loop3A_772 = arith.maximumf %parallel_loop3A_747, %parallel_loop3A_749 : vector<16xf32>
        %parallel_loop3A_773 = arith.constant dense<true> : vector<16xi1>
        %parallel_loop3A_774, %parallel_loop3A_775, %parallel_loop3A_776 = tpu.sort %parallel_loop3A_772, %parallel_loop3A_772 masked %parallel_loop3A_773 : (vector<16xf32>, vector<16xf32>, vector<16xi1>) -> (vector<16xi1>, vector<16xf32>, vector<16xf32>)
        %parallel_loop3A_777 = arith.constant 15 : i32
        %parallel_loop3A_778 = vector.broadcast %parallel_loop3A_777 : i32 to vector<16xi32>
        %parallel_loop3A_779 = tpu.iota {dimensions = array<i32: 0>} : vector<16xi32>
        %parallel_loop3A_780 = arith.subi %parallel_loop3A_778, %parallel_loop3A_779 : vector<16xi32>
        %parallel_loop3A_781 = tpu.dynamic_gather %parallel_loop3A_775[%parallel_loop3A_780] in [0] : vector<16xf32>, vector<16xi32> -> vector<16xf32>
        %parallel_loop3A_782 = arith.constant dense<true> : vector<16xi1>
        %parallel_loop3A_783, %parallel_loop3A_784, %parallel_loop3A_785 = tpu.sort %parallel_loop3A_771, %parallel_loop3A_771 masked %parallel_loop3A_782 : (vector<16xf32>, vector<16xf32>, vector<16xi1>) -> (vector<16xi1>, vector<16xf32>, vector<16xf32>)
        %parallel_loop3A_786 = arith.constant 15 : i32
        %parallel_loop3A_787 = vector.broadcast %parallel_loop3A_786 : i32 to vector<16xi32>
        %parallel_loop3A_788 = tpu.iota {dimensions = array<i32: 0>} : vector<16xi32>
        %parallel_loop3A_789 = arith.subi %parallel_loop3A_787, %parallel_loop3A_788 : vector<16xi32>
        %parallel_loop3A_790 = tpu.dynamic_gather %parallel_loop3A_784[%parallel_loop3A_789] in [0] : vector<16xf32>, vector<16xi32> -> vector<16xf32>
        %parallel_loop3A_791 = arith.maximumf %parallel_loop3A_475, %parallel_loop3A_717 : vector<16xf32>
        %parallel_loop3A_792 = arith.maximumf %parallel_loop3A_479, %parallel_loop3A_726 : vector<16xf32>
        %parallel_loop3A_793 = arith.minimumf %parallel_loop3A_791, %parallel_loop3A_792 : vector<16xf32>
        %parallel_loop3A_794 = arith.maximumf %parallel_loop3A_485, %parallel_loop3A_737 : vector<16xf32>
        %parallel_loop3A_795 = arith.minimumf %parallel_loop3A_793, %parallel_loop3A_794 : vector<16xf32>
        %parallel_loop3A_796 = arith.maximumf %parallel_loop3A_489, %parallel_loop3A_746 : vector<16xf32>
        %parallel_loop3A_797 = arith.minimumf %parallel_loop3A_795, %parallel_loop3A_796 : vector<16xf32>
        %parallel_loop3A_798 = arith.maximumf %parallel_loop3A_499, %parallel_loop3A_761 : vector<16xf32>
        %parallel_loop3A_799 = arith.minimumf %parallel_loop3A_797, %parallel_loop3A_798 : vector<16xf32>
        %parallel_loop3A_800 = arith.maximumf %parallel_loop3A_503, %parallel_loop3A_770 : vector<16xf32>
        %parallel_loop3A_801 = arith.minimumf %parallel_loop3A_799, %parallel_loop3A_800 : vector<16xf32>
        %parallel_loop3A_802 = arith.maximumf %parallel_loop3A_509, %parallel_loop3A_781 : vector<16xf32>
        %parallel_loop3A_803 = arith.minimumf %parallel_loop3A_801, %parallel_loop3A_802 : vector<16xf32>
        %parallel_loop3A_804 = arith.maximumf %parallel_loop3A_513, %parallel_loop3A_790 : vector<16xf32>
        %parallel_loop3A_805 = arith.minimumf %parallel_loop3A_803, %parallel_loop3A_804 : vector<16xf32>
        %parallel_loop3A_806 = arith.constant true
        %parallel_loop3A_807 = vector.broadcast %parallel_loop3A_806 : i1 to vector<16xi1>
        %parallel_loop3A_808 = tpu.scan <min>, %parallel_loop3A_805 masked %parallel_loop3A_807 : vector<16xf32>, vector<16xi1> -> vector<16xf32>
        %parallel_loop3A_809 = vector.extract %parallel_loop3A_808[15] : f32 from vector<16xf32>
        %parallel_loop3A_810 = vector.broadcast %parallel_loop3A_809 : f32 to vector<16xf32>
        tpu.vector_store_idx %arg6[%parallel_loop3A_214], %parallel_loop3A_810 masked %eq3A_4 : memref<128xf32, #tpu.memory_space<vmem>>[vector<16xi32>], vector<16xf32>, vector<16xi1>
      } {sc.loop_unroll_factor = 2 : i64, sc.parallel_access}
      %mul3A_152 = arith.constant 128 : i32
      %mul3A_153 = arith.muli %select_n3A_149, %mul3A_152 : i32
      "tpu.region"() ({
        %run_scoped3A = tpu.sem_alloc : memref<!tpu.dma_semaphore, #tpu.memory_space<semaphore_mem>>
        %dma_start3A_213 = tpu.memref_slice %arg3[%select_n3A_133, %mul3A_153] : memref<64x768xf32, #tpu.memory_space<hbm>> -> memref<1x128xf32, #tpu.memory_space<hbm>>
        %dma_start3A_214 = tpu.memref_squeeze %dma_start3A_213 : memref<1x128xf32, #tpu.memory_space<hbm>> -> memref<128xf32, #tpu.memory_space<hbm>>
        %dma_start3A_215 = tpu.memref_slice %arg3[%select_n3A_133, %mul3A_153] : memref<64x768xf32, #tpu.memory_space<hbm>> -> memref<1x128xf32, #tpu.memory_space<hbm>>
        %dma_start3A_216 = tpu.memref_squeeze %dma_start3A_215 : memref<1x128xf32, #tpu.memory_space<hbm>> -> memref<128xf32, #tpu.memory_space<hbm>>
        tpu.enqueue_dma source(%arg6 : memref<128xf32, #tpu.memory_space<vmem>>) target(%dma_start3A_216 : memref<128xf32, #tpu.memory_space<hbm>>) target_semaphore(%run_scoped3A : memref<!tpu.dma_semaphore, #tpu.memory_space<semaphore_mem>>)
        %dma_wait3A_217 = tpu.memref_slice %arg3[%select_n3A_133, %mul3A_153] : memref<64x768xf32, #tpu.memory_space<hbm>> -> memref<1x128xf32, #tpu.memory_space<hbm>>
        %dma_wait3A_218 = tpu.memref_squeeze %dma_wait3A_217 : memref<1x128xf32, #tpu.memory_space<hbm>> -> memref<128xf32, #tpu.memory_space<hbm>>
        %dma_wait3A_219 = tpu.memref_slice %arg3[%select_n3A_133, %mul3A_153] : memref<64x768xf32, #tpu.memory_space<hbm>> -> memref<1x128xf32, #tpu.memory_space<hbm>>
        %dma_wait3A_220 = tpu.memref_squeeze %dma_wait3A_219 : memref<1x128xf32, #tpu.memory_space<hbm>> -> memref<128xf32, #tpu.memory_space<hbm>>
        tpu.wait_dma2 semaphore(%run_scoped3A : memref<!tpu.dma_semaphore, #tpu.memory_space<semaphore_mem>>) src(%arg6 : memref<128xf32, #tpu.memory_space<vmem>>) dst(%dma_wait3A_220 : memref<128xf32, #tpu.memory_space<hbm>>)
        tpu.yield
      }) : () -> ()
      %lt3A_154 = arith.constant 5 : i32
      %lt3A_155 = arith.cmpi slt, %scan3A_48, %lt3A_154 : i32
      %convert_element_type3A = arith.extui %lt3A_155 : i1 to i32
      %cond3A = arith.constant 0 : i32
      %cond3A_156 = arith.cmpi ne, %convert_element_type3A, %cond3A : i32
      scf.if %cond3A_156 {
        %add3A_213 = arith.constant 2 : i32
        %add3A_214 = arith.addi %add3A_51, %add3A_213 : i32
        %jit3A_215 = arith.constant 6 : i32
        %div3A_216 = arith.divsi %add3A_214, %jit3A_215 : i32
        %sign3A_217 = arith.constant 0 : i32
        %sign3A_218 = arith.cmpi sgt, %add3A_214, %sign3A_217 : i32
        %sign3A_219 = arith.extui %sign3A_218 : i1 to i32
        %sign3A_220 = arith.constant 0 : i32
        %sign3A_221 = arith.cmpi slt, %add3A_214, %sign3A_220 : i32
        %sign3A_222 = arith.extui %sign3A_221 : i1 to i32
        %sign3A_223 = arith.subi %sign3A_219, %sign3A_222 : i32
        %sign3A_224 = arith.constant 0 : i32
        %sign3A_225 = arith.cmpi sgt, %jit3A_215, %sign3A_224 : i32
        %sign3A_226 = arith.extui %sign3A_225 : i1 to i32
        %sign3A_227 = arith.constant 0 : i32
        %sign3A_228 = arith.cmpi slt, %jit3A_215, %sign3A_227 : i32
        %sign3A_229 = arith.extui %sign3A_228 : i1 to i32
        %sign3A_230 = arith.subi %sign3A_226, %sign3A_229 : i32
        %ne3A_231 = arith.cmpi ne, %sign3A_223, %sign3A_230 : i32
        %rem3A_232 = arith.remsi %add3A_214, %jit3A_215 : i32
        %ne3A_233 = arith.constant 0 : i32
        %ne3A_234 = arith.cmpi ne, %rem3A_232, %ne3A_233 : i32
        %and3A_235 = arith.andi %ne3A_231, %ne3A_234 : i1
        %sub3A_236 = arith.constant 1 : i32
        %sub3A_237 = arith.subi %div3A_216, %sub3A_236 : i32
        %select_n3A_238 = arith.select %and3A_235, %sub3A_237, %div3A_216 : i32
        %jit3A_239 = arith.constant 6 : i32
        %eq3A_240 = arith.constant 0 : i32
        %eq3A_241 = arith.cmpi eq, %jit3A_239, %eq3A_240 : i32
        %jit3A_242 = arith.constant 1 : i32
        %select_n3A_243 = arith.select %eq3A_241, %jit3A_242, %jit3A_239 : i32
        %rem3A_244 = arith.remsi %add3A_214, %select_n3A_243 : i32
        %ne3A_245 = arith.constant 0 : i32
        %ne3A_246 = arith.cmpi ne, %rem3A_244, %ne3A_245 : i32
        %lt3A_247 = arith.constant 0 : i32
        %lt3A_248 = arith.cmpi slt, %rem3A_244, %lt3A_247 : i32
        %lt3A_249 = arith.constant 0 : i32
        %lt3A_250 = arith.cmpi slt, %select_n3A_243, %lt3A_249 : i32
        %ne3A_251 = arith.xori %lt3A_248, %lt3A_250 : i1
        %and3A_252 = arith.andi %ne3A_251, %ne3A_246 : i1
        %add3A_253 = arith.addi %rem3A_244, %select_n3A_243 : i32
        %select_n3A_254 = arith.select %and3A_252, %add3A_253, %rem3A_244 : i32
        %mul3A_255 = arith.constant 128 : i32
        %mul3A_256 = arith.muli %select_n3A_254, %mul3A_255 : i32
        %dma_start3A_257 = arith.constant 0 : i32
        %dma_start3A_258 = tpu.memref_slice %arg2[%select_n3A_238, %dma_start3A_257, %mul3A_256] : memref<64x256x768xf32, #tpu.memory_space<hbm>> -> memref<1x256x128xf32, #tpu.memory_space<hbm>>
        %dma_start3A_259 = tpu.memref_squeeze %dma_start3A_258 : memref<1x256x128xf32, #tpu.memory_space<hbm>> -> memref<256x128xf32, #tpu.memory_space<hbm>>
        %dma_start3A_260 = arith.constant 0 : i32
        %dma_start3A_261 = tpu.memref_slice %arg2[%select_n3A_238, %dma_start3A_260, %mul3A_256] : memref<64x256x768xf32, #tpu.memory_space<hbm>> -> memref<1x256x128xf32, #tpu.memory_space<hbm>>
        %dma_start3A_262 = tpu.memref_squeeze %dma_start3A_261 : memref<1x256x128xf32, #tpu.memory_space<hbm>> -> memref<256x128xf32, #tpu.memory_space<hbm>>
        tpu.enqueue_dma source(%dma_start3A_262 : memref<256x128xf32, #tpu.memory_space<hbm>>) target(%arg4 : memref<256x128xf32, #tpu.memory_space<vmem>>) target_semaphore(%arg7 : memref<!tpu.dma_semaphore, #tpu.memory_space<semaphore_mem>>)
      } else {
      }
      %dma_wait3A_157 = arith.constant 0 : i32
      %dma_wait3A_158 = arith.constant 0 : i32
      %dma_wait3A_159 = arith.constant 0 : i32
      %dma_wait3A_160 = tpu.memref_slice %arg2[%dma_wait3A_157, %dma_wait3A_158, %dma_wait3A_159] : memref<64x256x768xf32, #tpu.memory_space<hbm>> -> memref<1x256x128xf32, #tpu.memory_space<hbm>>
      %dma_wait3A_161 = tpu.memref_squeeze %dma_wait3A_160 : memref<1x256x128xf32, #tpu.memory_space<hbm>> -> memref<256x128xf32, #tpu.memory_space<hbm>>
      %dma_wait3A_162 = arith.constant 0 : i32
      %dma_wait3A_163 = arith.constant 0 : i32
      %dma_wait3A_164 = tpu.memref_slice %arg2[%dma_wait3A_157, %dma_wait3A_162, %dma_wait3A_163] : memref<64x256x768xf32, #tpu.memory_space<hbm>> -> memref<1x256x128xf32, #tpu.memory_space<hbm>>
      %dma_wait3A_165 = tpu.memref_squeeze %dma_wait3A_164 : memref<1x256x128xf32, #tpu.memory_space<hbm>> -> memref<256x128xf32, #tpu.memory_space<hbm>>
      tpu.wait_dma2 semaphore(%arg8 : memref<!tpu.dma_semaphore, #tpu.memory_space<semaphore_mem>>) src(%dma_wait3A_165 : memref<256x128xf32, #tpu.memory_space<hbm>>) dst(%arg5 : memref<256x128xf32, #tpu.memory_space<vmem>>)
      %add3A_166 = arith.constant 1 : i32
      %add3A_167 = arith.addi %add3A_51, %add3A_166 : i32
      %jit3A_168 = arith.constant 6 : i32
      %div3A_169 = arith.divsi %add3A_167, %jit3A_168 : i32
      %sign3A_170 = arith.constant 0 : i32
      %sign3A_171 = arith.cmpi sgt, %add3A_167, %sign3A_170 : i32
      %sign3A_172 = arith.extui %sign3A_171 : i1 to i32
      %sign3A_173 = arith.constant 0 : i32
      %sign3A_174 = arith.cmpi slt, %add3A_167, %sign3A_173 : i32
      %sign3A_175 = arith.extui %sign3A_174 : i1 to i32
      %sign3A_176 = arith.subi %sign3A_172, %sign3A_175 : i32
      %sign3A_177 = arith.constant 0 : i32
      %sign3A_178 = arith.cmpi sgt, %jit3A_168, %sign3A_177 : i32
      %sign3A_179 = arith.extui %sign3A_178 : i1 to i32
      %sign3A_180 = arith.constant 0 : i32
      %sign3A_181 = arith.cmpi slt, %jit3A_168, %sign3A_180 : i32
      %sign3A_182 = arith.extui %sign3A_181 : i1 to i32
      %sign3A_183 = arith.subi %sign3A_179, %sign3A_182 : i32
      %ne3A_184 = arith.cmpi ne, %sign3A_176, %sign3A_183 : i32
      %rem3A_185 = arith.remsi %add3A_167, %jit3A_168 : i32
      %ne3A_186 = arith.constant 0 : i32
      %ne3A_187 = arith.cmpi ne, %rem3A_185, %ne3A_186 : i32
      %and3A_188 = arith.andi %ne3A_184, %ne3A_187 : i1
      %sub3A_189 = arith.constant 1 : i32
      %sub3A_190 = arith.subi %div3A_169, %sub3A_189 : i32
      %select_n3A_191 = arith.select %and3A_188, %sub3A_190, %div3A_169 : i32
      %jit3A_192 = arith.constant 6 : i32
      %eq3A_193 = arith.constant 0 : i32
      %eq3A_194 = arith.cmpi eq, %jit3A_192, %eq3A_193 : i32
      %jit3A_195 = arith.constant 1 : i32
      %select_n3A_196 = arith.select %eq3A_194, %jit3A_195, %jit3A_192 : i32
      %rem3A_197 = arith.remsi %add3A_167, %select_n3A_196 : i32
      %ne3A_198 = arith.constant 0 : i32
      %ne3A_199 = arith.cmpi ne, %rem3A_197, %ne3A_198 : i32
      %lt3A_200 = arith.constant 0 : i32
      %lt3A_201 = arith.cmpi slt, %rem3A_197, %lt3A_200 : i32
      %lt3A_202 = arith.constant 0 : i32
      %lt3A_203 = arith.cmpi slt, %select_n3A_196, %lt3A_202 : i32
      %ne3A_204 = arith.xori %lt3A_201, %lt3A_203 : i1
      %and3A_205 = arith.andi %ne3A_204, %ne3A_199 : i1
      %add3A_206 = arith.addi %rem3A_197, %select_n3A_196 : i32
      %select_n3A_207 = arith.select %and3A_205, %add3A_206, %rem3A_197 : i32
      %parallel_loop3A_208 = arith.constant 0 : i32
      %parallel_loop3A_209 = arith.constant 128 : i32
      %parallel_loop3A_210 = arith.constant 1 : i32
      scf.for %parallel_loop3A_213 = %parallel_loop3A_208 to %parallel_loop3A_209 step %parallel_loop3A_210  : i32 {
        %parallel_loop3A_214 = vector.broadcast %parallel_loop3A_213 : i32 to vector<16xi32>
        %parallel_loop3A_215 = arith.constant 0 : i32
        %parallel_loop3A_216 = vector.broadcast %parallel_loop3A_215 : i32 to vector<16xi32>
        %parallel_loop3A_217 = arith.addi %iota3A, %parallel_loop3A_216 : vector<16xi32>
        %parallel_loop3A_218 = tpu.vector_load_idx %arg5[%parallel_loop3A_217, %parallel_loop3A_214] : memref<256x128xf32, #tpu.memory_space<vmem>>[vector<16xi32>, vector<16xi32>], vector<16xf32>,
        %parallel_loop3A_219 = arith.constant 16 : i32
        %parallel_loop3A_220 = vector.broadcast %parallel_loop3A_219 : i32 to vector<16xi32>
        %parallel_loop3A_221 = arith.addi %iota3A, %parallel_loop3A_220 : vector<16xi32>
        %parallel_loop3A_222 = tpu.vector_load_idx %arg5[%parallel_loop3A_221, %parallel_loop3A_214] : memref<256x128xf32, #tpu.memory_space<vmem>>[vector<16xi32>, vector<16xi32>], vector<16xf32>,
        %parallel_loop3A_223 = arith.constant 32 : i32
        %parallel_loop3A_224 = vector.broadcast %parallel_loop3A_223 : i32 to vector<16xi32>
        %parallel_loop3A_225 = arith.addi %iota3A, %parallel_loop3A_224 : vector<16xi32>
        %parallel_loop3A_226 = tpu.vector_load_idx %arg5[%parallel_loop3A_225, %parallel_loop3A_214] : memref<256x128xf32, #tpu.memory_space<vmem>>[vector<16xi32>, vector<16xi32>], vector<16xf32>,
        %parallel_loop3A_227 = arith.constant 48 : i32
        %parallel_loop3A_228 = vector.broadcast %parallel_loop3A_227 : i32 to vector<16xi32>
        %parallel_loop3A_229 = arith.addi %iota3A, %parallel_loop3A_228 : vector<16xi32>
        %parallel_loop3A_230 = tpu.vector_load_idx %arg5[%parallel_loop3A_229, %parallel_loop3A_214] : memref<256x128xf32, #tpu.memory_space<vmem>>[vector<16xi32>, vector<16xi32>], vector<16xf32>,
        %parallel_loop3A_231 = arith.constant 64 : i32
        %parallel_loop3A_232 = vector.broadcast %parallel_loop3A_231 : i32 to vector<16xi32>
        %parallel_loop3A_233 = arith.addi %iota3A, %parallel_loop3A_232 : vector<16xi32>
        %parallel_loop3A_234 = tpu.vector_load_idx %arg5[%parallel_loop3A_233, %parallel_loop3A_214] : memref<256x128xf32, #tpu.memory_space<vmem>>[vector<16xi32>, vector<16xi32>], vector<16xf32>,
        %parallel_loop3A_235 = arith.constant 80 : i32
        %parallel_loop3A_236 = vector.broadcast %parallel_loop3A_235 : i32 to vector<16xi32>
        %parallel_loop3A_237 = arith.addi %iota3A, %parallel_loop3A_236 : vector<16xi32>
        %parallel_loop3A_238 = tpu.vector_load_idx %arg5[%parallel_loop3A_237, %parallel_loop3A_214] : memref<256x128xf32, #tpu.memory_space<vmem>>[vector<16xi32>, vector<16xi32>], vector<16xf32>,
        %parallel_loop3A_239 = arith.constant 96 : i32
        %parallel_loop3A_240 = vector.broadcast %parallel_loop3A_239 : i32 to vector<16xi32>
        %parallel_loop3A_241 = arith.addi %iota3A, %parallel_loop3A_240 : vector<16xi32>
        %parallel_loop3A_242 = tpu.vector_load_idx %arg5[%parallel_loop3A_241, %parallel_loop3A_214] : memref<256x128xf32, #tpu.memory_space<vmem>>[vector<16xi32>, vector<16xi32>], vector<16xf32>,
        %parallel_loop3A_243 = arith.constant 112 : i32
        %parallel_loop3A_244 = vector.broadcast %parallel_loop3A_243 : i32 to vector<16xi32>
        %parallel_loop3A_245 = arith.addi %iota3A, %parallel_loop3A_244 : vector<16xi32>
        %parallel_loop3A_246 = tpu.vector_load_idx %arg5[%parallel_loop3A_245, %parallel_loop3A_214] : memref<256x128xf32, #tpu.memory_space<vmem>>[vector<16xi32>, vector<16xi32>], vector<16xf32>,
        %parallel_loop3A_247 = arith.constant 128 : i32
        %parallel_loop3A_248 = vector.broadcast %parallel_loop3A_247 : i32 to vector<16xi32>
        %parallel_loop3A_249 = arith.addi %iota3A, %parallel_loop3A_248 : vector<16xi32>
        %parallel_loop3A_250 = tpu.vector_load_idx %arg5[%parallel_loop3A_249, %parallel_loop3A_214] : memref<256x128xf32, #tpu.memory_space<vmem>>[vector<16xi32>, vector<16xi32>], vector<16xf32>,
        %parallel_loop3A_251 = arith.constant 144 : i32
        %parallel_loop3A_252 = vector.broadcast %parallel_loop3A_251 : i32 to vector<16xi32>
        %parallel_loop3A_253 = arith.addi %iota3A, %parallel_loop3A_252 : vector<16xi32>
        %parallel_loop3A_254 = tpu.vector_load_idx %arg5[%parallel_loop3A_253, %parallel_loop3A_214] : memref<256x128xf32, #tpu.memory_space<vmem>>[vector<16xi32>, vector<16xi32>], vector<16xf32>,
        %parallel_loop3A_255 = arith.constant 160 : i32
        %parallel_loop3A_256 = vector.broadcast %parallel_loop3A_255 : i32 to vector<16xi32>
        %parallel_loop3A_257 = arith.addi %iota3A, %parallel_loop3A_256 : vector<16xi32>
        %parallel_loop3A_258 = tpu.vector_load_idx %arg5[%parallel_loop3A_257, %parallel_loop3A_214] : memref<256x128xf32, #tpu.memory_space<vmem>>[vector<16xi32>, vector<16xi32>], vector<16xf32>,
        %parallel_loop3A_259 = arith.constant 176 : i32
        %parallel_loop3A_260 = vector.broadcast %parallel_loop3A_259 : i32 to vector<16xi32>
        %parallel_loop3A_261 = arith.addi %iota3A, %parallel_loop3A_260 : vector<16xi32>
        %parallel_loop3A_262 = tpu.vector_load_idx %arg5[%parallel_loop3A_261, %parallel_loop3A_214] : memref<256x128xf32, #tpu.memory_space<vmem>>[vector<16xi32>, vector<16xi32>], vector<16xf32>,
        %parallel_loop3A_263 = arith.constant 192 : i32
        %parallel_loop3A_264 = vector.broadcast %parallel_loop3A_263 : i32 to vector<16xi32>
        %parallel_loop3A_265 = arith.addi %iota3A, %parallel_loop3A_264 : vector<16xi32>
        %parallel_loop3A_266 = tpu.vector_load_idx %arg5[%parallel_loop3A_265, %parallel_loop3A_214] : memref<256x128xf32, #tpu.memory_space<vmem>>[vector<16xi32>, vector<16xi32>], vector<16xf32>,
        %parallel_loop3A_267 = arith.constant 208 : i32
        %parallel_loop3A_268 = vector.broadcast %parallel_loop3A_267 : i32 to vector<16xi32>
        %parallel_loop3A_269 = arith.addi %iota3A, %parallel_loop3A_268 : vector<16xi32>
        %parallel_loop3A_270 = tpu.vector_load_idx %arg5[%parallel_loop3A_269, %parallel_loop3A_214] : memref<256x128xf32, #tpu.memory_space<vmem>>[vector<16xi32>, vector<16xi32>], vector<16xf32>,
        %parallel_loop3A_271 = arith.constant 224 : i32
        %parallel_loop3A_272 = vector.broadcast %parallel_loop3A_271 : i32 to vector<16xi32>
        %parallel_loop3A_273 = arith.addi %iota3A, %parallel_loop3A_272 : vector<16xi32>
        %parallel_loop3A_274 = tpu.vector_load_idx %arg5[%parallel_loop3A_273, %parallel_loop3A_214] : memref<256x128xf32, #tpu.memory_space<vmem>>[vector<16xi32>, vector<16xi32>], vector<16xf32>,
        %parallel_loop3A_275 = arith.constant 240 : i32
        %parallel_loop3A_276 = vector.broadcast %parallel_loop3A_275 : i32 to vector<16xi32>
        %parallel_loop3A_277 = arith.addi %iota3A, %parallel_loop3A_276 : vector<16xi32>
        %parallel_loop3A_278 = tpu.vector_load_idx %arg5[%parallel_loop3A_277, %parallel_loop3A_214] : memref<256x128xf32, #tpu.memory_space<vmem>>[vector<16xi32>, vector<16xi32>], vector<16xf32>,
        %parallel_loop3A_279 = arith.constant dense<true> : vector<16xi1>
        %parallel_loop3A_280, %parallel_loop3A_281, %parallel_loop3A_282 = tpu.sort %parallel_loop3A_218, %parallel_loop3A_218 masked %parallel_loop3A_279 : (vector<16xf32>, vector<16xf32>, vector<16xi1>) -> (vector<16xi1>, vector<16xf32>, vector<16xf32>)
        %parallel_loop3A_283 = arith.constant dense<true> : vector<16xi1>
        %parallel_loop3A_284, %parallel_loop3A_285, %parallel_loop3A_286 = tpu.sort %parallel_loop3A_222, %parallel_loop3A_222 masked %parallel_loop3A_283 : (vector<16xf32>, vector<16xf32>, vector<16xi1>) -> (vector<16xi1>, vector<16xf32>, vector<16xf32>)
        %parallel_loop3A_287 = arith.constant 15 : i32
        %parallel_loop3A_288 = vector.broadcast %parallel_loop3A_287 : i32 to vector<16xi32>
        %parallel_loop3A_289 = tpu.iota {dimensions = array<i32: 0>} : vector<16xi32>
        %parallel_loop3A_290 = arith.subi %parallel_loop3A_288, %parallel_loop3A_289 : vector<16xi32>
        %parallel_loop3A_291 = tpu.dynamic_gather %parallel_loop3A_285[%parallel_loop3A_290] in [0] : vector<16xf32>, vector<16xi32> -> vector<16xf32>
        %parallel_loop3A_292 = arith.minimumf %parallel_loop3A_281, %parallel_loop3A_291 : vector<16xf32>
        %parallel_loop3A_293 = arith.maximumf %parallel_loop3A_281, %parallel_loop3A_291 : vector<16xf32>
        %parallel_loop3A_294 = arith.constant dense<true> : vector<16xi1>
        %parallel_loop3A_295, %parallel_loop3A_296, %parallel_loop3A_297 = tpu.sort %parallel_loop3A_292, %parallel_loop3A_292 masked %parallel_loop3A_294 : (vector<16xf32>, vector<16xf32>, vector<16xi1>) -> (vector<16xi1>, vector<16xf32>, vector<16xf32>)
        %parallel_loop3A_298 = arith.constant dense<true> : vector<16xi1>
        %parallel_loop3A_299, %parallel_loop3A_300, %parallel_loop3A_301 = tpu.sort %parallel_loop3A_293, %parallel_loop3A_293 masked %parallel_loop3A_298 : (vector<16xf32>, vector<16xf32>, vector<16xi1>) -> (vector<16xi1>, vector<16xf32>, vector<16xf32>)
        %parallel_loop3A_302 = arith.constant dense<true> : vector<16xi1>
        %parallel_loop3A_303, %parallel_loop3A_304, %parallel_loop3A_305 = tpu.sort %parallel_loop3A_226, %parallel_loop3A_226 masked %parallel_loop3A_302 : (vector<16xf32>, vector<16xf32>, vector<16xi1>) -> (vector<16xi1>, vector<16xf32>, vector<16xf32>)
        %parallel_loop3A_306 = arith.constant dense<true> : vector<16xi1>
        %parallel_loop3A_307, %parallel_loop3A_308, %parallel_loop3A_309 = tpu.sort %parallel_loop3A_230, %parallel_loop3A_230 masked %parallel_loop3A_306 : (vector<16xf32>, vector<16xf32>, vector<16xi1>) -> (vector<16xi1>, vector<16xf32>, vector<16xf32>)
        %parallel_loop3A_310 = arith.constant 15 : i32
        %parallel_loop3A_311 = vector.broadcast %parallel_loop3A_310 : i32 to vector<16xi32>
        %parallel_loop3A_312 = tpu.iota {dimensions = array<i32: 0>} : vector<16xi32>
        %parallel_loop3A_313 = arith.subi %parallel_loop3A_311, %parallel_loop3A_312 : vector<16xi32>
        %parallel_loop3A_314 = tpu.dynamic_gather %parallel_loop3A_308[%parallel_loop3A_313] in [0] : vector<16xf32>, vector<16xi32> -> vector<16xf32>
        %parallel_loop3A_315 = arith.minimumf %parallel_loop3A_304, %parallel_loop3A_314 : vector<16xf32>
        %parallel_loop3A_316 = arith.maximumf %parallel_loop3A_304, %parallel_loop3A_314 : vector<16xf32>
        %parallel_loop3A_317 = arith.constant dense<true> : vector<16xi1>
        %parallel_loop3A_318, %parallel_loop3A_319, %parallel_loop3A_320 = tpu.sort %parallel_loop3A_316, %parallel_loop3A_316 masked %parallel_loop3A_317 : (vector<16xf32>, vector<16xf32>, vector<16xi1>) -> (vector<16xi1>, vector<16xf32>, vector<16xf32>)
        %parallel_loop3A_321 = arith.constant 15 : i32
        %parallel_loop3A_322 = vector.broadcast %parallel_loop3A_321 : i32 to vector<16xi32>
        %parallel_loop3A_323 = tpu.iota {dimensions = array<i32: 0>} : vector<16xi32>
        %parallel_loop3A_324 = arith.subi %parallel_loop3A_322, %parallel_loop3A_323 : vector<16xi32>
        %parallel_loop3A_325 = tpu.dynamic_gather %parallel_loop3A_319[%parallel_loop3A_324] in [0] : vector<16xf32>, vector<16xi32> -> vector<16xf32>
        %parallel_loop3A_326 = arith.constant dense<true> : vector<16xi1>
        %parallel_loop3A_327, %parallel_loop3A_328, %parallel_loop3A_329 = tpu.sort %parallel_loop3A_315, %parallel_loop3A_315 masked %parallel_loop3A_326 : (vector<16xf32>, vector<16xf32>, vector<16xi1>) -> (vector<16xi1>, vector<16xf32>, vector<16xf32>)
        %parallel_loop3A_330 = arith.constant 15 : i32
        %parallel_loop3A_331 = vector.broadcast %parallel_loop3A_330 : i32 to vector<16xi32>
        %parallel_loop3A_332 = tpu.iota {dimensions = array<i32: 0>} : vector<16xi32>
        %parallel_loop3A_333 = arith.subi %parallel_loop3A_331, %parallel_loop3A_332 : vector<16xi32>
        %parallel_loop3A_334 = tpu.dynamic_gather %parallel_loop3A_328[%parallel_loop3A_333] in [0] : vector<16xf32>, vector<16xi32> -> vector<16xf32>
        %parallel_loop3A_335 = arith.minimumf %parallel_loop3A_296, %parallel_loop3A_325 : vector<16xf32>
        %parallel_loop3A_336 = arith.maximumf %parallel_loop3A_296, %parallel_loop3A_325 : vector<16xf32>
        %parallel_loop3A_337 = arith.minimumf %parallel_loop3A_300, %parallel_loop3A_334 : vector<16xf32>
        %parallel_loop3A_338 = arith.maximumf %parallel_loop3A_300, %parallel_loop3A_334 : vector<16xf32>
        %parallel_loop3A_339 = arith.minimumf %parallel_loop3A_335, %parallel_loop3A_337 : vector<16xf32>
        %parallel_loop3A_340 = arith.maximumf %parallel_loop3A_335, %parallel_loop3A_337 : vector<16xf32>
        %parallel_loop3A_341 = arith.constant dense<true> : vector<16xi1>
        %parallel_loop3A_342, %parallel_loop3A_343, %parallel_loop3A_344 = tpu.sort %parallel_loop3A_339, %parallel_loop3A_339 masked %parallel_loop3A_341 : (vector<16xf32>, vector<16xf32>, vector<16xi1>) -> (vector<16xi1>, vector<16xf32>, vector<16xf32>)
        %parallel_loop3A_345 = arith.constant dense<true> : vector<16xi1>
        %parallel_loop3A_346, %parallel_loop3A_347, %parallel_loop3A_348 = tpu.sort %parallel_loop3A_340, %parallel_loop3A_340 masked %parallel_loop3A_345 : (vector<16xf32>, vector<16xf32>, vector<16xi1>) -> (vector<16xi1>, vector<16xf32>, vector<16xf32>)
        %parallel_loop3A_349 = arith.minimumf %parallel_loop3A_336, %parallel_loop3A_338 : vector<16xf32>
        %parallel_loop3A_350 = arith.maximumf %parallel_loop3A_336, %parallel_loop3A_338 : vector<16xf32>
        %parallel_loop3A_351 = arith.constant dense<true> : vector<16xi1>
        %parallel_loop3A_352, %parallel_loop3A_353, %parallel_loop3A_354 = tpu.sort %parallel_loop3A_349, %parallel_loop3A_349 masked %parallel_loop3A_351 : (vector<16xf32>, vector<16xf32>, vector<16xi1>) -> (vector<16xi1>, vector<16xf32>, vector<16xf32>)
        %parallel_loop3A_355 = arith.constant dense<true> : vector<16xi1>
        %parallel_loop3A_356, %parallel_loop3A_357, %parallel_loop3A_358 = tpu.sort %parallel_loop3A_350, %parallel_loop3A_350 masked %parallel_loop3A_355 : (vector<16xf32>, vector<16xf32>, vector<16xi1>) -> (vector<16xi1>, vector<16xf32>, vector<16xf32>)
        %parallel_loop3A_359 = arith.constant dense<true> : vector<16xi1>
        %parallel_loop3A_360, %parallel_loop3A_361, %parallel_loop3A_362 = tpu.sort %parallel_loop3A_234, %parallel_loop3A_234 masked %parallel_loop3A_359 : (vector<16xf32>, vector<16xf32>, vector<16xi1>) -> (vector<16xi1>, vector<16xf32>, vector<16xf32>)
        %parallel_loop3A_363 = arith.constant dense<true> : vector<16xi1>
        %parallel_loop3A_364, %parallel_loop3A_365, %parallel_loop3A_366 = tpu.sort %parallel_loop3A_238, %parallel_loop3A_238 masked %parallel_loop3A_363 : (vector<16xf32>, vector<16xf32>, vector<16xi1>) -> (vector<16xi1>, vector<16xf32>, vector<16xf32>)
        %parallel_loop3A_367 = arith.constant 15 : i32
        %parallel_loop3A_368 = vector.broadcast %parallel_loop3A_367 : i32 to vector<16xi32>
        %parallel_loop3A_369 = tpu.iota {dimensions = array<i32: 0>} : vector<16xi32>
        %parallel_loop3A_370 = arith.subi %parallel_loop3A_368, %parallel_loop3A_369 : vector<16xi32>
        %parallel_loop3A_371 = tpu.dynamic_gather %parallel_loop3A_365[%parallel_loop3A_370] in [0] : vector<16xf32>, vector<16xi32> -> vector<16xf32>
        %parallel_loop3A_372 = arith.minimumf %parallel_loop3A_361, %parallel_loop3A_371 : vector<16xf32>
        %parallel_loop3A_373 = arith.maximumf %parallel_loop3A_361, %parallel_loop3A_371 : vector<16xf32>
        %parallel_loop3A_374 = arith.constant dense<true> : vector<16xi1>
        %parallel_loop3A_375, %parallel_loop3A_376, %parallel_loop3A_377 = tpu.sort %parallel_loop3A_372, %parallel_loop3A_372 masked %parallel_loop3A_374 : (vector<16xf32>, vector<16xf32>, vector<16xi1>) -> (vector<16xi1>, vector<16xf32>, vector<16xf32>)
        %parallel_loop3A_378 = arith.constant dense<true> : vector<16xi1>
        %parallel_loop3A_379, %parallel_loop3A_380, %parallel_loop3A_381 = tpu.sort %parallel_loop3A_373, %parallel_loop3A_373 masked %parallel_loop3A_378 : (vector<16xf32>, vector<16xf32>, vector<16xi1>) -> (vector<16xi1>, vector<16xf32>, vector<16xf32>)
        %parallel_loop3A_382 = arith.constant dense<true> : vector<16xi1>
        %parallel_loop3A_383, %parallel_loop3A_384, %parallel_loop3A_385 = tpu.sort %parallel_loop3A_242, %parallel_loop3A_242 masked %parallel_loop3A_382 : (vector<16xf32>, vector<16xf32>, vector<16xi1>) -> (vector<16xi1>, vector<16xf32>, vector<16xf32>)
        %parallel_loop3A_386 = arith.constant dense<true> : vector<16xi1>
        %parallel_loop3A_387, %parallel_loop3A_388, %parallel_loop3A_389 = tpu.sort %parallel_loop3A_246, %parallel_loop3A_246 masked %parallel_loop3A_386 : (vector<16xf32>, vector<16xf32>, vector<16xi1>) -> (vector<16xi1>, vector<16xf32>, vector<16xf32>)
        %parallel_loop3A_390 = arith.constant 15 : i32
        %parallel_loop3A_391 = vector.broadcast %parallel_loop3A_390 : i32 to vector<16xi32>
        %parallel_loop3A_392 = tpu.iota {dimensions = array<i32: 0>} : vector<16xi32>
        %parallel_loop3A_393 = arith.subi %parallel_loop3A_391, %parallel_loop3A_392 : vector<16xi32>
        %parallel_loop3A_394 = tpu.dynamic_gather %parallel_loop3A_388[%parallel_loop3A_393] in [0] : vector<16xf32>, vector<16xi32> -> vector<16xf32>
        %parallel_loop3A_395 = arith.minimumf %parallel_loop3A_384, %parallel_loop3A_394 : vector<16xf32>
        %parallel_loop3A_396 = arith.maximumf %parallel_loop3A_384, %parallel_loop3A_394 : vector<16xf32>
        %parallel_loop3A_397 = arith.constant dense<true> : vector<16xi1>
        %parallel_loop3A_398, %parallel_loop3A_399, %parallel_loop3A_400 = tpu.sort %parallel_loop3A_396, %parallel_loop3A_396 masked %parallel_loop3A_397 : (vector<16xf32>, vector<16xf32>, vector<16xi1>) -> (vector<16xi1>, vector<16xf32>, vector<16xf32>)
        %parallel_loop3A_401 = arith.constant 15 : i32
        %parallel_loop3A_402 = vector.broadcast %parallel_loop3A_401 : i32 to vector<16xi32>
        %parallel_loop3A_403 = tpu.iota {dimensions = array<i32: 0>} : vector<16xi32>
        %parallel_loop3A_404 = arith.subi %parallel_loop3A_402, %parallel_loop3A_403 : vector<16xi32>
        %parallel_loop3A_405 = tpu.dynamic_gather %parallel_loop3A_399[%parallel_loop3A_404] in [0] : vector<16xf32>, vector<16xi32> -> vector<16xf32>
        %parallel_loop3A_406 = arith.constant dense<true> : vector<16xi1>
        %parallel_loop3A_407, %parallel_loop3A_408, %parallel_loop3A_409 = tpu.sort %parallel_loop3A_395, %parallel_loop3A_395 masked %parallel_loop3A_406 : (vector<16xf32>, vector<16xf32>, vector<16xi1>) -> (vector<16xi1>, vector<16xf32>, vector<16xf32>)
        %parallel_loop3A_410 = arith.constant 15 : i32
        %parallel_loop3A_411 = vector.broadcast %parallel_loop3A_410 : i32 to vector<16xi32>
        %parallel_loop3A_412 = tpu.iota {dimensions = array<i32: 0>} : vector<16xi32>
        %parallel_loop3A_413 = arith.subi %parallel_loop3A_411, %parallel_loop3A_412 : vector<16xi32>
        %parallel_loop3A_414 = tpu.dynamic_gather %parallel_loop3A_408[%parallel_loop3A_413] in [0] : vector<16xf32>, vector<16xi32> -> vector<16xf32>
        %parallel_loop3A_415 = arith.minimumf %parallel_loop3A_376, %parallel_loop3A_405 : vector<16xf32>
        %parallel_loop3A_416 = arith.maximumf %parallel_loop3A_376, %parallel_loop3A_405 : vector<16xf32>
        %parallel_loop3A_417 = arith.minimumf %parallel_loop3A_380, %parallel_loop3A_414 : vector<16xf32>
        %parallel_loop3A_418 = arith.maximumf %parallel_loop3A_380, %parallel_loop3A_414 : vector<16xf32>
        %parallel_loop3A_419 = arith.minimumf %parallel_loop3A_416, %parallel_loop3A_418 : vector<16xf32>
        %parallel_loop3A_420 = arith.maximumf %parallel_loop3A_416, %parallel_loop3A_418 : vector<16xf32>
        %parallel_loop3A_421 = arith.constant dense<true> : vector<16xi1>
        %parallel_loop3A_422, %parallel_loop3A_423, %parallel_loop3A_424 = tpu.sort %parallel_loop3A_420, %parallel_loop3A_420 masked %parallel_loop3A_421 : (vector<16xf32>, vector<16xf32>, vector<16xi1>) -> (vector<16xi1>, vector<16xf32>, vector<16xf32>)
        %parallel_loop3A_425 = arith.constant 15 : i32
        %parallel_loop3A_426 = vector.broadcast %parallel_loop3A_425 : i32 to vector<16xi32>
        %parallel_loop3A_427 = tpu.iota {dimensions = array<i32: 0>} : vector<16xi32>
        %parallel_loop3A_428 = arith.subi %parallel_loop3A_426, %parallel_loop3A_427 : vector<16xi32>
        %parallel_loop3A_429 = tpu.dynamic_gather %parallel_loop3A_423[%parallel_loop3A_428] in [0] : vector<16xf32>, vector<16xi32> -> vector<16xf32>
        %parallel_loop3A_430 = arith.constant dense<true> : vector<16xi1>
        %parallel_loop3A_431, %parallel_loop3A_432, %parallel_loop3A_433 = tpu.sort %parallel_loop3A_419, %parallel_loop3A_419 masked %parallel_loop3A_430 : (vector<16xf32>, vector<16xf32>, vector<16xi1>) -> (vector<16xi1>, vector<16xf32>, vector<16xf32>)
        %parallel_loop3A_434 = arith.constant 15 : i32
        %parallel_loop3A_435 = vector.broadcast %parallel_loop3A_434 : i32 to vector<16xi32>
        %parallel_loop3A_436 = tpu.iota {dimensions = array<i32: 0>} : vector<16xi32>
        %parallel_loop3A_437 = arith.subi %parallel_loop3A_435, %parallel_loop3A_436 : vector<16xi32>
        %parallel_loop3A_438 = tpu.dynamic_gather %parallel_loop3A_432[%parallel_loop3A_437] in [0] : vector<16xf32>, vector<16xi32> -> vector<16xf32>
        %parallel_loop3A_439 = arith.minimumf %parallel_loop3A_415, %parallel_loop3A_417 : vector<16xf32>
        %parallel_loop3A_440 = arith.maximumf %parallel_loop3A_415, %parallel_loop3A_417 : vector<16xf32>
        %parallel_loop3A_441 = arith.constant dense<true> : vector<16xi1>
        %parallel_loop3A_442, %parallel_loop3A_443, %parallel_loop3A_444 = tpu.sort %parallel_loop3A_440, %parallel_loop3A_440 masked %parallel_loop3A_441 : (vector<16xf32>, vector<16xf32>, vector<16xi1>) -> (vector<16xi1>, vector<16xf32>, vector<16xf32>)
        %parallel_loop3A_445 = arith.constant 15 : i32
        %parallel_loop3A_446 = vector.broadcast %parallel_loop3A_445 : i32 to vector<16xi32>
        %parallel_loop3A_447 = tpu.iota {dimensions = array<i32: 0>} : vector<16xi32>
        %parallel_loop3A_448 = arith.subi %parallel_loop3A_446, %parallel_loop3A_447 : vector<16xi32>
        %parallel_loop3A_449 = tpu.dynamic_gather %parallel_loop3A_443[%parallel_loop3A_448] in [0] : vector<16xf32>, vector<16xi32> -> vector<16xf32>
        %parallel_loop3A_450 = arith.constant dense<true> : vector<16xi1>
        %parallel_loop3A_451, %parallel_loop3A_452, %parallel_loop3A_453 = tpu.sort %parallel_loop3A_439, %parallel_loop3A_439 masked %parallel_loop3A_450 : (vector<16xf32>, vector<16xf32>, vector<16xi1>) -> (vector<16xi1>, vector<16xf32>, vector<16xf32>)
        %parallel_loop3A_454 = arith.constant 15 : i32
        %parallel_loop3A_455 = vector.broadcast %parallel_loop3A_454 : i32 to vector<16xi32>
        %parallel_loop3A_456 = tpu.iota {dimensions = array<i32: 0>} : vector<16xi32>
        %parallel_loop3A_457 = arith.subi %parallel_loop3A_455, %parallel_loop3A_456 : vector<16xi32>
        %parallel_loop3A_458 = tpu.dynamic_gather %parallel_loop3A_452[%parallel_loop3A_457] in [0] : vector<16xf32>, vector<16xi32> -> vector<16xf32>
        %parallel_loop3A_459 = arith.minimumf %parallel_loop3A_343, %parallel_loop3A_429 : vector<16xf32>
        %parallel_loop3A_460 = arith.maximumf %parallel_loop3A_343, %parallel_loop3A_429 : vector<16xf32>
        %parallel_loop3A_461 = arith.minimumf %parallel_loop3A_347, %parallel_loop3A_438 : vector<16xf32>
        %parallel_loop3A_462 = arith.maximumf %parallel_loop3A_347, %parallel_loop3A_438 : vector<16xf32>
        %parallel_loop3A_463 = arith.minimumf %parallel_loop3A_353, %parallel_loop3A_449 : vector<16xf32>
        %parallel_loop3A_464 = arith.maximumf %parallel_loop3A_353, %parallel_loop3A_449 : vector<16xf32>
        %parallel_loop3A_465 = arith.minimumf %parallel_loop3A_357, %parallel_loop3A_458 : vector<16xf32>
        %parallel_loop3A_466 = arith.maximumf %parallel_loop3A_357, %parallel_loop3A_458 : vector<16xf32>
        %parallel_loop3A_467 = arith.minimumf %parallel_loop3A_459, %parallel_loop3A_463 : vector<16xf32>
        %parallel_loop3A_468 = arith.maximumf %parallel_loop3A_459, %parallel_loop3A_463 : vector<16xf32>
        %parallel_loop3A_469 = arith.minimumf %parallel_loop3A_461, %parallel_loop3A_465 : vector<16xf32>
        %parallel_loop3A_470 = arith.maximumf %parallel_loop3A_461, %parallel_loop3A_465 : vector<16xf32>
        %parallel_loop3A_471 = arith.minimumf %parallel_loop3A_467, %parallel_loop3A_469 : vector<16xf32>
        %parallel_loop3A_472 = arith.maximumf %parallel_loop3A_467, %parallel_loop3A_469 : vector<16xf32>
        %parallel_loop3A_473 = arith.constant dense<true> : vector<16xi1>
        %parallel_loop3A_474, %parallel_loop3A_475, %parallel_loop3A_476 = tpu.sort %parallel_loop3A_471, %parallel_loop3A_471 masked %parallel_loop3A_473 : (vector<16xf32>, vector<16xf32>, vector<16xi1>) -> (vector<16xi1>, vector<16xf32>, vector<16xf32>)
        %parallel_loop3A_477 = arith.constant dense<true> : vector<16xi1>
        %parallel_loop3A_478, %parallel_loop3A_479, %parallel_loop3A_480 = tpu.sort %parallel_loop3A_472, %parallel_loop3A_472 masked %parallel_loop3A_477 : (vector<16xf32>, vector<16xf32>, vector<16xi1>) -> (vector<16xi1>, vector<16xf32>, vector<16xf32>)
        %parallel_loop3A_481 = arith.minimumf %parallel_loop3A_468, %parallel_loop3A_470 : vector<16xf32>
        %parallel_loop3A_482 = arith.maximumf %parallel_loop3A_468, %parallel_loop3A_470 : vector<16xf32>
        %parallel_loop3A_483 = arith.constant dense<true> : vector<16xi1>
        %parallel_loop3A_484, %parallel_loop3A_485, %parallel_loop3A_486 = tpu.sort %parallel_loop3A_481, %parallel_loop3A_481 masked %parallel_loop3A_483 : (vector<16xf32>, vector<16xf32>, vector<16xi1>) -> (vector<16xi1>, vector<16xf32>, vector<16xf32>)
        %parallel_loop3A_487 = arith.constant dense<true> : vector<16xi1>
        %parallel_loop3A_488, %parallel_loop3A_489, %parallel_loop3A_490 = tpu.sort %parallel_loop3A_482, %parallel_loop3A_482 masked %parallel_loop3A_487 : (vector<16xf32>, vector<16xf32>, vector<16xi1>) -> (vector<16xi1>, vector<16xf32>, vector<16xf32>)
        %parallel_loop3A_491 = arith.minimumf %parallel_loop3A_460, %parallel_loop3A_464 : vector<16xf32>
        %parallel_loop3A_492 = arith.maximumf %parallel_loop3A_460, %parallel_loop3A_464 : vector<16xf32>
        %parallel_loop3A_493 = arith.minimumf %parallel_loop3A_462, %parallel_loop3A_466 : vector<16xf32>
        %parallel_loop3A_494 = arith.maximumf %parallel_loop3A_462, %parallel_loop3A_466 : vector<16xf32>
        %parallel_loop3A_495 = arith.minimumf %parallel_loop3A_491, %parallel_loop3A_493 : vector<16xf32>
        %parallel_loop3A_496 = arith.maximumf %parallel_loop3A_491, %parallel_loop3A_493 : vector<16xf32>
        %parallel_loop3A_497 = arith.constant dense<true> : vector<16xi1>
        %parallel_loop3A_498, %parallel_loop3A_499, %parallel_loop3A_500 = tpu.sort %parallel_loop3A_495, %parallel_loop3A_495 masked %parallel_loop3A_497 : (vector<16xf32>, vector<16xf32>, vector<16xi1>) -> (vector<16xi1>, vector<16xf32>, vector<16xf32>)
        %parallel_loop3A_501 = arith.constant dense<true> : vector<16xi1>
        %parallel_loop3A_502, %parallel_loop3A_503, %parallel_loop3A_504 = tpu.sort %parallel_loop3A_496, %parallel_loop3A_496 masked %parallel_loop3A_501 : (vector<16xf32>, vector<16xf32>, vector<16xi1>) -> (vector<16xi1>, vector<16xf32>, vector<16xf32>)
        %parallel_loop3A_505 = arith.minimumf %parallel_loop3A_492, %parallel_loop3A_494 : vector<16xf32>
        %parallel_loop3A_506 = arith.maximumf %parallel_loop3A_492, %parallel_loop3A_494 : vector<16xf32>
        %parallel_loop3A_507 = arith.constant dense<true> : vector<16xi1>
        %parallel_loop3A_508, %parallel_loop3A_509, %parallel_loop3A_510 = tpu.sort %parallel_loop3A_505, %parallel_loop3A_505 masked %parallel_loop3A_507 : (vector<16xf32>, vector<16xf32>, vector<16xi1>) -> (vector<16xi1>, vector<16xf32>, vector<16xf32>)
        %parallel_loop3A_511 = arith.constant dense<true> : vector<16xi1>
        %parallel_loop3A_512, %parallel_loop3A_513, %parallel_loop3A_514 = tpu.sort %parallel_loop3A_506, %parallel_loop3A_506 masked %parallel_loop3A_511 : (vector<16xf32>, vector<16xf32>, vector<16xi1>) -> (vector<16xi1>, vector<16xf32>, vector<16xf32>)
        %parallel_loop3A_515 = arith.constant dense<true> : vector<16xi1>
        %parallel_loop3A_516, %parallel_loop3A_517, %parallel_loop3A_518 = tpu.sort %parallel_loop3A_250, %parallel_loop3A_250 masked %parallel_loop3A_515 : (vector<16xf32>, vector<16xf32>, vector<16xi1>) -> (vector<16xi1>, vector<16xf32>, vector<16xf32>)
        %parallel_loop3A_519 = arith.constant dense<true> : vector<16xi1>
        %parallel_loop3A_520, %parallel_loop3A_521, %parallel_loop3A_522 = tpu.sort %parallel_loop3A_254, %parallel_loop3A_254 masked %parallel_loop3A_519 : (vector<16xf32>, vector<16xf32>, vector<16xi1>) -> (vector<16xi1>, vector<16xf32>, vector<16xf32>)
        %parallel_loop3A_523 = arith.constant 15 : i32
        %parallel_loop3A_524 = vector.broadcast %parallel_loop3A_523 : i32 to vector<16xi32>
        %parallel_loop3A_525 = tpu.iota {dimensions = array<i32: 0>} : vector<16xi32>
        %parallel_loop3A_526 = arith.subi %parallel_loop3A_524, %parallel_loop3A_525 : vector<16xi32>
        %parallel_loop3A_527 = tpu.dynamic_gather %parallel_loop3A_521[%parallel_loop3A_526] in [0] : vector<16xf32>, vector<16xi32> -> vector<16xf32>
        %parallel_loop3A_528 = arith.minimumf %parallel_loop3A_517, %parallel_loop3A_527 : vector<16xf32>
        %parallel_loop3A_529 = arith.maximumf %parallel_loop3A_517, %parallel_loop3A_527 : vector<16xf32>
        %parallel_loop3A_530 = arith.constant dense<true> : vector<16xi1>
        %parallel_loop3A_531, %parallel_loop3A_532, %parallel_loop3A_533 = tpu.sort %parallel_loop3A_528, %parallel_loop3A_528 masked %parallel_loop3A_530 : (vector<16xf32>, vector<16xf32>, vector<16xi1>) -> (vector<16xi1>, vector<16xf32>, vector<16xf32>)
        %parallel_loop3A_534 = arith.constant dense<true> : vector<16xi1>
        %parallel_loop3A_535, %parallel_loop3A_536, %parallel_loop3A_537 = tpu.sort %parallel_loop3A_529, %parallel_loop3A_529 masked %parallel_loop3A_534 : (vector<16xf32>, vector<16xf32>, vector<16xi1>) -> (vector<16xi1>, vector<16xf32>, vector<16xf32>)
        %parallel_loop3A_538 = arith.constant dense<true> : vector<16xi1>
        %parallel_loop3A_539, %parallel_loop3A_540, %parallel_loop3A_541 = tpu.sort %parallel_loop3A_258, %parallel_loop3A_258 masked %parallel_loop3A_538 : (vector<16xf32>, vector<16xf32>, vector<16xi1>) -> (vector<16xi1>, vector<16xf32>, vector<16xf32>)
        %parallel_loop3A_542 = arith.constant dense<true> : vector<16xi1>
        %parallel_loop3A_543, %parallel_loop3A_544, %parallel_loop3A_545 = tpu.sort %parallel_loop3A_262, %parallel_loop3A_262 masked %parallel_loop3A_542 : (vector<16xf32>, vector<16xf32>, vector<16xi1>) -> (vector<16xi1>, vector<16xf32>, vector<16xf32>)
        %parallel_loop3A_546 = arith.constant 15 : i32
        %parallel_loop3A_547 = vector.broadcast %parallel_loop3A_546 : i32 to vector<16xi32>
        %parallel_loop3A_548 = tpu.iota {dimensions = array<i32: 0>} : vector<16xi32>
        %parallel_loop3A_549 = arith.subi %parallel_loop3A_547, %parallel_loop3A_548 : vector<16xi32>
        %parallel_loop3A_550 = tpu.dynamic_gather %parallel_loop3A_544[%parallel_loop3A_549] in [0] : vector<16xf32>, vector<16xi32> -> vector<16xf32>
        %parallel_loop3A_551 = arith.minimumf %parallel_loop3A_540, %parallel_loop3A_550 : vector<16xf32>
        %parallel_loop3A_552 = arith.maximumf %parallel_loop3A_540, %parallel_loop3A_550 : vector<16xf32>
        %parallel_loop3A_553 = arith.constant dense<true> : vector<16xi1>
        %parallel_loop3A_554, %parallel_loop3A_555, %parallel_loop3A_556 = tpu.sort %parallel_loop3A_552, %parallel_loop3A_552 masked %parallel_loop3A_553 : (vector<16xf32>, vector<16xf32>, vector<16xi1>) -> (vector<16xi1>, vector<16xf32>, vector<16xf32>)
        %parallel_loop3A_557 = arith.constant 15 : i32
        %parallel_loop3A_558 = vector.broadcast %parallel_loop3A_557 : i32 to vector<16xi32>
        %parallel_loop3A_559 = tpu.iota {dimensions = array<i32: 0>} : vector<16xi32>
        %parallel_loop3A_560 = arith.subi %parallel_loop3A_558, %parallel_loop3A_559 : vector<16xi32>
        %parallel_loop3A_561 = tpu.dynamic_gather %parallel_loop3A_555[%parallel_loop3A_560] in [0] : vector<16xf32>, vector<16xi32> -> vector<16xf32>
        %parallel_loop3A_562 = arith.constant dense<true> : vector<16xi1>
        %parallel_loop3A_563, %parallel_loop3A_564, %parallel_loop3A_565 = tpu.sort %parallel_loop3A_551, %parallel_loop3A_551 masked %parallel_loop3A_562 : (vector<16xf32>, vector<16xf32>, vector<16xi1>) -> (vector<16xi1>, vector<16xf32>, vector<16xf32>)
        %parallel_loop3A_566 = arith.constant 15 : i32
        %parallel_loop3A_567 = vector.broadcast %parallel_loop3A_566 : i32 to vector<16xi32>
        %parallel_loop3A_568 = tpu.iota {dimensions = array<i32: 0>} : vector<16xi32>
        %parallel_loop3A_569 = arith.subi %parallel_loop3A_567, %parallel_loop3A_568 : vector<16xi32>
        %parallel_loop3A_570 = tpu.dynamic_gather %parallel_loop3A_564[%parallel_loop3A_569] in [0] : vector<16xf32>, vector<16xi32> -> vector<16xf32>
        %parallel_loop3A_571 = arith.minimumf %parallel_loop3A_532, %parallel_loop3A_561 : vector<16xf32>
        %parallel_loop3A_572 = arith.maximumf %parallel_loop3A_532, %parallel_loop3A_561 : vector<16xf32>
        %parallel_loop3A_573 = arith.minimumf %parallel_loop3A_536, %parallel_loop3A_570 : vector<16xf32>
        %parallel_loop3A_574 = arith.maximumf %parallel_loop3A_536, %parallel_loop3A_570 : vector<16xf32>
        %parallel_loop3A_575 = arith.minimumf %parallel_loop3A_571, %parallel_loop3A_573 : vector<16xf32>
        %parallel_loop3A_576 = arith.maximumf %parallel_loop3A_571, %parallel_loop3A_573 : vector<16xf32>
        %parallel_loop3A_577 = arith.constant dense<true> : vector<16xi1>
        %parallel_loop3A_578, %parallel_loop3A_579, %parallel_loop3A_580 = tpu.sort %parallel_loop3A_575, %parallel_loop3A_575 masked %parallel_loop3A_577 : (vector<16xf32>, vector<16xf32>, vector<16xi1>) -> (vector<16xi1>, vector<16xf32>, vector<16xf32>)
        %parallel_loop3A_581 = arith.constant dense<true> : vector<16xi1>
        %parallel_loop3A_582, %parallel_loop3A_583, %parallel_loop3A_584 = tpu.sort %parallel_loop3A_576, %parallel_loop3A_576 masked %parallel_loop3A_581 : (vector<16xf32>, vector<16xf32>, vector<16xi1>) -> (vector<16xi1>, vector<16xf32>, vector<16xf32>)
        %parallel_loop3A_585 = arith.minimumf %parallel_loop3A_572, %parallel_loop3A_574 : vector<16xf32>
        %parallel_loop3A_586 = arith.maximumf %parallel_loop3A_572, %parallel_loop3A_574 : vector<16xf32>
        %parallel_loop3A_587 = arith.constant dense<true> : vector<16xi1>
        %parallel_loop3A_588, %parallel_loop3A_589, %parallel_loop3A_590 = tpu.sort %parallel_loop3A_585, %parallel_loop3A_585 masked %parallel_loop3A_587 : (vector<16xf32>, vector<16xf32>, vector<16xi1>) -> (vector<16xi1>, vector<16xf32>, vector<16xf32>)
        %parallel_loop3A_591 = arith.constant dense<true> : vector<16xi1>
        %parallel_loop3A_592, %parallel_loop3A_593, %parallel_loop3A_594 = tpu.sort %parallel_loop3A_586, %parallel_loop3A_586 masked %parallel_loop3A_591 : (vector<16xf32>, vector<16xf32>, vector<16xi1>) -> (vector<16xi1>, vector<16xf32>, vector<16xf32>)
        %parallel_loop3A_595 = arith.constant dense<true> : vector<16xi1>
        %parallel_loop3A_596, %parallel_loop3A_597, %parallel_loop3A_598 = tpu.sort %parallel_loop3A_266, %parallel_loop3A_266 masked %parallel_loop3A_595 : (vector<16xf32>, vector<16xf32>, vector<16xi1>) -> (vector<16xi1>, vector<16xf32>, vector<16xf32>)
        %parallel_loop3A_599 = arith.constant dense<true> : vector<16xi1>
        %parallel_loop3A_600, %parallel_loop3A_601, %parallel_loop3A_602 = tpu.sort %parallel_loop3A_270, %parallel_loop3A_270 masked %parallel_loop3A_599 : (vector<16xf32>, vector<16xf32>, vector<16xi1>) -> (vector<16xi1>, vector<16xf32>, vector<16xf32>)
        %parallel_loop3A_603 = arith.constant 15 : i32
        %parallel_loop3A_604 = vector.broadcast %parallel_loop3A_603 : i32 to vector<16xi32>
        %parallel_loop3A_605 = tpu.iota {dimensions = array<i32: 0>} : vector<16xi32>
        %parallel_loop3A_606 = arith.subi %parallel_loop3A_604, %parallel_loop3A_605 : vector<16xi32>
        %parallel_loop3A_607 = tpu.dynamic_gather %parallel_loop3A_601[%parallel_loop3A_606] in [0] : vector<16xf32>, vector<16xi32> -> vector<16xf32>
        %parallel_loop3A_608 = arith.minimumf %parallel_loop3A_597, %parallel_loop3A_607 : vector<16xf32>
        %parallel_loop3A_609 = arith.maximumf %parallel_loop3A_597, %parallel_loop3A_607 : vector<16xf32>
        %parallel_loop3A_610 = arith.constant dense<true> : vector<16xi1>
        %parallel_loop3A_611, %parallel_loop3A_612, %parallel_loop3A_613 = tpu.sort %parallel_loop3A_608, %parallel_loop3A_608 masked %parallel_loop3A_610 : (vector<16xf32>, vector<16xf32>, vector<16xi1>) -> (vector<16xi1>, vector<16xf32>, vector<16xf32>)
        %parallel_loop3A_614 = arith.constant dense<true> : vector<16xi1>
        %parallel_loop3A_615, %parallel_loop3A_616, %parallel_loop3A_617 = tpu.sort %parallel_loop3A_609, %parallel_loop3A_609 masked %parallel_loop3A_614 : (vector<16xf32>, vector<16xf32>, vector<16xi1>) -> (vector<16xi1>, vector<16xf32>, vector<16xf32>)
        %parallel_loop3A_618 = arith.constant dense<true> : vector<16xi1>
        %parallel_loop3A_619, %parallel_loop3A_620, %parallel_loop3A_621 = tpu.sort %parallel_loop3A_274, %parallel_loop3A_274 masked %parallel_loop3A_618 : (vector<16xf32>, vector<16xf32>, vector<16xi1>) -> (vector<16xi1>, vector<16xf32>, vector<16xf32>)
        %parallel_loop3A_622 = arith.constant dense<true> : vector<16xi1>
        %parallel_loop3A_623, %parallel_loop3A_624, %parallel_loop3A_625 = tpu.sort %parallel_loop3A_278, %parallel_loop3A_278 masked %parallel_loop3A_622 : (vector<16xf32>, vector<16xf32>, vector<16xi1>) -> (vector<16xi1>, vector<16xf32>, vector<16xf32>)
        %parallel_loop3A_626 = arith.constant 15 : i32
        %parallel_loop3A_627 = vector.broadcast %parallel_loop3A_626 : i32 to vector<16xi32>
        %parallel_loop3A_628 = tpu.iota {dimensions = array<i32: 0>} : vector<16xi32>
        %parallel_loop3A_629 = arith.subi %parallel_loop3A_627, %parallel_loop3A_628 : vector<16xi32>
        %parallel_loop3A_630 = tpu.dynamic_gather %parallel_loop3A_624[%parallel_loop3A_629] in [0] : vector<16xf32>, vector<16xi32> -> vector<16xf32>
        %parallel_loop3A_631 = arith.minimumf %parallel_loop3A_620, %parallel_loop3A_630 : vector<16xf32>
        %parallel_loop3A_632 = arith.maximumf %parallel_loop3A_620, %parallel_loop3A_630 : vector<16xf32>
        %parallel_loop3A_633 = arith.constant dense<true> : vector<16xi1>
        %parallel_loop3A_634, %parallel_loop3A_635, %parallel_loop3A_636 = tpu.sort %parallel_loop3A_632, %parallel_loop3A_632 masked %parallel_loop3A_633 : (vector<16xf32>, vector<16xf32>, vector<16xi1>) -> (vector<16xi1>, vector<16xf32>, vector<16xf32>)
        %parallel_loop3A_637 = arith.constant 15 : i32
        %parallel_loop3A_638 = vector.broadcast %parallel_loop3A_637 : i32 to vector<16xi32>
        %parallel_loop3A_639 = tpu.iota {dimensions = array<i32: 0>} : vector<16xi32>
        %parallel_loop3A_640 = arith.subi %parallel_loop3A_638, %parallel_loop3A_639 : vector<16xi32>
        %parallel_loop3A_641 = tpu.dynamic_gather %parallel_loop3A_635[%parallel_loop3A_640] in [0] : vector<16xf32>, vector<16xi32> -> vector<16xf32>
        %parallel_loop3A_642 = arith.constant dense<true> : vector<16xi1>
        %parallel_loop3A_643, %parallel_loop3A_644, %parallel_loop3A_645 = tpu.sort %parallel_loop3A_631, %parallel_loop3A_631 masked %parallel_loop3A_642 : (vector<16xf32>, vector<16xf32>, vector<16xi1>) -> (vector<16xi1>, vector<16xf32>, vector<16xf32>)
        %parallel_loop3A_646 = arith.constant 15 : i32
        %parallel_loop3A_647 = vector.broadcast %parallel_loop3A_646 : i32 to vector<16xi32>
        %parallel_loop3A_648 = tpu.iota {dimensions = array<i32: 0>} : vector<16xi32>
        %parallel_loop3A_649 = arith.subi %parallel_loop3A_647, %parallel_loop3A_648 : vector<16xi32>
        %parallel_loop3A_650 = tpu.dynamic_gather %parallel_loop3A_644[%parallel_loop3A_649] in [0] : vector<16xf32>, vector<16xi32> -> vector<16xf32>
        %parallel_loop3A_651 = arith.minimumf %parallel_loop3A_612, %parallel_loop3A_641 : vector<16xf32>
        %parallel_loop3A_652 = arith.maximumf %parallel_loop3A_612, %parallel_loop3A_641 : vector<16xf32>
        %parallel_loop3A_653 = arith.minimumf %parallel_loop3A_616, %parallel_loop3A_650 : vector<16xf32>
        %parallel_loop3A_654 = arith.maximumf %parallel_loop3A_616, %parallel_loop3A_650 : vector<16xf32>
        %parallel_loop3A_655 = arith.minimumf %parallel_loop3A_652, %parallel_loop3A_654 : vector<16xf32>
        %parallel_loop3A_656 = arith.maximumf %parallel_loop3A_652, %parallel_loop3A_654 : vector<16xf32>
        %parallel_loop3A_657 = arith.constant dense<true> : vector<16xi1>
        %parallel_loop3A_658, %parallel_loop3A_659, %parallel_loop3A_660 = tpu.sort %parallel_loop3A_656, %parallel_loop3A_656 masked %parallel_loop3A_657 : (vector<16xf32>, vector<16xf32>, vector<16xi1>) -> (vector<16xi1>, vector<16xf32>, vector<16xf32>)
        %parallel_loop3A_661 = arith.constant 15 : i32
        %parallel_loop3A_662 = vector.broadcast %parallel_loop3A_661 : i32 to vector<16xi32>
        %parallel_loop3A_663 = tpu.iota {dimensions = array<i32: 0>} : vector<16xi32>
        %parallel_loop3A_664 = arith.subi %parallel_loop3A_662, %parallel_loop3A_663 : vector<16xi32>
        %parallel_loop3A_665 = tpu.dynamic_gather %parallel_loop3A_659[%parallel_loop3A_664] in [0] : vector<16xf32>, vector<16xi32> -> vector<16xf32>
        %parallel_loop3A_666 = arith.constant dense<true> : vector<16xi1>
        %parallel_loop3A_667, %parallel_loop3A_668, %parallel_loop3A_669 = tpu.sort %parallel_loop3A_655, %parallel_loop3A_655 masked %parallel_loop3A_666 : (vector<16xf32>, vector<16xf32>, vector<16xi1>) -> (vector<16xi1>, vector<16xf32>, vector<16xf32>)
        %parallel_loop3A_670 = arith.constant 15 : i32
        %parallel_loop3A_671 = vector.broadcast %parallel_loop3A_670 : i32 to vector<16xi32>
        %parallel_loop3A_672 = tpu.iota {dimensions = array<i32: 0>} : vector<16xi32>
        %parallel_loop3A_673 = arith.subi %parallel_loop3A_671, %parallel_loop3A_672 : vector<16xi32>
        %parallel_loop3A_674 = tpu.dynamic_gather %parallel_loop3A_668[%parallel_loop3A_673] in [0] : vector<16xf32>, vector<16xi32> -> vector<16xf32>
        %parallel_loop3A_675 = arith.minimumf %parallel_loop3A_651, %parallel_loop3A_653 : vector<16xf32>
        %parallel_loop3A_676 = arith.maximumf %parallel_loop3A_651, %parallel_loop3A_653 : vector<16xf32>
        %parallel_loop3A_677 = arith.constant dense<true> : vector<16xi1>
        %parallel_loop3A_678, %parallel_loop3A_679, %parallel_loop3A_680 = tpu.sort %parallel_loop3A_676, %parallel_loop3A_676 masked %parallel_loop3A_677 : (vector<16xf32>, vector<16xf32>, vector<16xi1>) -> (vector<16xi1>, vector<16xf32>, vector<16xf32>)
        %parallel_loop3A_681 = arith.constant 15 : i32
        %parallel_loop3A_682 = vector.broadcast %parallel_loop3A_681 : i32 to vector<16xi32>
        %parallel_loop3A_683 = tpu.iota {dimensions = array<i32: 0>} : vector<16xi32>
        %parallel_loop3A_684 = arith.subi %parallel_loop3A_682, %parallel_loop3A_683 : vector<16xi32>
        %parallel_loop3A_685 = tpu.dynamic_gather %parallel_loop3A_679[%parallel_loop3A_684] in [0] : vector<16xf32>, vector<16xi32> -> vector<16xf32>
        %parallel_loop3A_686 = arith.constant dense<true> : vector<16xi1>
        %parallel_loop3A_687, %parallel_loop3A_688, %parallel_loop3A_689 = tpu.sort %parallel_loop3A_675, %parallel_loop3A_675 masked %parallel_loop3A_686 : (vector<16xf32>, vector<16xf32>, vector<16xi1>) -> (vector<16xi1>, vector<16xf32>, vector<16xf32>)
        %parallel_loop3A_690 = arith.constant 15 : i32
        %parallel_loop3A_691 = vector.broadcast %parallel_loop3A_690 : i32 to vector<16xi32>
        %parallel_loop3A_692 = tpu.iota {dimensions = array<i32: 0>} : vector<16xi32>
        %parallel_loop3A_693 = arith.subi %parallel_loop3A_691, %parallel_loop3A_692 : vector<16xi32>
        %parallel_loop3A_694 = tpu.dynamic_gather %parallel_loop3A_688[%parallel_loop3A_693] in [0] : vector<16xf32>, vector<16xi32> -> vector<16xf32>
        %parallel_loop3A_695 = arith.minimumf %parallel_loop3A_579, %parallel_loop3A_665 : vector<16xf32>
        %parallel_loop3A_696 = arith.maximumf %parallel_loop3A_579, %parallel_loop3A_665 : vector<16xf32>
        %parallel_loop3A_697 = arith.minimumf %parallel_loop3A_583, %parallel_loop3A_674 : vector<16xf32>
        %parallel_loop3A_698 = arith.maximumf %parallel_loop3A_583, %parallel_loop3A_674 : vector<16xf32>
        %parallel_loop3A_699 = arith.minimumf %parallel_loop3A_589, %parallel_loop3A_685 : vector<16xf32>
        %parallel_loop3A_700 = arith.maximumf %parallel_loop3A_589, %parallel_loop3A_685 : vector<16xf32>
        %parallel_loop3A_701 = arith.minimumf %parallel_loop3A_593, %parallel_loop3A_694 : vector<16xf32>
        %parallel_loop3A_702 = arith.maximumf %parallel_loop3A_593, %parallel_loop3A_694 : vector<16xf32>
        %parallel_loop3A_703 = arith.minimumf %parallel_loop3A_696, %parallel_loop3A_700 : vector<16xf32>
        %parallel_loop3A_704 = arith.maximumf %parallel_loop3A_696, %parallel_loop3A_700 : vector<16xf32>
        %parallel_loop3A_705 = arith.minimumf %parallel_loop3A_698, %parallel_loop3A_702 : vector<16xf32>
        %parallel_loop3A_706 = arith.maximumf %parallel_loop3A_698, %parallel_loop3A_702 : vector<16xf32>
        %parallel_loop3A_707 = arith.minimumf %parallel_loop3A_704, %parallel_loop3A_706 : vector<16xf32>
        %parallel_loop3A_708 = arith.maximumf %parallel_loop3A_704, %parallel_loop3A_706 : vector<16xf32>
        %parallel_loop3A_709 = arith.constant dense<true> : vector<16xi1>
        %parallel_loop3A_710, %parallel_loop3A_711, %parallel_loop3A_712 = tpu.sort %parallel_loop3A_708, %parallel_loop3A_708 masked %parallel_loop3A_709 : (vector<16xf32>, vector<16xf32>, vector<16xi1>) -> (vector<16xi1>, vector<16xf32>, vector<16xf32>)
        %parallel_loop3A_713 = arith.constant 15 : i32
        %parallel_loop3A_714 = vector.broadcast %parallel_loop3A_713 : i32 to vector<16xi32>
        %parallel_loop3A_715 = tpu.iota {dimensions = array<i32: 0>} : vector<16xi32>
        %parallel_loop3A_716 = arith.subi %parallel_loop3A_714, %parallel_loop3A_715 : vector<16xi32>
        %parallel_loop3A_717 = tpu.dynamic_gather %parallel_loop3A_711[%parallel_loop3A_716] in [0] : vector<16xf32>, vector<16xi32> -> vector<16xf32>
        %parallel_loop3A_718 = arith.constant dense<true> : vector<16xi1>
        %parallel_loop3A_719, %parallel_loop3A_720, %parallel_loop3A_721 = tpu.sort %parallel_loop3A_707, %parallel_loop3A_707 masked %parallel_loop3A_718 : (vector<16xf32>, vector<16xf32>, vector<16xi1>) -> (vector<16xi1>, vector<16xf32>, vector<16xf32>)
        %parallel_loop3A_722 = arith.constant 15 : i32
        %parallel_loop3A_723 = vector.broadcast %parallel_loop3A_722 : i32 to vector<16xi32>
        %parallel_loop3A_724 = tpu.iota {dimensions = array<i32: 0>} : vector<16xi32>
        %parallel_loop3A_725 = arith.subi %parallel_loop3A_723, %parallel_loop3A_724 : vector<16xi32>
        %parallel_loop3A_726 = tpu.dynamic_gather %parallel_loop3A_720[%parallel_loop3A_725] in [0] : vector<16xf32>, vector<16xi32> -> vector<16xf32>
        %parallel_loop3A_727 = arith.minimumf %parallel_loop3A_703, %parallel_loop3A_705 : vector<16xf32>
        %parallel_loop3A_728 = arith.maximumf %parallel_loop3A_703, %parallel_loop3A_705 : vector<16xf32>
        %parallel_loop3A_729 = arith.constant dense<true> : vector<16xi1>
        %parallel_loop3A_730, %parallel_loop3A_731, %parallel_loop3A_732 = tpu.sort %parallel_loop3A_728, %parallel_loop3A_728 masked %parallel_loop3A_729 : (vector<16xf32>, vector<16xf32>, vector<16xi1>) -> (vector<16xi1>, vector<16xf32>, vector<16xf32>)
        %parallel_loop3A_733 = arith.constant 15 : i32
        %parallel_loop3A_734 = vector.broadcast %parallel_loop3A_733 : i32 to vector<16xi32>
        %parallel_loop3A_735 = tpu.iota {dimensions = array<i32: 0>} : vector<16xi32>
        %parallel_loop3A_736 = arith.subi %parallel_loop3A_734, %parallel_loop3A_735 : vector<16xi32>
        %parallel_loop3A_737 = tpu.dynamic_gather %parallel_loop3A_731[%parallel_loop3A_736] in [0] : vector<16xf32>, vector<16xi32> -> vector<16xf32>
        %parallel_loop3A_738 = arith.constant dense<true> : vector<16xi1>
        %parallel_loop3A_739, %parallel_loop3A_740, %parallel_loop3A_741 = tpu.sort %parallel_loop3A_727, %parallel_loop3A_727 masked %parallel_loop3A_738 : (vector<16xf32>, vector<16xf32>, vector<16xi1>) -> (vector<16xi1>, vector<16xf32>, vector<16xf32>)
        %parallel_loop3A_742 = arith.constant 15 : i32
        %parallel_loop3A_743 = vector.broadcast %parallel_loop3A_742 : i32 to vector<16xi32>
        %parallel_loop3A_744 = tpu.iota {dimensions = array<i32: 0>} : vector<16xi32>
        %parallel_loop3A_745 = arith.subi %parallel_loop3A_743, %parallel_loop3A_744 : vector<16xi32>
        %parallel_loop3A_746 = tpu.dynamic_gather %parallel_loop3A_740[%parallel_loop3A_745] in [0] : vector<16xf32>, vector<16xi32> -> vector<16xf32>
        %parallel_loop3A_747 = arith.minimumf %parallel_loop3A_695, %parallel_loop3A_699 : vector<16xf32>
        %parallel_loop3A_748 = arith.maximumf %parallel_loop3A_695, %parallel_loop3A_699 : vector<16xf32>
        %parallel_loop3A_749 = arith.minimumf %parallel_loop3A_697, %parallel_loop3A_701 : vector<16xf32>
        %parallel_loop3A_750 = arith.maximumf %parallel_loop3A_697, %parallel_loop3A_701 : vector<16xf32>
        %parallel_loop3A_751 = arith.minimumf %parallel_loop3A_748, %parallel_loop3A_750 : vector<16xf32>
        %parallel_loop3A_752 = arith.maximumf %parallel_loop3A_748, %parallel_loop3A_750 : vector<16xf32>
        %parallel_loop3A_753 = arith.constant dense<true> : vector<16xi1>
        %parallel_loop3A_754, %parallel_loop3A_755, %parallel_loop3A_756 = tpu.sort %parallel_loop3A_752, %parallel_loop3A_752 masked %parallel_loop3A_753 : (vector<16xf32>, vector<16xf32>, vector<16xi1>) -> (vector<16xi1>, vector<16xf32>, vector<16xf32>)
        %parallel_loop3A_757 = arith.constant 15 : i32
        %parallel_loop3A_758 = vector.broadcast %parallel_loop3A_757 : i32 to vector<16xi32>
        %parallel_loop3A_759 = tpu.iota {dimensions = array<i32: 0>} : vector<16xi32>
        %parallel_loop3A_760 = arith.subi %parallel_loop3A_758, %parallel_loop3A_759 : vector<16xi32>
        %parallel_loop3A_761 = tpu.dynamic_gather %parallel_loop3A_755[%parallel_loop3A_760] in [0] : vector<16xf32>, vector<16xi32> -> vector<16xf32>
        %parallel_loop3A_762 = arith.constant dense<true> : vector<16xi1>
        %parallel_loop3A_763, %parallel_loop3A_764, %parallel_loop3A_765 = tpu.sort %parallel_loop3A_751, %parallel_loop3A_751 masked %parallel_loop3A_762 : (vector<16xf32>, vector<16xf32>, vector<16xi1>) -> (vector<16xi1>, vector<16xf32>, vector<16xf32>)
        %parallel_loop3A_766 = arith.constant 15 : i32
        %parallel_loop3A_767 = vector.broadcast %parallel_loop3A_766 : i32 to vector<16xi32>
        %parallel_loop3A_768 = tpu.iota {dimensions = array<i32: 0>} : vector<16xi32>
        %parallel_loop3A_769 = arith.subi %parallel_loop3A_767, %parallel_loop3A_768 : vector<16xi32>
        %parallel_loop3A_770 = tpu.dynamic_gather %parallel_loop3A_764[%parallel_loop3A_769] in [0] : vector<16xf32>, vector<16xi32> -> vector<16xf32>
        %parallel_loop3A_771 = arith.minimumf %parallel_loop3A_747, %parallel_loop3A_749 : vector<16xf32>
        %parallel_loop3A_772 = arith.maximumf %parallel_loop3A_747, %parallel_loop3A_749 : vector<16xf32>
        %parallel_loop3A_773 = arith.constant dense<true> : vector<16xi1>
        %parallel_loop3A_774, %parallel_loop3A_775, %parallel_loop3A_776 = tpu.sort %parallel_loop3A_772, %parallel_loop3A_772 masked %parallel_loop3A_773 : (vector<16xf32>, vector<16xf32>, vector<16xi1>) -> (vector<16xi1>, vector<16xf32>, vector<16xf32>)
        %parallel_loop3A_777 = arith.constant 15 : i32
        %parallel_loop3A_778 = vector.broadcast %parallel_loop3A_777 : i32 to vector<16xi32>
        %parallel_loop3A_779 = tpu.iota {dimensions = array<i32: 0>} : vector<16xi32>
        %parallel_loop3A_780 = arith.subi %parallel_loop3A_778, %parallel_loop3A_779 : vector<16xi32>
        %parallel_loop3A_781 = tpu.dynamic_gather %parallel_loop3A_775[%parallel_loop3A_780] in [0] : vector<16xf32>, vector<16xi32> -> vector<16xf32>
        %parallel_loop3A_782 = arith.constant dense<true> : vector<16xi1>
        %parallel_loop3A_783, %parallel_loop3A_784, %parallel_loop3A_785 = tpu.sort %parallel_loop3A_771, %parallel_loop3A_771 masked %parallel_loop3A_782 : (vector<16xf32>, vector<16xf32>, vector<16xi1>) -> (vector<16xi1>, vector<16xf32>, vector<16xf32>)
        %parallel_loop3A_786 = arith.constant 15 : i32
        %parallel_loop3A_787 = vector.broadcast %parallel_loop3A_786 : i32 to vector<16xi32>
        %parallel_loop3A_788 = tpu.iota {dimensions = array<i32: 0>} : vector<16xi32>
        %parallel_loop3A_789 = arith.subi %parallel_loop3A_787, %parallel_loop3A_788 : vector<16xi32>
        %parallel_loop3A_790 = tpu.dynamic_gather %parallel_loop3A_784[%parallel_loop3A_789] in [0] : vector<16xf32>, vector<16xi32> -> vector<16xf32>
        %parallel_loop3A_791 = arith.maximumf %parallel_loop3A_475, %parallel_loop3A_717 : vector<16xf32>
        %parallel_loop3A_792 = arith.maximumf %parallel_loop3A_479, %parallel_loop3A_726 : vector<16xf32>
        %parallel_loop3A_793 = arith.minimumf %parallel_loop3A_791, %parallel_loop3A_792 : vector<16xf32>
        %parallel_loop3A_794 = arith.maximumf %parallel_loop3A_485, %parallel_loop3A_737 : vector<16xf32>
        %parallel_loop3A_795 = arith.minimumf %parallel_loop3A_793, %parallel_loop3A_794 : vector<16xf32>
        %parallel_loop3A_796 = arith.maximumf %parallel_loop3A_489, %parallel_loop3A_746 : vector<16xf32>
        %parallel_loop3A_797 = arith.minimumf %parallel_loop3A_795, %parallel_loop3A_796 : vector<16xf32>
        %parallel_loop3A_798 = arith.maximumf %parallel_loop3A_499, %parallel_loop3A_761 : vector<16xf32>
        %parallel_loop3A_799 = arith.minimumf %parallel_loop3A_797, %parallel_loop3A_798 : vector<16xf32>
        %parallel_loop3A_800 = arith.maximumf %parallel_loop3A_503, %parallel_loop3A_770 : vector<16xf32>
        %parallel_loop3A_801 = arith.minimumf %parallel_loop3A_799, %parallel_loop3A_800 : vector<16xf32>
        %parallel_loop3A_802 = arith.maximumf %parallel_loop3A_509, %parallel_loop3A_781 : vector<16xf32>
        %parallel_loop3A_803 = arith.minimumf %parallel_loop3A_801, %parallel_loop3A_802 : vector<16xf32>
        %parallel_loop3A_804 = arith.maximumf %parallel_loop3A_513, %parallel_loop3A_790 : vector<16xf32>
        %parallel_loop3A_805 = arith.minimumf %parallel_loop3A_803, %parallel_loop3A_804 : vector<16xf32>
        %parallel_loop3A_806 = arith.constant true
        %parallel_loop3A_807 = vector.broadcast %parallel_loop3A_806 : i1 to vector<16xi1>
        %parallel_loop3A_808 = tpu.scan <min>, %parallel_loop3A_805 masked %parallel_loop3A_807 : vector<16xf32>, vector<16xi1> -> vector<16xf32>
        %parallel_loop3A_809 = vector.extract %parallel_loop3A_808[15] : f32 from vector<16xf32>
        %parallel_loop3A_810 = vector.broadcast %parallel_loop3A_809 : f32 to vector<16xf32>
        tpu.vector_store_idx %arg6[%parallel_loop3A_214], %parallel_loop3A_810 masked %eq3A_4 : memref<128xf32, #tpu.memory_space<vmem>>[vector<16xi32>], vector<16xf32>, vector<16xi1>
      } {sc.loop_unroll_factor = 2 : i64, sc.parallel_access}
      %mul3A_211 = arith.constant 128 : i32
      %mul3A_212 = arith.muli %select_n3A_207, %mul3A_211 : i32
      "tpu.region"() ({
        %run_scoped3A = tpu.sem_alloc : memref<!tpu.dma_semaphore, #tpu.memory_space<semaphore_mem>>
        %dma_start3A_213 = tpu.memref_slice %arg3[%select_n3A_191, %mul3A_212] : memref<64x768xf32, #tpu.memory_space<hbm>> -> memref<1x128xf32, #tpu.memory_space<hbm>>
        %dma_start3A_214 = tpu.memref_squeeze %dma_start3A_213 : memref<1x128xf32, #tpu.memory_space<hbm>> -> memref<128xf32, #tpu.memory_space<hbm>>
        %dma_start3A_215 = tpu.memref_slice %arg3[%select_n3A_191, %mul3A_212] : memref<64x768xf32, #tpu.memory_space<hbm>> -> memref<1x128xf32, #tpu.memory_space<hbm>>
        %dma_start3A_216 = tpu.memref_squeeze %dma_start3A_215 : memref<1x128xf32, #tpu.memory_space<hbm>> -> memref<128xf32, #tpu.memory_space<hbm>>
        tpu.enqueue_dma source(%arg6 : memref<128xf32, #tpu.memory_space<vmem>>) target(%dma_start3A_216 : memref<128xf32, #tpu.memory_space<hbm>>) target_semaphore(%run_scoped3A : memref<!tpu.dma_semaphore, #tpu.memory_space<semaphore_mem>>)
        %dma_wait3A_217 = tpu.memref_slice %arg3[%select_n3A_191, %mul3A_212] : memref<64x768xf32, #tpu.memory_space<hbm>> -> memref<1x128xf32, #tpu.memory_space<hbm>>
        %dma_wait3A_218 = tpu.memref_squeeze %dma_wait3A_217 : memref<1x128xf32, #tpu.memory_space<hbm>> -> memref<128xf32, #tpu.memory_space<hbm>>
        %dma_wait3A_219 = tpu.memref_slice %arg3[%select_n3A_191, %mul3A_212] : memref<64x768xf32, #tpu.memory_space<hbm>> -> memref<1x128xf32, #tpu.memory_space<hbm>>
        %dma_wait3A_220 = tpu.memref_squeeze %dma_wait3A_219 : memref<1x128xf32, #tpu.memory_space<hbm>> -> memref<128xf32, #tpu.memory_space<hbm>>
        tpu.wait_dma2 semaphore(%run_scoped3A : memref<!tpu.dma_semaphore, #tpu.memory_space<semaphore_mem>>) src(%arg6 : memref<128xf32, #tpu.memory_space<vmem>>) dst(%dma_wait3A_220 : memref<128xf32, #tpu.memory_space<hbm>>)
        tpu.yield
      }) : () -> ()
    }
    %scan3A_47 = arith.constant 6 : i32
    return
  }
}

module attributes {stable_mosaic.version = 14 : i64} {
  func.func @mm_kernel(%arg0: i32, %arg1: memref<64x768xf32, #tpu.memory_space<vmem>>, %arg2: memref<2048x768xf32, #tpu.memory_space<vmem>>, %arg3: memref<1x2048xf32, #tpu.memory_space<vmem>>, %arg4: memref<64x2048xf32, #tpu.memory_space<vmem>>) attributes {dimension_semantics = [#tpu.dimension_semantics<arbitrary>], iteration_bounds = array<i64: 11>, scalar_prefetch = 0 : i64, scratch_operands = 0 : i64, tpu.core_type = #tpu.core_type<tc>, window_params = [{pipeline_mode = #tpu.pipeline_mode<synchronous>, transform_indices = @transform_0, window_bounds = array<i64: 64, 768>}, {transform_indices = @transform_1, window_bounds = array<i64: 2048, 768>}, {transform_indices = @transform_2, window_bounds = array<i64: 1, 2048>}, {transform_indices = @transform_3, window_bounds = array<i64: 64, 2048>}]} {
    %get3A = arith.constant 0 : index
    %get3A_0 = arith.constant 0 : index
    %get3A_1 = vector.load %arg1[%get3A, %get3A_0] : memref<64x768xf32, #tpu.memory_space<vmem>>, vector<64x768xf32>
    %get3A_2 = arith.constant 0 : index
    %get3A_3 = arith.constant 0 : index
    %get3A_4 = vector.load %arg2[%get3A_2, %get3A_3] : memref<2048x768xf32, #tpu.memory_space<vmem>>, vector<2048x768xf32>
    %dot_general3A = arith.constant dense<0.000000e+00> : vector<64x2048xf32>
    %dot_general3A_5 = tpu.matmul %get3A_1, %get3A_4, %dot_general3A {dimension_numbers = #tpu.dot_dimension_numbers<[1], [1], [0], [0], [0, 0, 1, 0], [], []>, transpose_lhs_hint = false} : vector<64x768xf32>, vector<2048x768xf32>, vector<64x2048xf32> -> vector<64x2048xf32>
    %get3A_6 = arith.constant 0 : index
    %get3A_7 = arith.constant 0 : index
    %get3A_8 = vector.load %arg3[%get3A_6, %get3A_7] : memref<1x2048xf32, #tpu.memory_space<vmem>>, vector<1x2048xf32>
    %add3A = vector.broadcast %get3A_8 : vector<1x2048xf32> to vector<64x2048xf32>
    %add3A_9 = arith.addf %dot_general3A_5, %add3A : vector<64x2048xf32>
    %swap3A = arith.constant 0 : index
    %swap3A_10 = arith.constant 0 : index
    %swap3A_11 = vector.load %arg4[%swap3A, %swap3A_10] : memref<64x2048xf32, #tpu.memory_space<vmem>>, vector<64x2048xf32>
    tpu.vector_store %arg4[%swap3A, %swap3A_10], %add3A_9 {strides = array<i32>} : memref<64x2048xf32, #tpu.memory_space<vmem>>, vector<64x2048xf32>,
    return
  }
  func.func @transform_0(%arg0: i32) -> (i32, i32) {
    %c0_i32 = arith.constant 0 : i32
    %c0_i32_0 = arith.constant 0 : i32
    %c0_i32_1 = arith.constant 0 : i32
    return %c0_i32, %c0_i32_0 : i32, i32
  }
  func.func @transform_1(%arg0: i32) -> (i32, i32) {
    %c0_i32 = arith.constant 0 : i32
    %c0_i32_0 = arith.constant 0 : i32
    return %arg0, %c0_i32 : i32, i32
  }
  func.func @transform_2(%arg0: i32) -> (i32, i32) {
    %c0_i32 = arith.constant 0 : i32
    %c0_i32_0 = arith.constant 0 : i32
    return %c0_i32, %arg0 : i32, i32
  }
  func.func @transform_3(%arg0: i32) -> (i32, i32) {
    %c0_i32 = arith.constant 0 : i32
    %c0_i32_0 = arith.constant 0 : i32
    return %c0_i32, %arg0 : i32, i32
  }
}

</mosaic_0001>

<sc_bundles>
// kernel: kernel.4.cloned.1.call-start
scs
__scs_entry_jumppad:
0x0: {  	(pc) =	sbr.rel $0x88, $3  }
0x1: {  	(tag) =	ssettag $0x0;
	lr =	simm.s32 $0x1  }
0x2: {  	[smem:$0x3F9E] =	sst lr;
	_ =	strace $0xD0000000  }
0x3: {  	_ = 	snop  }
0x4: {  	_ = 	snop  }
0x5: {  	_ = 	snop  }
0x6: {  	_ = 	snop  }
0x7: {  	_ = 	snop  }
__scs_overlays_trampoline_lowered:
0x8: {  	[smem:$0x3FAD] =	sst s0  }
0x9: {  	[smem:$0x3FAE] =	sst s1  }
0xa: {  	[smem:$0x3FAF] =	sst s2  }
0xb: {  	[smem:$0x3FB0] =	sst s3  }
0xc: {  	[smem:$0x3FB1] =	sst s4  }
0xd: {  	[smem:$0x3FB2] =	sst s5  }
0xe: {  	[smem:$0x3FB3] =	sst s6  }
0xf: {  	[smem:$0x3FB4] =	sst s7  }
0x10: {  	[smem:$0x3FB5] =	sst s8  }
0x11: {  	[smem:$0x3FB6] =	sst s9;
	s0 =	simm.s32 @!p0 $0x0  }
0x12: {  	s1 =	sld [smem:$0x3F9C];
	s0 =	simm.s32 @p0 $0x1  }
0x13: {  	[smem:$0x3FB7] =	sst s0;
	s0 =	simm.s32 @!p1 $0x0  }
0x14: {  	s2 =	sld [smem:$0x3F9B];
	s0 =	simm.s32 @p1 $0x1  }
0x15: {  	[smem:$0x3FB8] =	sst s0;
	s0 =	simm.s32 @!p2 $0x0  }
0x16: {  	s3 =	sld [smem:$0x3FDB];
	s0 =	simm.s32 @p2 $0x1  }
0x17: {  	s4 =	simm.s32 $0x1BF5;
	[smem:$0x3FBA] =	sst s0  }
0x18: {  	s0 =	sld [smem:$0x3F9D];
	_ =	swait.ge [sflag:s4], $0x0  }
0x19: {  	s7 =	sld [smem:$0x3F9E]  }
0x1a: {  	s8 =	sadd.s32 $0xFFFFE003, lr  }
0x1b: {  	s9 =	sadd.s32 $0xFFFFFEF7, lr;
	s5 =	simm.s32 $0xFFFFFFFF;
	p2 =	slt.u32 s8, $0xFFFFF086  }
0x1c: {  	p1 =	slt.u32 s9, $0xF7A;
	s5 =	simm.s32 @!p2 $0x0  }
0x1d: {  	s5 =	simm.s32 @p1 $0x1;
	p0 =	seq.s32 s7, s2  }
0x1e: {  	s7 =	smul.u32 @!p0 $0xF7A, s2;
	p2 =	seq.s32 @!p0 s5, $0x0  }
0x1f: {  	s9 =	smul.u32 $0xF7A, s1;
	s8 =	simm.s32 @!p0 $0x1BF5;
	p2 =	por !p2, p0  }
0x20: {  	[sflag:s8] =	ssyncset.s32 @!p0 $0xFFFFF086;
	s6 =	sadd.s32 @!p0 s3, s7;
	s7 =	simm.s32 @!p0 $0x108  }
0x21: {  	s3 =	sadd.s32 s3, s9;
	s6 =	sadd.s32 @!p0 $0x88, s6;
	s7 =	simm.s32 @p2 $0x1082  }
0x22: {  	[simem:s7], [sflag:s8] =	dma.local @!p0 [hbm:s6], $0xF7A  }
0x23: {  	s9 =	sor.u32 $0xD0000000, s2;
	s6 =	simm.s32 $0x108;
	_ =	swait.ge @!p0 [sflag:s8], $0x0  }
0x24: {  	s3 =	sadd.s32 $0x88, s3;
	s6 =	simm.s32 @!p1 $0x1082;
	[sflag:s4] =	ssyncset.s32 $0xFFFFF086  }
0x25: {  	[simem:s6], [sflag:s4] =	dma.local [hbm:s3], $0xF7A  }
0x26: {  	[smem:$0x3F9E] =	sst s1;
	(tag) =	ssettag s2;
	_ =	strace s9  }
0x27: {  	s1 =	sld [smem:$0x3FAE]  }
0x28: {  	s2 =	sld [smem:$0x3FAF]  }
0x29: {  	s4 =	sld [smem:$0x3FB1]  }
0x2a: {  	p0 =	seq.s32 s5, $0x0;
	s5 =	sld [smem:$0x3FB2]  }
0x2b: {  	s6 =	sld [smem:$0x3FB3]  }
0x2c: {  	s7 =	sld [smem:$0x3FB4]  }
0x2d: {  	s3 =	simm.s32 $0x108;
	s8 =	sld [smem:$0x3FB5]  }
0x2e: {  	s3 =	simm.s32 @!p0 $0x1082;
	s9 =	sld [smem:$0x3FB6]  }
0x2f: {  	lr =	sadd.s32 s0, s3;
	s0 =	sld [smem:$0x3FAD]  }
0x30: {  	s3 =	sld [smem:$0x3FB0]  }
0x31: {  	[smem:$0x3FB9] =	sst s10  }
0x32: {  	s10 =	sld [smem:$0x3FB7];
	_ =	sdelay $0x3  }
0x33: {  	p0 =	seq.s32 s10, $0x1;
	s10 =	sld [smem:$0x3FB9];
	_ =	sdelay $0x3  }
0x34: {  	[smem:$0x3FB9] =	sst s10  }
0x35: {  	s10 =	sld [smem:$0x3FB8];
	_ =	sdelay $0x3  }
0x36: {  	p1 =	seq.s32 s10, $0x1;
	s10 =	sld [smem:$0x3FB9];
	_ =	sdelay $0x3  }
0x37: {  	[smem:$0x3FB9] =	sst s10  }
0x38: {  	s10 =	sld [smem:$0x3FBA]  }
0x39: {  	_ = 	snop;
	(pc) =	sbr.ind lr, $3  }
0x3a: {  	_ = 	snop  }
0x3b: {  	_ = 	snop  }
0x3c: {  	p2 =	seq.s32 s10, $0x1;
	s10 =	sld [smem:$0x3FB9]  }
0x3d: {  	_ =	shalt  }
0x3e: {  	_ =	shalt  }
0x3f: {  	_ =	shalt  }
0x40: {  	_ =	shalt  }
0x41: {  	_ =	shalt  }
0x42: {  	_ =	shalt  }
0x43: {  	_ =	shalt  }
0x44: {  	_ =	shalt  }
0x45: {  	_ =	shalt  }
0x46: {  	_ =	shalt  }
0x47: {  	_ =	shalt  }
0x48: {  	_ =	shalt  }
0x49: {  	_ =	shalt  }
0x4a: {  	_ =	shalt  }
0x4b: {  	_ =	shalt  }
0x4c: {  	_ =	shalt  }
0x4d: {  	_ =	shalt  }
0x4e: {  	_ =	shalt  }
0x4f: {  	_ =	shalt  }
0x50: {  	_ =	shalt  }
0x51: {  	_ =	shalt  }
0x52: {  	_ =	shalt  }
0x53: {  	_ =	shalt  }
0x54: {  	_ =	shalt  }
0x55: {  	_ =	shalt  }
0x56: {  	_ =	shalt  }
0x57: {  	_ =	shalt  }
0x58: {  	_ =	shalt  }
0x59: {  	_ =	shalt  }
0x5a: {  	_ =	shalt  }
0x5b: {  	_ =	shalt  }
0x5c: {  	_ =	shalt  }
0x5d: {  	_ =	shalt  }
0x5e: {  	_ =	shalt  }
0x5f: {  	_ =	shalt  }
0x60: {  	_ =	shalt  }
0x61: {  	_ =	shalt  }
0x62: {  	_ =	shalt  }
0x63: {  	_ =	shalt  }
0x64: {  	_ =	shalt  }
0x65: {  	_ =	shalt  }
0x66: {  	_ =	shalt  }
0x67: {  	_ =	shalt  }
0x68: {  	_ =	shalt  }
0x69: {  	_ =	shalt  }
0x6a: {  	_ =	shalt  }
0x6b: {  	_ =	shalt  }
0x6c: {  	_ =	shalt  }
0x6d: {  	_ =	shalt  }
0x6e: {  	_ =	shalt  }
0x6f: {  	_ =	shalt  }
0x70: {  	_ =	shalt  }
0x71: {  	_ =	shalt  }
0x72: {  	_ =	shalt  }
0x73: {  	_ =	shalt  }
0x74: {  	_ =	shalt  }
0x75: {  	_ =	shalt  }
0x76: {  	_ =	shalt  }
0x77: {  	_ =	shalt  }
0x78: {  	_ =	shalt  }
0x79: {  	_ =	shalt  }
0x7a: {  	_ =	shalt  }
0x7b: {  	_ =	shalt  }
0x7c: {  	_ =	shalt  }
0x7d: {  	_ =	shalt  }
0x7e: {  	_ =	shalt  }
0x7f: {  	_ =	shalt  }
0x80: {  	_ =	shalt  }
0x81: {  	_ =	shalt  }
0x82: {  	_ =	shalt  }
0x83: {  	_ =	shalt  }
0x84: {  	_ =	shalt  }
0x85: {  	_ =	shalt  }
0x86: {  	_ =	shalt  }
0x87: {  	_ =	shalt  }
.Lfunc_end0:
.L_simem_size_0:
called_computation_lowered:
.L_overlay_start_0:
0x88: {  	s2 =	sld [smem:$0x3FD9]  }
0x89: {  	s3 =	sld [smem:$0x3FFE];
	_ =	sdelay $0x1  }
0x8a: {  	s1 =	srdreg.scid  }
0x8b: {  	s0 =	sand.u32 $0x1, s1  }
0x8c: {  	s18 =	sshll.u32 s0, $0xA;
	s2 =	sadd.s32 s3, s2  }
0x8d: {  	s2 =	sadd.s32 s2, s18  }
0x8e: {  	[smem:$0x3FC5] =	sst s2  }
0x8f: {  	_ = 	snop  }
0x90: {  	s2 =	sld [smem:$0x3FC9]  }
0x91: {  	s19 =	sld [smem:$0x3FD0];
	(tm) =	ssettm $0x1  }
0x92: {  	s4 =	sld [smem:$0x3FFB];
	_ =	sdelay $0x3  }
0x93: {  	_ =	strace s4  }
0x94: {  	s4 =	sld [smem:$0x3FFC];
	_ =	sdelay $0x3  }
0x95: {  	_ =	strace s4  }
0x96: {  	s4 =	sld [smem:$0x3FFD];
	_ =	sdelay $0x3  }
0x97: {  	_ =	strace s4  }
0x98: {  	_ =	strace $0x8FFFFFFF  }
0x99: {  	s20 =	sld [smem:$0x3FDB];
	_ =	sdelay $0x1  }
0x9a: {  	s5 =	simm.s32 $_scs_section_size  }
0x9b: {  	s6 =	simm.s32 $_size__tile_overlayer_lowered;
	s7 =	simm.s32 $_tile_overlayer_lowered  }
0x9c: {  	s23 =	simm.s32 $0x1BFF;
	s22 =	sshll.u32 s7, $0x1;
	s4 =	sadd.s32 s5, s20  }
0x9d: {  	s8 =	simm.s32 $0x0;
	s21 =	sshll.u32 s6, $0x1;
	s6 =	sadd.s32 s22, s4  }
0x9e: {  	[timem:s8], [sflag:s23] =	dma.local [hbm:s6], s21  }
0x9f: {  	_ =	swait.ge [sflag:s23], s21  }
0xa0: {  	s5 =	ssub.s32 $0x0, s21;
	[sflag:s23] =	ssyncset.done $0x0  }
0xa1: {  	[sflag:s23] =	ssyncadd.s32 s5;
	_ =	sdelay $0x1  }
0xa2: {  	s24 =	simm.s32 $0x1B8B  }
0xa3: {  	_ =	swait.ge [sflag:s24], $0x1  }
0xa4: {  	[sflag:s24] =	ssyncset.done $0x0  }
0xa5: {  	s25 =	simm.s32 $0x1B8E;
	[sflag:s24] =	ssyncadd.s32 $0xFFFFFFFF  }
0xa6: {  	s26 =	simm.s32 $execute0_lowered;
	[smem:$0x3FD2] =	sst s25  }
0xa7: {  	s5 =	sshll.u32 s26, $0x1;
	_ =	strace $0x80000046;
	[dreg:$0x1] =	wrdreg $0xFFFFFFFF  }
0xa8: {  	s28 =	simm.s32 $_size_execute0_lowered;
	s4 =	sadd.s32 s4, s5;
	[dreg:$0x0] =	wrdreg $0x0  }
0xa9: {  	s5 =	sshll.u32 s28, $0x1;
	[dreg:$0x2] =	wrdreg s4  }
0xaa: {  	[dreg:$0x3] =	wrdreg s5  }
0xab: {  	[dreg:$0x4] =	wrdreg $0xC0  }
0xac: {  	_ =	task [dreg:s8], $0x5FFFF  }
0xad: {  	[dreg:$0x1] =	wrdreg $0xFFFFFFFF  }
0xae: {  	[dreg:$0x0] =	wrdreg $0x60  }
0xaf: {  	[dreg:$0x2] =	wrdreg s2  }
0xb0: {  	[dreg:$0x3] =	wrdreg s19  }
0xb1: {  	[dreg:$0x4] =	wrdreg $0x9  }
0xb2: {  	_ =	task.clear_ibuf [dreg:s8], $0x5FFFF;
	_ =	strace $0x90000046  }
0xb3: {  	s29 =	simm.s32 $0x9;
	_ =	strace $0x80000048  }
0xb4: {  	_ =	swait.ge [sflag:s29], $0x1  }
0xb5: {  	[sflag:s29] =	ssyncadd.s32 $0xFFFFFFFF  }
0xb6: {  	_ =	strace $0x90000048  }
0xb7: {  	_ =	sfence  }
0xb8: {  	s30 =	sld [smem:$0x0];
	_ =	sdelay $0x2  }
0xb9: {  	s31 =	sshll.u32 s1, $0xD;
	s1 =	sshrl.u32 s1, $0x2  }
0xba: {  	s3 =	sand.u32 $0x4000, s31;
	s1 =	sadd.s32 s1, s30  }
0xbb: {  	s0 =	sor.u32 s3, s0;
	s1 =	sshll.u32 s1, $0x11  }
0xbc: {  	s0 =	sor.u32 s1, s0  }
0xbd: {  	s0 =	sadd.s32 $0x8F2B, s0  }
0xbe: {  	[sflag:s0] =	ssyncadd.remote.s32 $0x1  }
0xbf: {  	_ =	sfence.sel $0xFFFF  }
0xc0: {  	[dreg:$0x0] =	wrdreg $0xFFFFFFFF;
	(pc) =	sbr.abs _section_cstart, $3  }
0xc1: {  	[dreg:$0x1] =	wrdreg $0xFFFFFFFF  }
0xc2: {  	_ =	task.clear_ibuf [dreg:s8], $0x2FFFF;
	_ =	strace $0x9FFFFFFF  }
0xc3: {  	(tm) =	ssettm $0x7FFFFFFF  }
tec
execute0_lowered:
.L_overlay_start_1:
0x0: {  	(tag) =	ssettag $0x1  }
0x1: {  	s1 =	rddreg [dreg:$0x0];
	s2 =	srdreg.scid;
	v11 =	vlaneseq.u32  }
0x2: {  	s0 =	stileid.u32;
	s3 =	rddreg [dreg:$0x1];
	s4 =	simm.s32 $0x0;
	v0 =	vmul.u32 $0x80, v11  }
0x3: {  	s9 =	simm.s32 $0x1800;
	s10 =	simm.s32 $0x8000;
	s11 =	simm.s32 $0x1  }
0x4: {  	s12 =	simm.s32 $0x10000;
	s13 =	simm.s32 $0x3;
	s14 =	simm.s32 $0x2;
	v16 =	vmul.u32 $0xFFFFFFFF, v11;
	v1 =	vor.u32 $0x800, v0  }
0x5: {  	s15 =	simm.s32 $0x0;
	s5 =	sand.u32 $0x1, s2;
	s6 =	sshll.u32 s0, $0x1;
	v2 =	vor.u32 $0x1000, v0;
	v3 =	vor.u32 $0x1800, v0;
	v4 =	vor.u32 $0x2000, v0  }
0x6: {  	s2 =	rddreg [dreg:$0x2];
	s6 =	sor.u32 s5, s6;
	s5 =	ssub.s32 $0x2, s5;
	v5 =	vor.u32 $0x2800, v0;
	v6 =	vor.u32 $0x3000, v0;
	v7 =	vor.u32 $0x3800, v0  }
0x7: {  	[smem:$0x7FF] =	sst s4;
	s7 =	smul.u32 $0xC000, s6;
	s8 =	sshrl.u32 s5, $0x1;
	v8 =	vor.u32 $0x4000, v0;
	v9 =	vor.u32 $0x4800, v0;
	v10 =	vor.u32 $0x5000, v0  }
0x8: {  	_ =	strace $0x80000047;
	v11 =	vor.u32 $0x5800, v0;
	v12 =	vor.u32 $0x6000, v0;
	v13 =	vor.u32 $0x6800, v0;
	s8 =	ssub.s32 s5, s8;
	s5 =	smul.u32 $0xC, s6  }
0x9: {  	v14 =	vor.u32 $0x7000, v0;
	v15 =	vor.u32 $0x7800, v0;
	v16 =	vadd.s32 $0xF, v16;
	s6 =	sadd.s32 s1, s7;
	s7 =	smax.u32 s8, $0x1;
	s8 =	simm.s32 $0x400  }
.LBB2_1:
0xa: {  	[tilespmem:s4], [sflag:$0x1] =	stream.strided.gather [hbm4b:s6+s8], $0x8000, s9, s8, $0x38;
	[tilespmem:$0x10080] =	vst v63  }
0xb: {  	s16 =	simm.s32 $0x0  }
.LBB2_2:
0xc: {  	s17 =	sshll.u32 s16, $0x1  }
0xd: {  	s20 =	sadd.s32 s5, s17  }
0xe: {  	s17 =	sor.u32 $0x1, s20  }
0xf: {  	s18 =	smulhi.u32 $0x2AAAAAAB, s17  }
0x10: {  	s19 =	smulhi.u32 $0x2AAAAAAB, s20  }
0x11: {  	s18 =	smul.u32 $0x6, s18;
	_ =	sdelay $0x1  }
0x12: {  	s30 =	smul.u32 $0x30000, s19;
	s17 =	ssub.s32 s17, s18  }
0x13: {  	s17 =	sshll.u32 s17, $0xA  }
0x14: {  	s18 =	sor.u32 s30, s17  }
0x15: {  	s21 =	sshrl.u32 s18, $0x3;
	s18 =	simm.s32 $0x0  }
0x16: {  	s21 =	sadd.s32 s1, s21;
	v17 =	vor.u32 s18, v0  }
0x17: {  	v18 =	vor.u32 s18, v1;
	[tilespmem:s10], [sflag:$0x2] =	stream.strided.gather [hbm4b:s21+s8], $0x8000, s9, s8, $0x38;
	[tilespmem:$0x10080] =	vst v63  }
0x18: {  	v19 =	vor.u32 s18, v3;
	_ =	swait.ge [sflag:s11], $0x8000  }
0x19: {  	[sflag:s11] =	ssyncset.done $0x0  }
0x1a: {  	v20 =	vor.u32 s18, v2;
	[sflag:s11] =	ssyncadd.s32 $0xFFFF8000  }
0x1b: {  	v21 =	vor.u32 s18, v7;
	v17 =	vld.idx.msk [tilespmem:v17+s4+$0x0], $0xffff  }
0x1c: {  	v18 =	vld.idx.msk [tilespmem:v18+s4+$0x0], $0xffff  }
0x1d: {  	v22 =	vor.u32 s18, v6;
	v19 =	vld.idx.msk [tilespmem:v19+s4+$0x0], $0xffff  }
0x1e: {  	v23 =	vor.u32 s18, v11  }
0x1f: {  	v24 =	vor.u32 s18, v10;
	v20 =	vld.idx.msk [tilespmem:v20+s4+$0x0], $0xffff  }
0x20: {  	v25 =	vor.u32 s18, v15;
	v21 =	vld.idx.msk [tilespmem:v21+s4+$0x0], $0xffff;
	(xrf1) =	vsort.ascd.msk.f32 $0xffff, v17, v17  }
0x21: {  	v26 =	vor.u32 s18, v14;
	(xrf1) =	vsort.ascd.msk.f32 $0xffff, v18, v18  }
0x22: {  	v17 =	vld.idx.msk [tilespmem:v22+s4+$0x0], $0xffff;
	v18 =	vor.u32 s18, v5;
	(xrf1) =	vsort.ascd.msk.f32 $0xffff, v19, v19  }
0x23: {  	v22 =	vld.idx.msk [tilespmem:v23+s4+$0x0], $0xffff  }
0x24: {  	v23 =	vld.idx.msk [tilespmem:v24+s4+$0x0], $0xffff;
	v19 =	vor.u32 s18, v4;
	(xrf1) =	vsort.ascd.msk.f32 $0xffff, v20, v20  }
0x25: {  	v24 =	vld.idx.msk [tilespmem:v25+s4+$0x0], $0xffff;
	(xrf1) =	vsort.ascd.msk.f32 $0xffff, v21, v21  }
0x26: {  	v20 =	vor.u32 s18, v9;
	v21 =	vld.idx.msk [tilespmem:v26+s4+$0x0], $0xffff  }
0x27: {  	(xrf1) =	vsort.ascd.msk.f32 $0xffff, v17, v17;
	v17 =	vld.idx.msk [tilespmem:v18+s4+$0x0], $0xffff;
	v18 =	vor.u32 s18, v8  }
0x28: {  	(xrf1) =	vsort.ascd.msk.f32 $0xffff, v22, v22;
	v22 =	vor.u32 s18, v12  }
0x29: {  	(xrf1) =	vsort.ascd.msk.f32 $0xffff, v23, v23;
	v19 =	vld.idx.msk [tilespmem:v19+s4+$0x0], $0xffff;
	v23 =	vor.u32 s18, v13;
	_ =	sdelay $0x1  }
0x2a: {  	(xrf1) =	vsort.ascd.msk.f32 $0xffff, v24, v24;
	v20 =	vld.idx.msk [tilespmem:v20+s4+$0x0], $0xffff  }
0x2b: {  	(xrf1) =	vsort.ascd.msk.f32 $0xffff, v21, v21;
	v18 =	vld.idx.msk [tilespmem:v18+s4+$0x0], $0xffff  }
0x2c: {  	(xrf1) =	vsort.ascd.msk.f32 $0xffff, v17, v17;
	v17 =	vld.idx.msk [tilespmem:v22+s4+$0x0], $0xffff  }
0x2d: {  	v21 =	vld.idx.msk [tilespmem:v23+s4+$0x0], $0xffff;
	(xrf1) =	vsort.ascd.msk.f32 $0xffff, v19, v19;
	v19, _, _ =	vpop (xrf1)  }
0x2e: {  	v22, _, _ =	vpop (xrf1)  }
0x2f: {  	(xrf1) =	vsort.ascd.msk.f32 $0xffff, v20, v20;
	v20 =	vperm.xlane v22, v16;
	v22, _, _ =	vpop (xrf1)  }
0x30: {  	(xrf1) =	vsort.ascd.msk.f32 $0xffff, v18, v18;
	v18 =	vperm.xlane v22, v16  }
0x31: {  	v22, _, _ =	vpop (xrf1);
	(xrf1) =	vsort.ascd.msk.f32 $0xffff, v17, v17;
	v17 =	vmin.f32 v19, v20  }
0x32: {  	v23, _, _ =	vpop (xrf1);
	(xrf1) =	vsort.ascd.msk.f32 $0xffff, v21, v21;
	v21 =	vmax.f32 v22, v18  }
0x33: {  	v23 =	vperm.xlane v23, v16  }
0x34: {  	(xrf1) =	vsort.ascd.msk.f32 $0xffff, v17, v17;
	v18 =	vmin.f32 v22, v18;
	v17, _, _ =	vpop (xrf1)  }
0x35: {  	(xrf1) =	vsort.ascd.msk.f32 $0xffff, v21, v21;
	v21, _, _ =	vpop (xrf1);
	v22 =	vmax.f32 v17, v23  }
0x36: {  	v21 =	vperm.xlane v21, v16  }
0x37: {  	(xrf1) =	vsort.ascd.msk.f32 $0xffff, v18, v18;
	v18, _, _ =	vpop (xrf1)  }
0x38: {  	v17 =	vmin.f32 v17, v23;
	(xrf1) =	vsort.ascd.msk.f32 $0xffff, v22, v22;
	v22, _, _ =	vpop (xrf1);
	v23 =	vmax.f32 v18, v21  }
0x39: {  	(xrf1) =	vsort.ascd.msk.f32 $0xffff, v17, v17;
	v22 =	vperm.xlane v22, v16  }
0x3a: {  	v17 =	vmin.f32 v18, v21;
	(xrf1) =	vsort.ascd.msk.f32 $0xffff, v23, v23;
	v18, _, _ =	vpop (xrf1)  }
0x3b: {  	v19 =	vmax.f32 v19, v20;
	v21 =	vmax.f32 v18, v22;
	v23, _, _ =	vpop (xrf1);
	(xrf1) =	vsort.ascd.msk.f32 $0xffff, v17, v17  }
0x3c: {  	v18 =	vmin.f32 v18, v22;
	v17 =	vperm.xlane v23, v16;
	(xrf1) =	vsort.ascd.msk.f32 $0xffff, v21, v21  }
0x3d: {  	v20, _, _ =	vpop (xrf1);
	(xrf1) =	vsort.ascd.msk.f32 $0xffff, v18, v18  }
0x3e: {  	v18 =	vmin.f32 v20, v17;
	(xrf1) =	vsort.ascd.msk.f32 $0xffff, v19, v19;
	v19, _, _ =	vpop (xrf1);
	v17 =	vmax.f32 v20, v17  }
0x3f: {  	(xrf1) =	vsort.ascd.msk.f32 $0xffff, v18, v18;
	v18 =	vperm.xlane v19, v16  }
0x40: {  	v19, _, _ =	vpop (xrf1)  }
0x41: {  	(xrf1) =	vsort.ascd.msk.f32 $0xffff, v17, v17;
	v17, _, _ =	vpop (xrf1);
	v20 =	vmin.f32 v19, v18  }
0x42: {  	v21, _, _ =	vpop (xrf1)  }
0x43: {  	v18 =	vmax.f32 v19, v18;
	v19 =	vperm.xlane v21, v16  }
0x44: {  	(xrf1) =	vsort.ascd.msk.f32 $0xffff, v20, v20;
	v20, _, _ =	vpop (xrf1)  }
0x45: {  	v21, _, _ =	vpop (xrf1);
	v22 =	vmin.f32 v17, v19  }
0x46: {  	(xrf1) =	vsort.ascd.msk.f32 $0xffff, v18, v18;
	v18, _, _ =	vpop (xrf1)  }
0x47: {  	v23, _, _ =	vpop (xrf1)  }
0x48: {  	(xrf1) =	vsort.ascd.msk.f32 $0xffff, v22, v22;
	v22, _, _ =	vpop (xrf1)  }
0x49: {  	v17 =	vmax.f32 v17, v19;
	v19, _, _ =	vpop (xrf1)  }
0x4a: {  	(xrf1) =	vsort.ascd.msk.f32 $0xffff, v17, v17;
	v17 =	vperm.xlane v21, v16;
	v21, _, _ =	vpop (xrf1)  }
0x4b: {  	v18 =	vperm.xlane v18, v16;
	v23 =	vperm.xlane v23, v16;
	v24, _, _ =	vpop (xrf1)  }
0x4c: {  	v22 =	vperm.xlane v22, v16;
	v19 =	vperm.xlane v19, v16;
	v25, _, _ =	vpop (xrf1)  }
0x4d: {  	v26 =	vmin.f32 v20, v17;
	v17 =	vmax.f32 v20, v17;
	v21 =	vperm.xlane v21, v16;
	v27, _, _ =	vpop (xrf1)  }
0x4e: {  	v24 =	vperm.xlane v24, v16;
	v25 =	vperm.xlane v25, v16;
	v20 =	vmin.f32 v27, v18;
	v28, _, _ =	vpop (xrf1)  }
0x4f: {  	v18 =	vmax.f32 v27, v18;
	v27 =	vmin.f32 v26, v20;
	v29 =	vmin.f32 v28, v23  }
0x50: {  	v23 =	vmax.f32 v28, v23;
	v28, _, _ =	vpop (xrf1);
	v20 =	vmax.f32 v26, v20;
	(xrf1) =	vsort.ascd.msk.f32 $0xffff, v27, v27  }
0x51: {  	v26 =	vmin.f32 v28, v22;
	v27 =	vmin.f32 v17, v18;
	(xrf1) =	vsort.ascd.msk.f32 $0xffff, v20, v20  }
0x52: {  	v17 =	vmax.f32 v17, v18;
	v20 =	vmax.f32 v28, v22;
	v22, _, _ =	vpop (xrf1);
	(xrf1) =	vsort.ascd.msk.f32 $0xffff, v27, v27  }
0x53: {  	v18 =	vmin.f32 v22, v19;
	v27 =	vmax.f32 v23, v20;
	(xrf1) =	vsort.ascd.msk.f32 $0xffff, v17, v17  }
0x54: {  	v20 =	vmin.f32 v23, v20;
	v23 =	vmax.f32 v29, v26;
	(xrf1) =	vsort.ascd.msk.f32 $0xffff, v27, v27  }
0x55: {  	s22 =	simm.s32 $0x1;
	v26 =	vmin.f32 v29, v26;
	v17 =	vmax.f32 v22, v19;
	v19, _, _ =	vpop (xrf1);
	(xrf1) =	vsort.ascd.msk.f32 $0xffff, v20, v20  }
0x56: {  	v22 =	vmin.f32 v19, v21;
	v19 =	vmax.f32 v19, v21;
	v20 =	vor.u32 s22, v1;
	(xrf1) =	vsort.ascd.msk.f32 $0xffff, v23, v23  }
0x57: {  	v21, _, _ =	vpop (xrf1);
	v28 =	vmin.f32 v18, v22;
	v18 =	vmax.f32 v18, v22;
	(xrf1) =	vsort.ascd.msk.f32 $0xffff, v26, v26  }
0x58: {  	v27 =	vor.u32 s22, v0;
	v22 =	vmin.f32 v17, v19;
	v23 =	vmin.f32 v21, v24;
	v26, _, _ =	vpop (xrf1);
	(xrf1) =	vsort.ascd.msk.f32 $0xffff, v28, v28  }
0x59: {  	v21 =	vmax.f32 v21, v24;
	v24 =	vor.u32 s22, v3;
	v28 =	vmax.f32 v26, v25;
	(xrf1) =	vsort.ascd.msk.f32 $0xffff, v18, v18  }
0x5a: {  	v18 =	vmin.f32 v26, v25;
	v25 =	vmax.f32 v21, v28;
	(xrf1) =	vsort.ascd.msk.f32 $0xffff, v22, v22;
	v22 =	vor.u32 s22, v2  }
0x5b: {  	v26 =	vld.idx.msk [tilespmem:v20+s4+$0x0], $0xffff;
	v20 =	vmin.f32 v21, v28;
	v21 =	vmax.f32 v23, v18;
	(xrf1) =	vsort.ascd.msk.f32 $0xffff, v25, v25  }
0x5c: {  	v25 =	vor.u32 s22, v7;
	(xrf1) =	vsort.ascd.msk.f32 $0xffff, v20, v20  }
0x5d: {  	v27 =	vld.idx.msk [tilespmem:v27+s4+$0x0], $0xffff;
	v28 =	vor.u32 s22, v6;
	v18 =	vmin.f32 v23, v18;
	(xrf1) =	vsort.ascd.msk.f32 $0xffff, v21, v21  }
0x5e: {  	v17 =	vmax.f32 v17, v19;
	v23 =	vor.u32 s22, v11;
	v21, _, _ =	vpop (xrf1);
	(xrf1) =	vsort.ascd.msk.f32 $0xffff, v18, v18  }
0x5f: {  	v29 =	vor.u32 s22, v10;
	v24 =	vld.idx.msk [tilespmem:v24+s4+$0x0], $0xffff;
	v20, _, _ =	vpop (xrf1);
	(xrf1) =	vsort.ascd.msk.f32 $0xffff, v17, v17  }
0x60: {  	v17 =	vld.idx.msk [tilespmem:v22+s4+$0x0], $0xffff;
	v22 =	vor.u32 s22, v15;
	v18, _, _ =	vpop (xrf1);
	(xrf1) =	vsort.ascd.msk.f32 $0xffff, v26, v26  }
0x61: {  	v25 =	vld.idx.msk [tilespmem:v25+s4+$0x0], $0xffff;
	v26 =	vor.u32 s22, v14;
	v19, _, _ =	vpop (xrf1)  }
0x62: {  	(xrf1) =	vsort.ascd.msk.f32 $0xffff, v27, v27;
	v27 =	vld.idx.msk [tilespmem:v28+s4+$0x0], $0xffff;
	v30, _, _ =	vpop (xrf1)  }
0x63: {  	v23 =	vld.idx.msk [tilespmem:v23+s4+$0x0], $0xffff;
	v28 =	vor.u32 s22, v5;
	v32, _, _ =	vpop (xrf1)  }
0x64: {  	v31 =	vor.u32 s22, v4;
	v29 =	vld.idx.msk [tilespmem:v29+s4+$0x0], $0xffff;
	(xrf1) =	vsort.ascd.msk.f32 $0xffff, v24, v24;
	v34, _, _ =	vpop (xrf1)  }
0x65: {  	v35 =	vld.idx.msk [tilespmem:v22+s4+$0x0], $0xffff;
	(xrf1) =	vsort.ascd.msk.f32 $0xffff, v17, v17;
	v36, _, _ =	vpop (xrf1)  }
0x66: {  	v26 =	vld.idx.msk [tilespmem:v26+s4+$0x0], $0xffff;
	(xrf1) =	vsort.ascd.msk.f32 $0xffff, v25, v25;
	v22, _, _ =	vpop (xrf1)  }
0x67: {  	v33 =	vor.u32 s22, v8;
	(xrf1) =	vsort.ascd.msk.f32 $0xffff, v27, v27;
	v24, _, _ =	vpop (xrf1)  }
0x68: {  	v17 =	vor.u32 s22, v9;
	v38 =	vld.idx.msk [tilespmem:v28+s4+$0x0], $0xffff;
	(xrf1) =	vsort.ascd.msk.f32 $0xffff, v23, v23;
	v25, _, _ =	vpop (xrf1)  }
0x69: {  	v37 =	vor.u32 s22, v12;
	v23 =	vld.idx.msk [tilespmem:v31+s4+$0x0], $0xffff;
	(xrf1) =	vsort.ascd.msk.f32 $0xffff, v29, v29;
	v31, _, _ =	vpop (xrf1)  }
0x6a: {  	v41 =	vor.u32 s22, v13;
	(xrf1) =	vsort.ascd.msk.f32 $0xffff, v35, v35;
	v63, _, _ =	vpop (xrf1)  }
0x6b: {  	(xrf1) =	vsort.ascd.msk.f32 $0xffff, v26, v26;
	v26, _, _ =	vpop (xrf1)  }
0x6c: {  	v27 =	vld.idx.msk [tilespmem:v33+s4+$0x0], $0xffff;
	v40 =	vperm.xlane v31, v16;
	v31, _, _ =	vpop (xrf1)  }
0x6d: {  	v33 =	vperm.xlane v36, v16;
	v17 =	vld.idx.msk [tilespmem:v17+s4+$0x0], $0xffff;
	(xrf1) =	vsort.ascd.msk.f32 $0xffff, v38, v38;
	v36, _, _ =	vpop (xrf1)  }
0x6e: {  	v42 =	vld.idx.msk [tilespmem:v37+s4+$0x0], $0xffff;
	v28 =	vperm.xlane v34, v16;
	v29 =	vperm.xlane v30, v16;
	(xrf1) =	vsort.ascd.msk.f32 $0xffff, v23, v23;
	v23, _, _ =	vpop (xrf1)  }
0x6f: {  	v38 =	vperm.xlane v26, v16;
	v26 =	vperm.xlane v23, v16;
	v23 =	vld.idx.msk [tilespmem:v41+s4+$0x0], $0xffff  }
0x70: {  	v30 =	vperm.xlane v32, v16;
	v37 =	vmax.f32 v18, v28  }
0x71: {  	s31 =	smul.u32 $0x6, s19;
	v32 =	vmax.f32 v21, v29;
	v39 =	vperm.xlane v63, v16;
	(xrf1) =	vsort.ascd.msk.f32 $0xffff, v27, v27  }
0x72: {  	v34 =	vperm.xlane v31, v16;
	v31 =	vmax.f32 v20, v30;
	v27, _, _ =	vpop (xrf1);
	(xrf1) =	vsort.ascd.msk.f32 $0xffff, v17, v17  }
0x73: {  	s23 =	simm.s32 $0x2;
	s21 =	ssub.s32 s20, s31;
	v41 =	vmax.f32 v19, v33;
	v17 =	vmin.f32 v22, v40;
	v35, _, _ =	vpop (xrf1);
	(xrf1) =	vsort.ascd.msk.f32 $0xffff, v42, v42  }
.LBB2_3:
0x74: {  	p0 =	slt.u32 s23, $0x7E;
	v42 =	vmin.f32 v27, v26;
	v46 =	vperm.xlane v35, v16;
	v43, _, _ =	vpop (xrf1);
	(xrf1) =	vsort.ascd.msk.f32 $0xffff, v23, v23  }
0x75: {  	v23 =	vmin.f32 v24, v39;
	v26 =	vmax.f32 v27, v26;
	(xrf1) =	vsort.ascd.msk.f32 $0xffff, v42, v42;
	v27, _, _ =	vpop (xrf1)  }
0x76: {  	v42 =	vmax.f32 v43, v46;
	v44 =	vperm.xlane v27, v16;
	(xrf1) =	vsort.ascd.msk.f32 $0xffff, v26, v26;
	v45, _, _ =	vpop (xrf1)  }
0x77: {  	v26 =	vmin.f32 v25, v38;
	v27 =	vmin.f32 v43, v46;
	(xrf1) =	vsort.ascd.msk.f32 $0xffff, v42, v42;
	v35, _, _ =	vpop (xrf1)  }
0x78: {  	v46 =	vmax.f32 v45, v44;
	v47 =	vperm.xlane v35, v16;
	(xrf1) =	vsort.ascd.msk.f32 $0xffff, v27, v27;
	v43, _, _ =	vpop (xrf1)  }
0x79: {  	v27 =	vmin.f32 v36, v34;
	v44 =	vmin.f32 v45, v44;
	(xrf1) =	vsort.ascd.msk.f32 $0xffff, v46, v46;
	v42, _, _ =	vpop (xrf1)  }
0x7a: {  	v45 =	vmax.f32 v43, v47;
	v42 =	vperm.xlane v42, v16;
	(xrf1) =	vsort.ascd.msk.f32 $0xffff, v44, v44  }
0x7b: {  	v29 =	vmin.f32 v21, v29;
	v21 =	vmin.f32 v43, v47;
	(xrf1) =	vsort.ascd.msk.f32 $0xffff, v45, v45;
	v35, _, _ =	vpop (xrf1)  }
0x7c: {  	v30 =	vmin.f32 v20, v30;
	v20 =	vmax.f32 v35, v42;
	v43, _, _ =	vpop (xrf1);
	(xrf1) =	vsort.ascd.msk.f32 $0xffff, v21, v21  }
0x7d: {  	v42 =	vmin.f32 v35, v42;
	v21 =	vperm.xlane v43, v16;
	(xrf1) =	vsort.ascd.msk.f32 $0xffff, v20, v20  }
0x7e: {  	v33 =	vmin.f32 v19, v33;
	v35 =	vmin.f32 v18, v28;
	v18, _, _ =	vpop (xrf1);
	(xrf1) =	vsort.ascd.msk.f32 $0xffff, v42, v42  }
0x7f: {  	v28 =	vmax.f32 v22, v40;
	v22 =	vmax.f32 v24, v39;
	v24 =	vmin.f32 v18, v21;
	v20, _, _ =	vpop (xrf1)  }
0x80: {  	v25 =	vmax.f32 v25, v38;
	v21 =	vmax.f32 v18, v21;
	(xrf1) =	vsort.ascd.msk.f32 $0xffff, v24, v24;
	v19, _, _ =	vpop (xrf1)  }
0x81: {  	v24 =	vmax.f32 v36, v34;
	v19 =	vperm.xlane v19, v16;
	(xrf1) =	vsort.ascd.msk.f32 $0xffff, v21, v21;
	v18, _, _ =	vpop (xrf1)  }
0x82: {  	v34 =	vmin.f32 v32, v37;
	v21 =	vmax.f32 v32, v37;
	v32 =	vmax.f32 v31, v41;
	v36, _, _ =	vpop (xrf1)  }
0x83: {  	v37 =	vmin.f32 v31, v41;
	v31 =	vmin.f32 v20, v19;
	v36 =	vperm.xlane v36, v16;
	v38, _, _ =	vpop (xrf1)  }
0x84: {  	v39 =	vmin.f32 v17, v26;
	v43 =	vmax.f32 v20, v19;
	v20, _, _ =	vpop (xrf1);
	(xrf1) =	vsort.ascd.msk.f32 $0xffff, v31, v31  }
0x85: {  	v40 =	vmin.f32 v23, v27;
	v41 =	vmin.f32 v18, v36;
	v42, _, _ =	vpop (xrf1);
	(xrf1) =	vsort.ascd.msk.f32 $0xffff, v43, v43  }
0x86: {  	v31 =	vmax.f32 v29, v35;
	v18 =	vmax.f32 v18, v36;
	v19, _, _ =	vpop (xrf1);
	(xrf1) =	vsort.ascd.msk.f32 $0xffff, v41, v41  }
0x87: {  	v44 =	vmin.f32 v21, v32;
	v43 =	vmax.f32 v21, v32;
	v32, _, _ =	vpop (xrf1);
	(xrf1) =	vsort.ascd.msk.f32 $0xffff, v18, v18  }
0x88: {  	v45 =	vmax.f32 v34, v37;
	v41 =	vmin.f32 v39, v40;
	(xrf1) =	vsort.ascd.msk.f32 $0xffff, v43, v43;
	v21, _, _ =	vpop (xrf1)  }
0x89: {  	v42 =	vperm.xlane v42, v16;
	v19 =	vperm.xlane v19, v16;
	(xrf1) =	vsort.ascd.msk.f32 $0xffff, v44, v44;
	v36, _, _ =	vpop (xrf1)  }
0x8a: {  	v32 =	vperm.xlane v32, v16;
	v21 =	vperm.xlane v21, v16;
	(xrf1) =	vsort.ascd.msk.f32 $0xffff, v45, v45;
	v18, _, _ =	vpop (xrf1)  }
0x8b: {  	v36 =	vperm.xlane v36, v16;
	v43 =	vperm.xlane v18, v16;
	(xrf1) =	vsort.ascd.msk.f32 $0xffff, v41, v41;
	v18, _, _ =	vpop (xrf1)  }
0x8c: {  	v46 =	vmin.f32 v38, v42;
	v44 =	vmin.f32 v20, v19;
	v18 =	vperm.xlane v18, v16;
	v45, _, _ =	vpop (xrf1)  }
0x8d: {  	v38 =	vmax.f32 v38, v42;
	v42 =	vmin.f32 v46, v44;
	v45 =	vperm.xlane v45, v16  }
0x8e: {  	v19 =	vmax.f32 v20, v19;
	v46 =	vmax.f32 v46, v44;
	(xrf1) =	vsort.ascd.msk.f32 $0xffff, v42, v42;
	v41, _, _ =	vpop (xrf1)  }
0x8f: {  	v42 =	vmin.f32 v38, v19;
	v44 =	vmax.f32 v41, v32;
	(xrf1) =	vsort.ascd.msk.f32 $0xffff, v46, v46;
	v20, _, _ =	vpop (xrf1)  }
0x90: {  	v19 =	vmax.f32 v38, v19;
	v38 =	vmax.f32 v20, v21;
	(xrf1) =	vsort.ascd.msk.f32 $0xffff, v42, v42  }
0x91: {  	v32 =	vmin.f32 v41, v32;
	v41 =	vmax.f32 v44, v38;
	(xrf1) =	vsort.ascd.msk.f32 $0xffff, v19, v19  }
0x92: {  	v19 =	vmin.f32 v20, v21;
	v20 =	vmin.f32 v44, v38;
	(xrf1) =	vsort.ascd.msk.f32 $0xffff, v41, v41;
	v21, _, _ =	vpop (xrf1)  }
0x93: {  	v38 =	vmax.f32 v32, v19;
	v41 =	vmin.f32 v21, v36;
	(xrf1) =	vsort.ascd.msk.f32 $0xffff, v20, v20;
	v42, _, _ =	vpop (xrf1)  }
0x94: {  	v47 =	vmin.f32 v32, v19;
	v20 =	vmin.f32 v42, v43;
	(xrf1) =	vsort.ascd.msk.f32 $0xffff, v38, v38;
	v32, _, _ =	vpop (xrf1)  }
0x95: {  	v38 =	vmin.f32 v41, v20;
	v44 =	vmax.f32 v32, v18;
	(xrf1) =	vsort.ascd.msk.f32 $0xffff, v47, v47;
	v46, _, _ =	vpop (xrf1)  }
0x96: {  	v47 =	vmax.f32 v41, v20;
	v41 =	vmax.f32 v46, v45;
	v19, _, _ =	vpop (xrf1);
	(xrf1) =	vsort.ascd.msk.f32 $0xffff, v38, v38  }
0x97: {  	v32 =	vmin.f32 v32, v18;
	v38 =	vmax.f32 v44, v41;
	v18, _, _ =	vpop (xrf1);
	(xrf1) =	vsort.ascd.msk.f32 $0xffff, v47, v47  }
0x98: {  	v45 =	vmin.f32 v46, v45;
	v41 =	vmin.f32 v44, v41;
	v20, _, _ =	vpop (xrf1);
	(xrf1) =	vsort.ascd.msk.f32 $0xffff, v38, v38  }
0x99: {  	v36 =	vmax.f32 v21, v36;
	v38 =	vmax.f32 v32, v45;
	v21, _, _ =	vpop (xrf1);
	(xrf1) =	vsort.ascd.msk.f32 $0xffff, v41, v41  }
0x9a: {  	v41 =	vmax.f32 v42, v43;
	v43 =	vmin.f32 v32, v45;
	(xrf1) =	vsort.ascd.msk.f32 $0xffff, v38, v38  }
0x9b: {  	v38 =	vmax.f32 v30, v33;
	v42 =	vmin.f32 v36, v41;
	(xrf1) =	vsort.ascd.msk.f32 $0xffff, v43, v43  }
0x9c: {  	v17 =	vmax.f32 v17, v26;
	v26 =	vmax.f32 v36, v41;
	v32, _, _ =	vpop (xrf1);
	(xrf1) =	vsort.ascd.msk.f32 $0xffff, v42, v42  }
0x9d: {  	v23 =	vmax.f32 v23, v27;
	v36 =	vmin.f32 v34, v37;
	v27, _, _ =	vpop (xrf1);
	(xrf1) =	vsort.ascd.msk.f32 $0xffff, v26, v26  }
0x9e: {  	v26 =	vmin.f32 v29, v35;
	v35 =	vmax.f32 v39, v40;
	(xrf1) =	vsort.ascd.msk.f32 $0xffff, v36, v36;
	v34, _, _ =	vpop (xrf1)  }
0x9f: {  	v30 =	vmin.f32 v30, v33;
	v37 =	vmax.f32 v31, v38;
	(xrf1) =	vsort.ascd.msk.f32 $0xffff, v35, v35;
	v29, _, _ =	vpop (xrf1)  }
0xa0: {  	v39 =	vmin.f32 v17, v23;
	v35 =	vmin.f32 v28, v25;
	(xrf1) =	vsort.ascd.msk.f32 $0xffff, v37, v37;
	v33, _, _ =	vpop (xrf1)  }
0xa1: {  	v31 =	vmin.f32 v31, v38;
	v37 =	vmin.f32 v22, v24;
	(xrf1) =	vsort.ascd.msk.f32 $0xffff, v39, v39;
	v36, _, _ =	vpop (xrf1)  }
0xa2: {  	v38 =	vmax.f32 v17, v23;
	v25 =	vmax.f32 v28, v25;
	(xrf1) =	vsort.ascd.msk.f32 $0xffff, v31, v31;
	v23, _, _ =	vpop (xrf1)  }
0xa3: {  	v22 =	vmax.f32 v22, v24;
	v31 =	vmin.f32 v26, v30;
	(xrf1) =	vsort.ascd.msk.f32 $0xffff, v38, v38;
	v17, _, _ =	vpop (xrf1)  }
0xa4: {  	v39 =	vmin.f32 v35, v37;
	v38 =	vmax.f32 v26, v30;
	(xrf1) =	vsort.ascd.msk.f32 $0xffff, v31, v31;
	v28, _, _ =	vpop (xrf1)  }
0xa5: {  	v35 =	vmax.f32 v35, v37;
	v30 =	vmin.f32 v25, v22;
	(xrf1) =	vsort.ascd.msk.f32 $0xffff, v38, v38;
	v24, _, _ =	vpop (xrf1)  }
0xa6: {  	v22 =	vmax.f32 v25, v22;
	v25 =	vperm.xlane v33, v16;
	(xrf1) =	vsort.ascd.msk.f32 $0xffff, v39, v39;
	v26, _, _ =	vpop (xrf1)  }
0xa7: {  	v33 =	vperm.xlane v36, v16;
	v23 =	vperm.xlane v23, v16;
	(xrf1) =	vsort.ascd.msk.f32 $0xffff, v35, v35;
	v31, _, _ =	vpop (xrf1)  }
0xa8: {  	v35 =	vperm.xlane v17, v16;
	v26 =	vperm.xlane v26, v16;
	(xrf1) =	vsort.ascd.msk.f32 $0xffff, v22, v22;
	v17, _, _ =	vpop (xrf1)  }
0xa9: {  	v22 =	vperm.xlane v31, v16;
	v31 =	vperm.xlane v17, v16;
	(xrf1) =	vsort.ascd.msk.f32 $0xffff, v30, v30;
	v17, _, _ =	vpop (xrf1)  }
0xaa: {  	v36 =	vmax.f32 v27, v33;
	v30 =	vmax.f32 v32, v25;
	v37 =	vperm.xlane v17, v16;
	v38, _, _ =	vpop (xrf1)  }
0xab: {  	v39 =	vmax.f32 v34, v23;
	v40 =	vmax.f32 v29, v35;
	v41 =	vmin.f32 v28, v26;
	v42, _, _ =	vpop (xrf1)  }
0xac: {  	v43 =	vmin.f32 v24, v22;
	v44 =	vmin.f32 v38, v31;
	v45 =	vmin.f32 v42, v37;
	v17, _, _ =	vpop (xrf1)  }
0xad: {  	v27 =	vmin.f32 v27, v33;
	v23 =	vmin.f32 v34, v23;
	v25 =	vmin.f32 v32, v25;
	v32, _, _ =	vpop (xrf1)  }
0xae: {  	v29 =	vmin.f32 v29, v35;
	v26 =	vmax.f32 v28, v26;
	v22 =	vmax.f32 v24, v22;
	v24, _, _ =	vpop (xrf1)  }
0xaf: {  	v28 =	vmin.f32 v30, v39;
	v47 =	vmin.f32 v36, v40;
	v31 =	vmax.f32 v38, v31;
	v34, _, _ =	vpop (xrf1)  }
0xb0: {  	v35 =	vmax.f32 v25, v23;
	v48 =	vmax.f32 v28, v47;
	v37 =	vmax.f32 v42, v37;
	v42, _, _ =	vpop (xrf1)  }
0xb1: {  	v46 =	vmax.f32 v27, v29;
	v28 =	vmin.f32 v28, v47;
	v33, _, _ =	vpop (xrf1);
	(xrf1) =	vsort.ascd.msk.f32 $0xffff, v48, v48  }
0xb2: {  	v23 =	vmin.f32 v25, v23;
	v25 =	vmax.f32 v35, v46;
	v38, _, _ =	vpop (xrf1);
	(xrf1) =	vsort.ascd.msk.f32 $0xffff, v28, v28  }
0xb3: {  	v27 =	vmin.f32 v27, v29;
	v47 =	vmin.f32 v35, v46;
	v29, _, _ =	vpop (xrf1);
	(xrf1) =	vsort.ascd.msk.f32 $0xffff, v25, v25  }
0xb4: {  	v35 =	vmax.f32 v26, v31;
	v25 =	vmin.f32 v23, v27;
	v46, _, _ =	vpop (xrf1);
	(xrf1) =	vsort.ascd.msk.f32 $0xffff, v47, v47  }
0xb5: {  	v23 =	vmax.f32 v23, v27;
	v27 =	vmax.f32 v22, v37;
	v28, _, _ =	vpop (xrf1);
	(xrf1) =	vsort.ascd.msk.f32 $0xffff, v25, v25  }
0xb6: {  	v26 =	vmin.f32 v26, v31;
	v31 =	vmax.f32 v35, v27;
	v25 =	vor.u32 s23, v0;
	v47, _, _ =	vpop (xrf1);
	(xrf1) =	vsort.ascd.msk.f32 $0xffff, v23, v23  }
0xb7: {  	v22 =	vmin.f32 v22, v37;
	v27 =	vmin.f32 v35, v27;
	v23 =	vor.u32 s23, v1;
	v35, _, _ =	vpop (xrf1);
	(xrf1) =	vsort.ascd.msk.f32 $0xffff, v31, v31  }
0xb8: {  	v37 =	vmax.f32 v41, v44;
	v31 =	vmax.f32 v26, v22;
	(xrf1) =	vsort.ascd.msk.f32 $0xffff, v27, v27  }
0xb9: {  	v22 =	vmin.f32 v26, v22;
	v26 =	vmax.f32 v43, v45;
	(xrf1) =	vsort.ascd.msk.f32 $0xffff, v31, v31  }
0xba: {  	v27 =	vmin.f32 v41, v44;
	v31 =	vmax.f32 v37, v26;
	(xrf1) =	vsort.ascd.msk.f32 $0xffff, v22, v22  }
0xbb: {  	v26 =	vmin.f32 v37, v26;
	v22 =	vld.idx.msk [tilespmem:v25+s4+$0x0], $0xffff;
	v25 =	vmin.f32 v43, v45;
	(xrf1) =	vsort.ascd.msk.f32 $0xffff, v31, v31  }
0xbc: {  	v30 =	vmax.f32 v30, v39;
	v23 =	vld.idx.msk [tilespmem:v23+s4+$0x0], $0xffff;
	v31 =	vmax.f32 v27, v25;
	(xrf1) =	vsort.ascd.msk.f32 $0xffff, v26, v26  }
0xbd: {  	v40 =	vmax.f32 v36, v40;
	v26 =	vor.u32 s23, v2;
	v25 =	vmin.f32 v27, v25;
	(xrf1) =	vsort.ascd.msk.f32 $0xffff, v31, v31  }
0xbe: {  	v37 =	vmin.f32 v30, v40;
	v27 =	vor.u32 s23, v3;
	v31 =	vor.u32 s23, v6;
	(xrf1) =	vsort.ascd.msk.f32 $0xffff, v25, v25  }
0xbf: {  	v39 =	vor.u32 s23, v10;
	v30 =	vmax.f32 v30, v40;
	v25 =	vor.u32 s23, v7;
	v36, _, _ =	vpop (xrf1);
	(xrf1) =	vsort.ascd.msk.f32 $0xffff, v37, v37  }
0xc0: {  	v21 =	vperm.xlane v21, v16;
	v32 =	vperm.xlane v32, v16;
	v37 =	vor.u32 s23, v11;
	v40, _, _ =	vpop (xrf1);
	(xrf1) =	vsort.ascd.msk.f32 $0xffff, v30, v30  }
0xc1: {  	v45 =	vperm.xlane v35, v16;
	v30 =	vor.u32 s23, v14;
	(xrf1) =	vsort.ascd.msk.f32 $0xffff, v22, v22;
	v22 =	vperm.xlane v47, v16;
	v41, _, _ =	vpop (xrf1)  }
0xc2: {  	v43 =	vor.u32 s23, v15;
	(xrf1) =	vsort.ascd.msk.f32 $0xffff, v23, v23;
	v23 =	vperm.xlane v28, v16;
	v28 =	vperm.xlane v34, v16;
	v34, _, _ =	vpop (xrf1)  }
0xc3: {  	v44 =	vperm.xlane v46, v16;
	v22 =	vmax.f32 v38, v22;
	v38 =	vmax.f32 v29, v45;
	v35, _, _ =	vpop (xrf1)  }
0xc4: {  	v33 =	vperm.xlane v33, v16;
	v22 =	vmin.f32 v22, v38;
	v38 =	vmax.f32 v42, v23;
	v29, _, _ =	vpop (xrf1)  }
0xc5: {  	v19 =	vmax.f32 v19, v21;
	v24 =	vmax.f32 v24, v44;
	v22 =	vmin.f32 v22, v38;
	v21, _, _ =	vpop (xrf1)  }
0xc6: {  	v17 =	vmax.f32 v17, v33;
	v20 =	vmax.f32 v20, v28;
	v22 =	vmin.f32 v22, v24;
	v23, _, _ =	vpop (xrf1)  }
0xc7: {  	v21 =	vperm.xlane v21, v16;
	v17 =	vmin.f32 v22, v17;
	v33 =	vperm.xlane v23, v16;
	v23, _, _ =	vpop (xrf1)  }
0xc8: {  	v18 =	vmax.f32 v18, v32;
	v17 =	vmin.f32 v17, v20;
	v20 =	vperm.xlane v23, v16;
	v23, _, _ =	vpop (xrf1)  }
0xc9: {  	v21 =	vmax.f32 v35, v21;
	v32 =	vperm.xlane v23, v16;
	v28 =	vmax.f32 v29, v33;
	v24, _, _ =	vpop (xrf1)  }
0xca: {  	v29 =	vperm.xlane v24, v16;
	v21 =	vmin.f32 v21, v28;
	v20 =	vmax.f32 v34, v20;
	v22, _, _ =	vpop (xrf1)  }
0xcb: {  	v28 =	vperm.xlane v22, v16;
	v20 =	vmin.f32 v21, v20;
	v21 =	vmax.f32 v41, v32;
	v23, _, _ =	vpop (xrf1)  }
0xcc: {  	v27 =	vld.idx.msk [tilespmem:v27+s4+$0x0], $0xffff;
	v32 =	vperm.xlane v23, v16;
	v20 =	vmin.f32 v20, v21;
	v23 =	vmax.f32 v40, v29;
	v24, _, _ =	vpop (xrf1)  }
0xcd: {  	v26 =	vld.idx.msk [tilespmem:v26+s4+$0x0], $0xffff;
	v29 =	vperm.xlane v24, v16;
	v20 =	vmin.f32 v20, v23;
	v28 =	vmax.f32 v36, v28;
	v22, _, _ =	vpop (xrf1)  }
0xce: {  	v17 =	vmin.f32 v17, v18;
	v25 =	vld.idx.msk [tilespmem:v25+s4+$0x0], $0xffff;
	v18 =	vmin.f32 v20, v28;
	v20 =	vmax.f32 v22, v32;
	v21, _, _ =	vpop (xrf1)  }
0xcf: {  	v17 =	vmin.f32 v17, v19;
	v22 =	vld.idx.msk [tilespmem:v31+s4+$0x0], $0xffff;
	v23, _, _ =	vpop (xrf1);
	v18 =	vmin.f32 v18, v20;
	v19 =	vmax.f32 v21, v29  }
0xd0: {  	v20 =	vor.u32 s23, v5;
	v21 =	vld.idx.msk [tilespmem:v37+s4+$0x0], $0xffff;
	v24, _, _ =	vpop (xrf1);
	v18 =	vmin.f32 v18, v19;
	(xrf0) =	vmin.scan.msk.f32 $0xffff, v17  }
0xd1: {  	v17 =	vld.idx.msk [tilespmem:v39+s4+$0x0], $0xffff;
	(xrf0) =	vmin.scan.msk.f32 $0xffff, v18  }
0xd2: {  	v18 =	vor.u32 s23, v4;
	v19 =	vld.idx.msk [tilespmem:v43+s4+$0x0], $0xffff;
	(xrf1) =	vsort.ascd.msk.f32 $0xffff, v27, v27  }
0xd3: {  	v27 =	vor.u32 s23, v9;
	(xrf1) =	vsort.ascd.msk.f32 $0xffff, v26, v26  }
0xd4: {  	v26 =	vld.idx.msk [tilespmem:v30+s4+$0x0], $0xffff;
	(xrf1) =	vsort.ascd.msk.f32 $0xffff, v25, v25;
	v25 =	vmov s18;
	s18 =	smov.u32 s23  }
0xd5: {  	v28 =	vor.u32 s23, v8;
	v20 =	vld.idx.msk [tilespmem:v20+s4+$0x0], $0xffff;
	(xrf1) =	vsort.ascd.msk.f32 $0xffff, v22, v22;
	v22 =	vmov s22  }
0xd6: {  	v29 =	vor.u32 s23, v12;
	(xrf1) =	vsort.ascd.msk.f32 $0xffff, v21, v21;
	v21, _, _ =	vpop (xrf0)  }
0xd7: {  	v30 =	vor.u32 s23, v13;
	v18 =	vld.idx.msk [tilespmem:v18+s4+$0x0], $0xffff;
	(xrf1) =	vsort.ascd.msk.f32 $0xffff, v17, v17;
	v17 =	vbroadcast v21, $0xF;
	v21, _, _ =	vpop (xrf0)  }
0xd8: {  	v27 =	vld.idx.msk [tilespmem:v27+s4+$0x0], $0xffff;
	(xrf1) =	vsort.ascd.msk.f32 $0xffff, v19, v19;
	v19 =	vbroadcast v21, $0xF  }
0xd9: {  	[tilespmem:v25+s12+$0x0] =	vst.idx.msk $0x1, v17  }
0xda: {  	v17 =	vld.idx.msk [tilespmem:v28+s4+$0x0], $0xffff;
	(xrf1) =	vsort.ascd.msk.f32 $0xffff, v26, v26;
	[tilespmem:v22+s12+$0x0] =	vst.idx.msk $0x1, v19  }
0xdb: {  	v19 =	vld.idx.msk [tilespmem:v29+s4+$0x0], $0xffff;
	(xrf1) =	vsort.ascd.msk.f32 $0xffff, v20, v20  }
0xdc: {  	v20 =	vld.idx.msk [tilespmem:v30+s4+$0x0], $0xffff  }
0xdd: {  	(xrf1) =	vsort.ascd.msk.f32 $0xffff, v18, v18  }
0xde: {  	(xrf1) =	vsort.ascd.msk.f32 $0xffff, v27, v27;
	_ =	sdelay $0x1  }
0xdf: {  	v18 =	vperm.xlane v24, v16;
	v21, _, _ =	vpop (xrf1);
	(xrf1) =	vsort.ascd.msk.f32 $0xffff, v17, v17  }
0xe0: {  	v17 =	vperm.xlane v21, v16;
	v21, _, _ =	vpop (xrf1);
	(xrf1) =	vsort.ascd.msk.f32 $0xffff, v19, v19  }
0xe1: {  	v24 =	vmin.f32 v23, v18;
	v22, _, _ =	vpop (xrf1);
	(xrf1) =	vsort.ascd.msk.f32 $0xffff, v20, v20  }
0xe2: {  	v25 =	vmax.f32 v21, v17;
	v22 =	vperm.xlane v22, v16;
	(xrf1) =	vsort.ascd.msk.f32 $0xffff, v24, v24;
	v19, _, _ =	vpop (xrf1)  }
0xe3: {  	v24 =	vmin.f32 v21, v17;
	(xrf1) =	vsort.ascd.msk.f32 $0xffff, v25, v25;
	v20, _, _ =	vpop (xrf1)  }
0xe4: {  	v25 =	vmax.f32 v19, v22;
	v20 =	vperm.xlane v20, v16;
	(xrf1) =	vsort.ascd.msk.f32 $0xffff, v24, v24;
	v17, _, _ =	vpop (xrf1)  }
0xe5: {  	v24 =	vmin.f32 v19, v22;
	(xrf1) =	vsort.ascd.msk.f32 $0xffff, v25, v25;
	v21, _, _ =	vpop (xrf1)  }
0xe6: {  	v25 =	vmax.f32 v17, v20;
	v21 =	vperm.xlane v21, v16;
	(xrf1) =	vsort.ascd.msk.f32 $0xffff, v24, v24  }
0xe7: {  	v17 =	vmin.f32 v17, v20;
	(xrf1) =	vsort.ascd.msk.f32 $0xffff, v25, v25;
	v19, _, _ =	vpop (xrf1)  }
0xe8: {  	v24 =	vmax.f32 v19, v21;
	v22, _, _ =	vpop (xrf1);
	(xrf1) =	vsort.ascd.msk.f32 $0xffff, v17, v17  }
0xe9: {  	v19 =	vmin.f32 v19, v21;
	v17 =	vperm.xlane v22, v16;
	(xrf1) =	vsort.ascd.msk.f32 $0xffff, v24, v24  }
0xea: {  	v21 =	vmax.f32 v23, v18;
	v20, _, _ =	vpop (xrf1);
	(xrf1) =	vsort.ascd.msk.f32 $0xffff, v19, v19  }
0xeb: {  	v19 =	vmin.f32 v20, v17;
	(xrf1) =	vsort.ascd.msk.f32 $0xffff, v21, v21;
	v18, _, _ =	vpop (xrf1)  }
0xec: {  	v22 =	vmax.f32 v20, v17;
	v18 =	vperm.xlane v18, v16;
	(xrf1) =	vsort.ascd.msk.f32 $0xffff, v19, v19  }
0xed: {  	(xrf1) =	vsort.ascd.msk.f32 $0xffff, v22, v22;
	v17, _, _ =	vpop (xrf1)  }
0xee: {  	v21 =	vmin.f32 v17, v18;
	v20, _, _ =	vpop (xrf1)  }
0xef: {  	(xrf1) =	vsort.ascd.msk.f32 $0xffff, v21, v21;
	v19, _, _ =	vpop (xrf1)  }
0xf0: {  	v17 =	vmax.f32 v17, v18;
	v18 =	vperm.xlane v19, v16;
	v19, _, _ =	vpop (xrf1)  }
0xf1: {  	v21, _, _ =	vpop (xrf1);
	(xrf1) =	vsort.ascd.msk.f32 $0xffff, v17, v17  }
0xf2: {  	v17 =	vmin.f32 v20, v18;
	v22, _, _ =	vpop (xrf1)  }
0xf3: {  	v23, _, _ =	vpop (xrf1);
	(xrf1) =	vsort.ascd.msk.f32 $0xffff, v17, v17  }
0xf4: {  	v17 =	vmax.f32 v20, v18;
	v18, _, _ =	vpop (xrf1)  }
0xf5: {  	v20, _, _ =	vpop (xrf1);
	(xrf1) =	vsort.ascd.msk.f32 $0xffff, v17, v17  }
0xf6: {  	v17 =	vperm.xlane v21, v16;
	v21 =	vperm.xlane v22, v16;
	v22, _, _ =	vpop (xrf1)  }
0xf7: {  	v23 =	vperm.xlane v23, v16;
	v18 =	vperm.xlane v18, v16;
	v24, _, _ =	vpop (xrf1)  }
0xf8: {  	v20 =	vperm.xlane v20, v16;
	v22 =	vperm.xlane v22, v16;
	v25, _, _ =	vpop (xrf1)  }
0xf9: {  	v26 =	vmin.f32 v19, v17;
	v24 =	vperm.xlane v24, v16;
	v25 =	vperm.xlane v25, v16;
	v27, _, _ =	vpop (xrf1)  }
0xfa: {  	v17 =	vmax.f32 v19, v17;
	v19 =	vmin.f32 v27, v21;
	v21 =	vmax.f32 v27, v21;
	v27, _, _ =	vpop (xrf1)  }
0xfb: {  	v28 =	vmin.f32 v26, v19;
	v29 =	vmin.f32 v27, v23;
	v23 =	vmax.f32 v27, v23;
	v27, _, _ =	vpop (xrf1)  }
0xfc: {  	v30 =	vmax.f32 v26, v19;
	v26 =	vmin.f32 v27, v18;
	(xrf1) =	vsort.ascd.msk.f32 $0xffff, v28, v28  }
0xfd: {  	v28 =	vmin.f32 v17, v21;
	v18 =	vmax.f32 v27, v18;
	(xrf1) =	vsort.ascd.msk.f32 $0xffff, v30, v30;
	v19, _, _ =	vpop (xrf1)  }
0xfe: {  	v30 =	vmax.f32 v17, v21;
	v21 =	vmin.f32 v19, v20;
	(xrf1) =	vsort.ascd.msk.f32 $0xffff, v28, v28  }
0xff: {  	v27 =	vmax.f32 v23, v18;
	v19 =	vmax.f32 v19, v20;
	(xrf1) =	vsort.ascd.msk.f32 $0xffff, v30, v30;
	v17, _, _ =	vpop (xrf1)  }
0x100: {  	s22 =	sadd.s32 $0x1, s23;
	v28 =	vmin.f32 v23, v18;
	v20 =	vmin.f32 v17, v22;
	(xrf1) =	vsort.ascd.msk.f32 $0xffff, v27, v27  }
0x101: {  	v23 =	vmax.f32 v29, v26;
	v17 =	vmax.f32 v17, v22;
	v22 =	vor.u32 s22, v1;
	(xrf1) =	vsort.ascd.msk.f32 $0xffff, v28, v28;
	v18, _, _ =	vpop (xrf1)  }
0x102: {  	v29 =	vmin.f32 v29, v26;
	v28 =	vor.u32 s22, v0;
	v27 =	vmin.f32 v18, v24;
	(xrf1) =	vsort.ascd.msk.f32 $0xffff, v23, v23  }
0x103: {  	v23 =	vmin.f32 v21, v20;
	v18 =	vmax.f32 v18, v24;
	v24 =	vor.u32 s22, v3;
	(xrf1) =	vsort.ascd.msk.f32 $0xffff, v29, v29;
	v26, _, _ =	vpop (xrf1)  }
0x104: {  	v20 =	vmax.f32 v21, v20;
	v29 =	vor.u32 s22, v2;
	v21 =	vmin.f32 v26, v25;
	(xrf1) =	vsort.ascd.msk.f32 $0xffff, v23, v23  }
0x105: {  	v23 =	vmin.f32 v19, v17;
	v25 =	vmax.f32 v26, v25;
	v26 =	vor.u32 s22, v7;
	(xrf1) =	vsort.ascd.msk.f32 $0xffff, v20, v20  }
0x106: {  	v30 =	vor.u32 s22, v6;
	v20 =	vmax.f32 v18, v25;
	v22 =	vld.idx.msk [tilespmem:v22+s4+$0x0], $0xffff;
	(xrf1) =	vsort.ascd.msk.f32 $0xffff, v23, v23  }
0x107: {  	v18 =	vmin.f32 v18, v25;
	v25 =	vor.u32 s22, v11;
	v23 =	vld.idx.msk [tilespmem:v28+s4+$0x0], $0xffff;
	(xrf1) =	vsort.ascd.msk.f32 $0xffff, v20, v20  }
0x108: {  	v20 =	vmax.f32 v27, v21;
	v28 =	vor.u32 s22, v10;
	v24 =	vld.idx.msk [tilespmem:v24+s4+$0x0], $0xffff;
	(xrf1) =	vsort.ascd.msk.f32 $0xffff, v18, v18  }
0x109: {  	v18 =	vmin.f32 v27, v21;
	v27 =	vld.idx.msk [tilespmem:v29+s4+$0x0], $0xffff;
	v29 =	vor.u32 s22, v15;
	(xrf1) =	vsort.ascd.msk.f32 $0xffff, v20, v20  }
0x10a: {  	v17 =	vmax.f32 v19, v17;
	v26 =	vld.idx.msk [tilespmem:v26+s4+$0x0], $0xffff;
	v21, _, _ =	vpop (xrf1);
	(xrf1) =	vsort.ascd.msk.f32 $0xffff, v18, v18  }
0x10b: {  	v31 =	vor.u32 s22, v14;
	v30 =	vld.idx.msk [tilespmem:v30+s4+$0x0], $0xffff;
	v20, _, _ =	vpop (xrf1);
	(xrf1) =	vsort.ascd.msk.f32 $0xffff, v17, v17  }
0x10c: {  	v17 =	vor.u32 s22, v5;
	v25 =	vld.idx.msk [tilespmem:v25+s4+$0x0], $0xffff;
	v18, _, _ =	vpop (xrf1);
	(xrf1) =	vsort.ascd.msk.f32 $0xffff, v22, v22  }
0x10d: {  	v28 =	vld.idx.msk [tilespmem:v28+s4+$0x0], $0xffff;
	v19, _, _ =	vpop (xrf1);
	(xrf1) =	vsort.ascd.msk.f32 $0xffff, v23, v23  }
0x10e: {  	v23 =	vor.u32 s22, v4;
	v29 =	vld.idx.msk [tilespmem:v29+s4+$0x0], $0xffff;
	v32, _, _ =	vpop (xrf1);
	(xrf1) =	vsort.ascd.msk.f32 $0xffff, v24, v24  }
0x10f: {  	v33 =	vor.u32 s22, v8;
	v34, _, _ =	vpop (xrf1);
	(xrf1) =	vsort.ascd.msk.f32 $0xffff, v27, v27  }
0x110: {  	v27 =	vor.u32 s22, v9;
	v31 =	vld.idx.msk [tilespmem:v31+s4+$0x0], $0xffff;
	v35, _, _ =	vpop (xrf1);
	(xrf1) =	vsort.ascd.msk.f32 $0xffff, v26, v26  }
0x111: {  	v26 =	vor.u32 s22, v12;
	v17 =	vld.idx.msk [tilespmem:v17+s4+$0x0], $0xffff;
	v36, _, _ =	vpop (xrf1);
	(xrf1) =	vsort.ascd.msk.f32 $0xffff, v30, v30  }
0x112: {  	v37 =	vor.u32 s22, v13;
	v22, _, _ =	vpop (xrf1);
	(xrf1) =	vsort.ascd.msk.f32 $0xffff, v25, v25  }
0x113: {  	v41 =	vld.idx.msk [tilespmem:v23+s4+$0x0], $0xffff;
	v24, _, _ =	vpop (xrf1);
	(xrf1) =	vsort.ascd.msk.f32 $0xffff, v28, v28  }
0x114: {  	v42 =	vld.idx.msk [tilespmem:v33+s4+$0x0], $0xffff;
	v25, _, _ =	vpop (xrf1);
	(xrf1) =	vsort.ascd.msk.f32 $0xffff, v29, v29  }
0x115: {  	v43 =	vld.idx.msk [tilespmem:v27+s4+$0x0], $0xffff;
	v27, _, _ =	vpop (xrf1)  }
0x116: {  	v30 =	vperm.xlane v34, v16;
	v29 =	vperm.xlane v32, v16;
	v44 =	vld.idx.msk [tilespmem:v26+s4+$0x0], $0xffff;
	v26, _, _ =	vpop (xrf1);
	(xrf1) =	vsort.ascd.msk.f32 $0xffff, v31, v31  }
0x117: {  	v28 =	vperm.xlane v35, v16;
	v33 =	vperm.xlane v36, v16;
	v23 =	vld.idx.msk [tilespmem:v37+s4+$0x0], $0xffff;
	v31, _, _ =	vpop (xrf1);
	(xrf1) =	vsort.ascd.msk.f32 $0xffff, v17, v17  }
.Ltmp0:
0x118: {  	v40 =	vperm.xlane v27, v16;
	v39 =	vperm.xlane v26, v16;
	v17, _, _ =	vpop (xrf1);
	(pc) =	sbr.rel @p0 .LBB2_3-.Ltmp0, $4  }
0x119: {  	v38 =	vperm.xlane v31, v16;
	v34 =	vperm.xlane v17, v16;
	v36, _, _ =	vpop (xrf1);
	(xrf1) =	vsort.ascd.msk.f32 $0xffff, v41, v41  }
0x11a: {  	v32 =	vmax.f32 v21, v29;
	v31 =	vmax.f32 v20, v30;
	v17, _, _ =	vpop (xrf1);
	(xrf1) =	vsort.ascd.msk.f32 $0xffff, v42, v42  }
0x11b: {  	v37 =	vmax.f32 v18, v28;
	v26 =	vperm.xlane v17, v16;
	v27, _, _ =	vpop (xrf1);
	(xrf1) =	vsort.ascd.msk.f32 $0xffff, v43, v43  }
0x11c: {  	s23 =	sadd.s32 $0x2, s23;
	v41 =	vmax.f32 v19, v33;
	v17 =	vmin.f32 v22, v40;
	v35, _, _ =	vpop (xrf1);
	(xrf1) =	vsort.ascd.msk.f32 $0xffff, v44, v44  }
0x11d: {  	_ = 	snop  }
0x11e: {  	v42 =	vmin.f32 v27, v26;
	v35 =	vperm.xlane v35, v16;
	v43, _, _ =	vpop (xrf1);
	(xrf1) =	vsort.ascd.msk.f32 $0xffff, v23, v23  }
0x11f: {  	v26 =	vmax.f32 v27, v26;
	(xrf1) =	vsort.ascd.msk.f32 $0xffff, v42, v42;
	v27, _, _ =	vpop (xrf1)  }
0x120: {  	v61 =	vmax.f32 v43, v35;
	v44 =	vperm.xlane v27, v16;
	(xrf1) =	vsort.ascd.msk.f32 $0xffff, v26, v26;
	v45, _, _ =	vpop (xrf1)  }
0x121: {  	v23 =	vmin.f32 v24, v39;
	v27 =	vmin.f32 v43, v35;
	(xrf1) =	vsort.ascd.msk.f32 $0xffff, v61, v61;
	v62, _, _ =	vpop (xrf1)  }
0x122: {  	v63 =	vmax.f32 v45, v44;
	v35 =	vperm.xlane v62, v16;
	(xrf1) =	vsort.ascd.msk.f32 $0xffff, v27, v27;
	v48, _, _ =	vpop (xrf1)  }
0x123: {  	v29 =	vmin.f32 v21, v29;
	v44 =	vmin.f32 v45, v44;
	(xrf1) =	vsort.ascd.msk.f32 $0xffff, v63, v63;
	v49, _, _ =	vpop (xrf1)  }
0x124: {  	v30 =	vmin.f32 v20, v30;
	v50 =	vmax.f32 v48, v35;
	(xrf1) =	vsort.ascd.msk.f32 $0xffff, v44, v44;
	v51, _, _ =	vpop (xrf1)  }
0x125: {  	v42 =	vperm.xlane v49, v16;
	v21 =	vmin.f32 v48, v35;
	(xrf1) =	vsort.ascd.msk.f32 $0xffff, v50, v50;
	v52, _, _ =	vpop (xrf1)  }
0x126: {  	v33 =	vmin.f32 v19, v33;
	(xrf1) =	vsort.ascd.msk.f32 $0xffff, v21, v21;
	v21 =	vperm.xlane v52, v16  }
0x127: {  	v20 =	vmax.f32 v51, v42;
	v35 =	vmin.f32 v51, v42;
	v42 =	vmin.f32 v18, v28;
	v18, _, _ =	vpop (xrf1)  }
0x128: {  	v53 =	vmax.f32 v31, v41;
	v31 =	vmin.f32 v31, v41;
	v19 =	vmin.f32 v18, v21  }
0x129: {  	v26 =	vmin.f32 v25, v38;
	(xrf1) =	vsort.ascd.msk.f32 $0xffff, v20, v20;
	v18 =	vmax.f32 v18, v21  }
0x12a: {  	v25 =	vmax.f32 v25, v38;
	v38 =	vmin.f32 v17, v26;
	(xrf1) =	vsort.ascd.msk.f32 $0xffff, v35, v35;
	v20, _, _ =	vpop (xrf1)  }
0x12b: {  	v17 =	vmax.f32 v17, v26;
	v27 =	vmin.f32 v36, v34;
	(xrf1) =	vsort.ascd.msk.f32 $0xffff, v19, v19;
	v19, _, _ =	vpop (xrf1)  }
0x12c: {  	v44 =	vmax.f32 v30, v33;
	(xrf1) =	vsort.ascd.msk.f32 $0xffff, v18, v18;
	v19 =	vperm.xlane v19, v16;
	v18, _, _ =	vpop (xrf1)  }
0x12d: {  	v30 =	vmin.f32 v30, v33;
	v28 =	vmax.f32 v22, v40;
	v22 =	vmax.f32 v24, v39;
	v54, _, _ =	vpop (xrf1)  }
0x12e: {  	v55 =	vmin.f32 v20, v19;
	v35 =	vperm.xlane v54, v16;
	v56, _, _ =	vpop (xrf1);
	v19 =	vmax.f32 v20, v19  }
0x12f: {  	v24 =	vmax.f32 v36, v34;
	v21 =	vmax.f32 v32, v37;
	v20, _, _ =	vpop (xrf1);
	(xrf1) =	vsort.ascd.msk.f32 $0xffff, v55, v55  }
0x130: {  	v59 =	vmin.f32 v21, v53;
	v57 =	vmin.f32 v18, v35;
	v58, _, _ =	vpop (xrf1);
	(xrf1) =	vsort.ascd.msk.f32 $0xffff, v19, v19  }
0x131: {  	v21 =	vmax.f32 v21, v53;
	v18 =	vmax.f32 v18, v35;
	v19, _, _ =	vpop (xrf1);
	(xrf1) =	vsort.ascd.msk.f32 $0xffff, v57, v57  }
0x132: {  	v34 =	vmin.f32 v32, v37;
	v36 =	vmin.f32 v23, v27;
	(xrf1) =	vsort.ascd.msk.f32 $0xffff, v18, v18  }
0x133: {  	v61 =	vmin.f32 v38, v36;
	v40 =	vperm.xlane v58, v16;
	v60, _, _ =	vpop (xrf1);
	v18 =	vmax.f32 v34, v31  }
0x134: {  	v19 =	vperm.xlane v19, v16;
	(xrf1) =	vsort.ascd.msk.f32 $0xffff, v21, v21;
	v21, _, _ =	vpop (xrf1);
	v32 =	vperm.xlane v60, v16  }
0x135: {  	v63 =	vmin.f32 v56, v40;
	v37 =	vmax.f32 v56, v40;
	(xrf1) =	vsort.ascd.msk.f32 $0xffff, v59, v59;
	v62, _, _ =	vpop (xrf1)  }
0x136: {  	v21 =	vperm.xlane v21, v16;
	v48 =	vmin.f32 v20, v19;
	(xrf1) =	vsort.ascd.msk.f32 $0xffff, v18, v18;
	v18, _, _ =	vpop (xrf1)  }
0x137: {  	v19 =	vmax.f32 v20, v19;
	v20 =	vmax.f32 v63, v48;
	v43 =	vperm.xlane v18, v16;
	v18, _, _ =	vpop (xrf1)  }
0x138: {  	v35 =	vperm.xlane v62, v16;
	v50 =	vmin.f32 v63, v48;
	(xrf1) =	vsort.ascd.msk.f32 $0xffff, v61, v61;
	v49, _, _ =	vpop (xrf1)  }
0x139: {  	v52 =	vmin.f32 v37, v19;
	v19 =	vmax.f32 v37, v19;
	(xrf1) =	vsort.ascd.msk.f32 $0xffff, v50, v50;
	v51, _, _ =	vpop (xrf1)  }
0x13a: {  	v18 =	vperm.xlane v18, v16;
	v45 =	vperm.xlane v49, v16;
	(xrf1) =	vsort.ascd.msk.f32 $0xffff, v20, v20;
	v20, _, _ =	vpop (xrf1)  }
0x13b: {  	v53 =	vmax.f32 v51, v32;
	(xrf1) =	vsort.ascd.msk.f32 $0xffff, v52, v52;
	v54 =	vmax.f32 v20, v21  }
0x13c: {  	v32 =	vmin.f32 v51, v32;
	(xrf1) =	vsort.ascd.msk.f32 $0xffff, v19, v19;
	v55 =	vmax.f32 v53, v54  }
0x13d: {  	v19 =	vmin.f32 v20, v21;
	v20 =	vmin.f32 v53, v54;
	(xrf1) =	vsort.ascd.msk.f32 $0xffff, v55, v55;
	v21, _, _ =	vpop (xrf1)  }
0x13e: {  	v56 =	vmax.f32 v32, v19;
	v19 =	vmin.f32 v32, v19;
	(xrf1) =	vsort.ascd.msk.f32 $0xffff, v20, v20;
	v58, _, _ =	vpop (xrf1)  }
0x13f: {  	v57 =	vmin.f32 v21, v35;
	(xrf1) =	vsort.ascd.msk.f32 $0xffff, v56, v56;
	v20 =	vmin.f32 v58, v43;
	v59, _, _ =	vpop (xrf1)  }
0x140: {  	v23 =	vmax.f32 v23, v27;
	(xrf1) =	vsort.ascd.msk.f32 $0xffff, v19, v19;
	v60 =	vmin.f32 v57, v20;
	v46, _, _ =	vpop (xrf1)  }
0x141: {  	v61 =	vmax.f32 v59, v18;
	v19 =	vmax.f32 v57, v20;
	v20 =	vmax.f32 v46, v45  }
0x142: {  	v32 =	vmin.f32 v59, v18;
	(xrf1) =	vsort.ascd.msk.f32 $0xffff, v60, v60;
	v18 =	vmax.f32 v61, v20  }
0x143: {  	v62 =	vmin.f32 v46, v45;
	(xrf1) =	vsort.ascd.msk.f32 $0xffff, v19, v19;
	v20 =	vmin.f32 v61, v20  }
0x144: {  	v35 =	vmax.f32 v21, v35;
	v21 =	vmax.f32 v32, v62;
	v19, _, _ =	vpop (xrf1);
	(xrf1) =	vsort.ascd.msk.f32 $0xffff, v18, v18  }
0x145: {  	v41 =	vmax.f32 v29, v42;
	v32 =	vmin.f32 v32, v62;
	v18, _, _ =	vpop (xrf1);
	(xrf1) =	vsort.ascd.msk.f32 $0xffff, v20, v20  }
0x146: {  	v47 =	vmin.f32 v17, v23;
	v63 =	vmax.f32 v58, v43;
	v20, _, _ =	vpop (xrf1);
	(xrf1) =	vsort.ascd.msk.f32 $0xffff, v21, v21  }
0x147: {  	v17 =	vmax.f32 v17, v23;
	v40 =	vmin.f32 v35, v63;
	v21, _, _ =	vpop (xrf1);
	(xrf1) =	vsort.ascd.msk.f32 $0xffff, v32, v32  }
0x148: {  	v31 =	vmin.f32 v34, v31;
	v26 =	vmax.f32 v35, v63;
	v32, _, _ =	vpop (xrf1);
	(xrf1) =	vsort.ascd.msk.f32 $0xffff, v40, v40  }
0x149: {  	v27, _, _ =	vpop (xrf1);
	(xrf1) =	vsort.ascd.msk.f32 $0xffff, v26, v26;
	v26 =	vmin.f32 v29, v42;
	v29 =	vmax.f32 v38, v36  }
0x14a: {  	v50 =	vmin.f32 v22, v24;
	v22 =	vmax.f32 v22, v24;
	(xrf1) =	vsort.ascd.msk.f32 $0xffff, v31, v31  }
0x14b: {  	v49 =	vmin.f32 v41, v44;
	v45 =	vmax.f32 v41, v44;
	v31, _, _ =	vpop (xrf1);
	(xrf1) =	vsort.ascd.msk.f32 $0xffff, v29, v29  }
0x14c: {  	v46 =	vmin.f32 v28, v25;
	v25 =	vmax.f32 v28, v25;
	v29, _, _ =	vpop (xrf1);
	(xrf1) =	vsort.ascd.msk.f32 $0xffff, v45, v45  }
0x14d: {  	v34 =	vmax.f32 v46, v50;
	v28 =	vmin.f32 v26, v30;
	v48, _, _ =	vpop (xrf1);
	(xrf1) =	vsort.ascd.msk.f32 $0xffff, v47, v47  }
0x14e: {  	v24 =	vmax.f32 v26, v30;
	v30 =	vmin.f32 v25, v22;
	v51, _, _ =	vpop (xrf1);
	(xrf1) =	vsort.ascd.msk.f32 $0xffff, v49, v49  }
0x14f: {  	v22 =	vmax.f32 v25, v22;
	v25 =	vperm.xlane v48, v16;
	v23, _, _ =	vpop (xrf1);
	(xrf1) =	vsort.ascd.msk.f32 $0xffff, v17, v17  }
0x150: {  	v26 =	vmin.f32 v46, v50;
	v52 =	vperm.xlane v51, v16;
	v17, _, _ =	vpop (xrf1);
	(xrf1) =	vsort.ascd.msk.f32 $0xffff, v28, v28  }
0x151: {  	v23 =	vperm.xlane v23, v16;
	v54 =	vmax.f32 v32, v25;
	v25 =	vmin.f32 v32, v25  }
0x152: {  	(xrf1) =	vsort.ascd.msk.f32 $0xffff, v24, v24;
	v17 =	vperm.xlane v17, v16;
	v55 =	vmax.f32 v27, v52  }
0x153: {  	v28, _, _ =	vpop (xrf1);
	v27 =	vmin.f32 v27, v52;
	(xrf1) =	vsort.ascd.msk.f32 $0xffff, v26, v26;
	v57 =	vmax.f32 v31, v23  }
0x154: {  	v24, _, _ =	vpop (xrf1);
	v23 =	vmin.f32 v31, v23;
	(xrf1) =	vsort.ascd.msk.f32 $0xffff, v34, v34;
	v58 =	vmax.f32 v29, v17  }
0x155: {  	v26, _, _ =	vpop (xrf1);
	v17 =	vmin.f32 v29, v17;
	v31 =	vmax.f32 v25, v23;
	v23 =	vmin.f32 v25, v23  }
0x156: {  	v53, _, _ =	vpop (xrf1);
	v26 =	vperm.xlane v26, v16;
	(xrf1) =	vsort.ascd.msk.f32 $0xffff, v22, v22;
	v29 =	vmin.f32 v55, v58  }
0x157: {  	v33 =	vmax.f32 v27, v17;
	v17 =	vmin.f32 v27, v17;
	v34 =	vperm.xlane v53, v16  }
0x158: {  	v22, _, _ =	vpop (xrf1);
	(xrf1) =	vsort.ascd.msk.f32 $0xffff, v30, v30;
	v25 =	vmax.f32 v31, v33;
	v27 =	vmin.f32 v31, v33  }
0x159: {  	v22 =	vperm.xlane v22, v16;
	v30, _, _ =	vpop (xrf1);
	v59 =	vmin.f32 v28, v26;
	v26 =	vmax.f32 v28, v26  }
0x15a: {  	v28 =	vmin.f32 v54, v57;
	v30 =	vperm.xlane v30, v16;
	v61 =	vmin.f32 v24, v34  }
0x15b: {  	v24 =	vmax.f32 v24, v34;
	v37 =	vmax.f32 v28, v29;
	v28 =	vmin.f32 v28, v29  }
0x15c: {  	v56, _, _ =	vpop (xrf1);
	v29 =	vmin.f32 v23, v17;
	v17 =	vmax.f32 v23, v17;
	(xrf1) =	vsort.ascd.msk.f32 $0xffff, v37, v37  }
0x15d: {  	v60, _, _ =	vpop (xrf1);
	v62 =	vmin.f32 v56, v22;
	v22 =	vmax.f32 v56, v22;
	(xrf1) =	vsort.ascd.msk.f32 $0xffff, v28, v28  }
0x15e: {  	v63 =	vmin.f32 v60, v30;
	v30 =	vmax.f32 v60, v30;
	v28, _, _ =	vpop (xrf1);
	(xrf1) =	vsort.ascd.msk.f32 $0xffff, v25, v25  }
0x15f: {  	v31 =	vmax.f32 v26, v22;
	v23 =	vmax.f32 v24, v30;
	v25, _, _ =	vpop (xrf1);
	(xrf1) =	vsort.ascd.msk.f32 $0xffff, v27, v27  }
0x160: {  	v22 =	vmin.f32 v26, v22;
	v26 =	vmax.f32 v31, v23;
	v27, _, _ =	vpop (xrf1);
	(xrf1) =	vsort.ascd.msk.f32 $0xffff, v29, v29  }
0x161: {  	v24 =	vmin.f32 v24, v30;
	v23 =	vmin.f32 v31, v23;
	v29, _, _ =	vpop (xrf1);
	(xrf1) =	vsort.ascd.msk.f32 $0xffff, v17, v17  }
0x162: {  	v30 =	vmax.f32 v22, v24;
	v17, _, _ =	vpop (xrf1);
	(xrf1) =	vsort.ascd.msk.f32 $0xffff, v26, v26  }
0x163: {  	v22 =	vmin.f32 v22, v24;
	v26, _, _ =	vpop (xrf1);
	(xrf1) =	vsort.ascd.msk.f32 $0xffff, v23, v23  }
0x164: {  	v31 =	vmax.f32 v59, v62;
	v24 =	vmax.f32 v61, v63;
	v23, _, _ =	vpop (xrf1)  }
0x165: {  	v43 =	vmax.f32 v31, v24;
	v24 =	vmin.f32 v31, v24;
	(xrf1) =	vsort.ascd.msk.f32 $0xffff, v30, v30;
	v30, _, _ =	vpop (xrf1)  }
0x166: {  	(xrf1) =	vsort.ascd.msk.f32 $0xffff, v22, v22;
	v22, _, _ =	vpop (xrf1)  }
0x167: {  	(xrf1) =	vsort.ascd.msk.f32 $0xffff, v43, v43;
	v31, _, _ =	vpop (xrf1)  }
0x168: {  	v21 =	vperm.xlane v21, v16;
	(xrf1) =	vsort.ascd.msk.f32 $0xffff, v24, v24;
	v24, _, _ =	vpop (xrf1)  }
0x169: {  	v45 =	vmax.f32 v54, v57;
	v36 =	vmax.f32 v55, v58;
	v41 =	vmin.f32 v59, v62;
	v47, _, _ =	vpop (xrf1)  }
0x16a: {  	v44 =	vmin.f32 v61, v63;
	v24 =	vperm.xlane v24, v16;
	v50, _, _ =	vpop (xrf1);
	v52 =	vperm.xlane v47, v16  }
0x16b: {  	v48 =	vmin.f32 v45, v36;
	v46 =	vmax.f32 v41, v44;
	v32 =	vmin.f32 v41, v44;
	v51, _, _ =	vpop (xrf1)  }
0x16c: {  	(xrf1) =	vsort.ascd.msk.f32 $0xffff, v46, v46;
	v23 =	vmax.f32 v23, v24;
	v53, _, _ =	vpop (xrf1);
	v24 =	vmax.f32 v30, v52  }
0x16d: {  	v49 =	vmax.f32 v45, v36;
	v31 =	vperm.xlane v31, v16;
	(xrf1) =	vsort.ascd.msk.f32 $0xffff, v32, v32;
	v54, _, _ =	vpop (xrf1)  }
0x16e: {  	v22 =	vperm.xlane v22, v16;
	(xrf1) =	vsort.ascd.msk.f32 $0xffff, v48, v48;
	v23 =	vmin.f32 v23, v24;
	v30, _, _ =	vpop (xrf1)  }
0x16f: {  	v26 =	vperm.xlane v26, v16;
	v17 =	vmax.f32 v17, v31;
	(xrf1) =	vsort.ascd.msk.f32 $0xffff, v49, v49;
	v24, _, _ =	vpop (xrf1)  }
0x170: {  	v19 =	vmax.f32 v19, v21;
	v22 =	vmax.f32 v27, v22;
	v17 =	vmin.f32 v23, v17;
	v21, _, _ =	vpop (xrf1)  }
0x171: {  	v17 =	vmin.f32 v17, v22;
	v22 =	vmax.f32 v28, v26;
	v23, _, _ =	vpop (xrf1)  }
0x172: {  	v29 =	vperm.xlane v29, v16;
	v17 =	vmin.f32 v17, v22;
	v22 =	vperm.xlane v23, v16;
	_ =	sdelay $0x1  }
0x173: {  	v20 =	vmax.f32 v20, v29;
	v21 =	vperm.xlane v21, v16;
	v23, _, _ =	vpop (xrf1);
	v22 =	vmax.f32 v24, v22  }
0x174: {  	v17 =	vmin.f32 v17, v20;
	v20 =	vperm.xlane v23, v16;
	v23, _, _ =	vpop (xrf1)  }
0x175: {  	v21 =	vmax.f32 v30, v21;
	v23 =	vperm.xlane v23, v16;
	v24, _, _ =	vpop (xrf1)  }
0x176: {  	v24 =	vperm.xlane v24, v16;
	v21 =	vmin.f32 v21, v22;
	v20 =	vmax.f32 v54, v20;
	v22, _, _ =	vpop (xrf1)  }
0x177: {  	v20 =	vmin.f32 v21, v20;
	v21 =	vmax.f32 v53, v23;
	v22 =	vperm.xlane v22, v16  }
0x178: {  	v20 =	vmin.f32 v20, v21;
	v21 =	vmax.f32 v51, v24  }
0x179: {  	v25 =	vperm.xlane v25, v16;
	v23, _, _ =	vpop (xrf1);
	v20 =	vmin.f32 v20, v21;
	v21 =	vmax.f32 v50, v22  }
0x17a: {  	v23 =	vperm.xlane v23, v16;
	v24, _, _ =	vpop (xrf1)  }
0x17b: {  	v18 =	vmax.f32 v18, v25;
	v24 =	vperm.xlane v24, v16;
	v22, _, _ =	vpop (xrf1)  }
0x17c: {  	v17 =	vmin.f32 v17, v18;
	v18 =	vmin.f32 v20, v21;
	v20 =	vmax.f32 v22, v23;
	v21, _, _ =	vpop (xrf1)  }
0x17d: {  	v17 =	vmin.f32 v17, v19;
	v18 =	vmin.f32 v18, v20;
	v19 =	vmax.f32 v21, v24  }
0x17e: {  	(xrf0) =	vmin.scan.msk.f32 $0xffff, v17;
	v18 =	vmin.f32 v18, v19  }
0x17f: {  	(xrf0) =	vmin.scan.msk.f32 $0xffff, v18;
	_ =	sdelay $0x2  }
0x180: {  	s30 =	sshrl.u32 s19, $0x3;
	v17 =	vmov s18  }
0x181: {  	s18 =	smul.u32 $0x1800, s30;
	v18 =	vmov s22  }
0x182: {  	s21 =	sshll.u32 s21, $0xA;
	s31 =	sshll.u32 s19, $0x7;
	p0 =	seq.s32 s16, $0x5;
	v19, _, _ =	vpop (xrf0)  }
0x183: {  	s19 =	sand.u32 $0x380, s31;
	s20 =	sadd.s32 @!p0 $0x2, s20;
	s21 =	sadd.s32 s21, s18;
	v19 =	vbroadcast v19, $0xF;
	v20, _, _ =	vpop (xrf0)  }
0x184: {  	s21 =	sor.u32 s19, s21;
	s22 =	smulhi.u32 @!p0 $0x2AAAAAAB, s20;
	v20 =	vbroadcast v20, $0xF  }
0x185: {  	s21 =	sshrl.u32 s21, $0x3;
	[tilespmem:v17+s12+$0x0] =	vst.idx.msk $0x1, v19  }
0x186: {  	s21 =	sadd.s32 s3, s21;
	s23 =	smul.u32 @!p0 $0x6, s22;
	[tilespmem:v18+s12+$0x0] =	vst.idx.msk $0x1, v20  }
0x187: {  	[hbm4b:s21+s4] =	stream.linear.scatter [tilespmem:s12], [sflag:$0x3], $0x80, $0x38;
	[tilespmem:$0x10080] =	vst v63  }
0x188: {  	s20 =	ssub.s32 @!p0 s20, s23;
	s21 =	smul.u32 @!p0 $0x30000, s22  }
0x189: {  	s20 =	sshll.u32 @!p0 s20, $0xA  }
0x18a: {  	s20 =	sor.u32 @!p0 s20, s21  }
0x18b: {  	s24 =	simm.s32 @!p0 $0x0;
	_ =	swait.ge [sflag:s13], $0x80;
	s20 =	sshrl.u32 @!p0 s20, $0x3  }
0x18c: {  	[sflag:s13] =	ssyncset.done $0x0;
	s21 =	sadd.s32 @!p0 s1, s20;
	s20 =	simm.s32 $0x0  }
0x18d: {  	s23 =	simm.s32 @!p0 $0x1800;
	s22 =	simm.s32 @!p0 $0x400;
	[sflag:s13] =	ssyncadd.s32 $0xFFFFFF80;
	v17 =	vor.u32 s20, v0  }
0x18e: {  	[tilespmem:s24], [sflag:$0x1] =	stream.strided.gather @!p0 [hbm4b:s21+s22], $0x8000, s23, s22, $0x38;
	v18 =	vor.u32 s20, v1;
	[tilespmem:$0x10080] =	vst v63  }
0x18f: {  	v19 =	vor.u32 s20, v3;
	_ =	swait.ge [sflag:s14], $0x8000  }
0x190: {  	[sflag:s14] =	ssyncset.done $0x0  }
0x191: {  	v20 =	vor.u32 s20, v2;
	[sflag:s14] =	ssyncadd.s32 $0xFFFF8000  }
0x192: {  	v21 =	vor.u32 s20, v7;
	v17 =	vld.idx.msk [tilespmem:v17+s10+$0x0], $0xffff  }
0x193: {  	v18 =	vld.idx.msk [tilespmem:v18+s10+$0x0], $0xffff  }
0x194: {  	v22 =	vor.u32 s20, v6;
	v19 =	vld.idx.msk [tilespmem:v19+s10+$0x0], $0xffff  }
0x195: {  	v23 =	vor.u32 s20, v11  }
0x196: {  	v24 =	vor.u32 s20, v10;
	v20 =	vld.idx.msk [tilespmem:v20+s10+$0x0], $0xffff  }
0x197: {  	v25 =	vor.u32 s20, v15;
	v21 =	vld.idx.msk [tilespmem:v21+s10+$0x0], $0xffff;
	(xrf1) =	vsort.ascd.msk.f32 $0xffff, v17, v17  }
0x198: {  	v26 =	vor.u32 s20, v14;
	(xrf1) =	vsort.ascd.msk.f32 $0xffff, v18, v18  }
0x199: {  	v17 =	vld.idx.msk [tilespmem:v22+s10+$0x0], $0xffff;
	v18 =	vor.u32 s20, v5;
	(xrf1) =	vsort.ascd.msk.f32 $0xffff, v19, v19  }
0x19a: {  	v22 =	vld.idx.msk [tilespmem:v23+s10+$0x0], $0xffff  }
0x19b: {  	v23 =	vld.idx.msk [tilespmem:v24+s10+$0x0], $0xffff;
	v19 =	vor.u32 s20, v4;
	(xrf1) =	vsort.ascd.msk.f32 $0xffff, v20, v20  }
0x19c: {  	v24 =	vld.idx.msk [tilespmem:v25+s10+$0x0], $0xffff;
	(xrf1) =	vsort.ascd.msk.f32 $0xffff, v21, v21  }
0x19d: {  	v20 =	vor.u32 s20, v9;
	v21 =	vld.idx.msk [tilespmem:v26+s10+$0x0], $0xffff  }
0x19e: {  	(xrf1) =	vsort.ascd.msk.f32 $0xffff, v17, v17;
	v17 =	vld.idx.msk [tilespmem:v18+s10+$0x0], $0xffff;
	v18 =	vor.u32 s20, v8  }
0x19f: {  	(xrf1) =	vsort.ascd.msk.f32 $0xffff, v22, v22;
	v22 =	vor.u32 s20, v12  }
0x1a0: {  	(xrf1) =	vsort.ascd.msk.f32 $0xffff, v23, v23;
	v19 =	vld.idx.msk [tilespmem:v19+s10+$0x0], $0xffff;
	v23 =	vor.u32 s20, v13;
	_ =	sdelay $0x1  }
0x1a1: {  	(xrf1) =	vsort.ascd.msk.f32 $0xffff, v24, v24;
	v20 =	vld.idx.msk [tilespmem:v20+s10+$0x0], $0xffff  }
0x1a2: {  	(xrf1) =	vsort.ascd.msk.f32 $0xffff, v21, v21;
	v18 =	vld.idx.msk [tilespmem:v18+s10+$0x0], $0xffff  }
0x1a3: {  	(xrf1) =	vsort.ascd.msk.f32 $0xffff, v17, v17;
	v17 =	vld.idx.msk [tilespmem:v22+s10+$0x0], $0xffff  }
0x1a4: {  	v21 =	vld.idx.msk [tilespmem:v23+s10+$0x0], $0xffff;
	(xrf1) =	vsort.ascd.msk.f32 $0xffff, v19, v19;
	v19, _, _ =	vpop (xrf1)  }
0x1a5: {  	v22, _, _ =	vpop (xrf1)  }
0x1a6: {  	(xrf1) =	vsort.ascd.msk.f32 $0xffff, v20, v20;
	v20 =	vperm.xlane v22, v16;
	v22, _, _ =	vpop (xrf1)  }
0x1a7: {  	(xrf1) =	vsort.ascd.msk.f32 $0xffff, v18, v18;
	v18 =	vperm.xlane v22, v16  }
0x1a8: {  	v22, _, _ =	vpop (xrf1);
	(xrf1) =	vsort.ascd.msk.f32 $0xffff, v17, v17;
	v17 =	vmin.f32 v19, v20  }
0x1a9: {  	v23, _, _ =	vpop (xrf1);
	(xrf1) =	vsort.ascd.msk.f32 $0xffff, v21, v21;
	v21 =	vmax.f32 v22, v18  }
0x1aa: {  	v23 =	vperm.xlane v23, v16  }
0x1ab: {  	(xrf1) =	vsort.ascd.msk.f32 $0xffff, v17, v17;
	v18 =	vmin.f32 v22, v18;
	v17, _, _ =	vpop (xrf1)  }
0x1ac: {  	(xrf1) =	vsort.ascd.msk.f32 $0xffff, v21, v21;
	v21, _, _ =	vpop (xrf1);
	v22 =	vmax.f32 v17, v23  }
0x1ad: {  	v21 =	vperm.xlane v21, v16  }
0x1ae: {  	(xrf1) =	vsort.ascd.msk.f32 $0xffff, v18, v18;
	v18, _, _ =	vpop (xrf1)  }
0x1af: {  	v17 =	vmin.f32 v17, v23;
	(xrf1) =	vsort.ascd.msk.f32 $0xffff, v22, v22;
	v22, _, _ =	vpop (xrf1);
	v23 =	vmax.f32 v18, v21  }
0x1b0: {  	(xrf1) =	vsort.ascd.msk.f32 $0xffff, v17, v17;
	v22 =	vperm.xlane v22, v16  }
0x1b1: {  	v17 =	vmin.f32 v18, v21;
	(xrf1) =	vsort.ascd.msk.f32 $0xffff, v23, v23;
	v18, _, _ =	vpop (xrf1)  }
0x1b2: {  	v19 =	vmax.f32 v19, v20;
	(xrf1) =	vsort.ascd.msk.f32 $0xffff, v17, v17;
	v21 =	vmax.f32 v18, v22;
	v23, _, _ =	vpop (xrf1)  }
0x1b3: {  	v18 =	vmin.f32 v18, v22;
	v17 =	vperm.xlane v23, v16;
	(xrf1) =	vsort.ascd.msk.f32 $0xffff, v21, v21  }
0x1b4: {  	v20, _, _ =	vpop (xrf1);
	(xrf1) =	vsort.ascd.msk.f32 $0xffff, v18, v18  }
0x1b5: {  	v18 =	vmin.f32 v20, v17;
	(xrf1) =	vsort.ascd.msk.f32 $0xffff, v19, v19;
	v19, _, _ =	vpop (xrf1);
	v17 =	vmax.f32 v20, v17  }
0x1b6: {  	(xrf1) =	vsort.ascd.msk.f32 $0xffff, v18, v18;
	v18 =	vperm.xlane v19, v16  }
0x1b7: {  	v19, _, _ =	vpop (xrf1)  }
0x1b8: {  	(xrf1) =	vsort.ascd.msk.f32 $0xffff, v17, v17;
	v17, _, _ =	vpop (xrf1);
	v20 =	vmin.f32 v19, v18  }
0x1b9: {  	v21, _, _ =	vpop (xrf1)  }
0x1ba: {  	v18 =	vmax.f32 v19, v18;
	v19 =	vperm.xlane v21, v16  }
0x1bb: {  	(xrf1) =	vsort.ascd.msk.f32 $0xffff, v20, v20;
	v20, _, _ =	vpop (xrf1)  }
0x1bc: {  	v21, _, _ =	vpop (xrf1);
	v22 =	vmin.f32 v17, v19  }
0x1bd: {  	(xrf1) =	vsort.ascd.msk.f32 $0xffff, v18, v18;
	v18, _, _ =	vpop (xrf1)  }
0x1be: {  	v23, _, _ =	vpop (xrf1)  }
0x1bf: {  	(xrf1) =	vsort.ascd.msk.f32 $0xffff, v22, v22;
	v22, _, _ =	vpop (xrf1)  }
0x1c0: {  	v17 =	vmax.f32 v17, v19;
	v19, _, _ =	vpop (xrf1)  }
0x1c1: {  	(xrf1) =	vsort.ascd.msk.f32 $0xffff, v17, v17;
	v17 =	vperm.xlane v21, v16;
	v21, _, _ =	vpop (xrf1)  }
0x1c2: {  	v18 =	vperm.xlane v18, v16;
	v23 =	vperm.xlane v23, v16;
	v24, _, _ =	vpop (xrf1)  }
0x1c3: {  	v22 =	vperm.xlane v22, v16;
	v19 =	vperm.xlane v19, v16;
	v25, _, _ =	vpop (xrf1)  }
0x1c4: {  	v21 =	vperm.xlane v21, v16;
	v26 =	vmin.f32 v20, v17;
	v17 =	vmax.f32 v20, v17;
	v27, _, _ =	vpop (xrf1)  }
0x1c5: {  	v24 =	vperm.xlane v24, v16;
	v25 =	vperm.xlane v25, v16;
	v20 =	vmin.f32 v27, v18;
	v28, _, _ =	vpop (xrf1)  }
0x1c6: {  	v18 =	vmax.f32 v27, v18;
	v27 =	vmin.f32 v26, v20;
	v29 =	vmin.f32 v28, v23  }
0x1c7: {  	v23 =	vmax.f32 v28, v23;
	v28, _, _ =	vpop (xrf1);
	v20 =	vmax.f32 v26, v20;
	(xrf1) =	vsort.ascd.msk.f32 $0xffff, v27, v27  }
0x1c8: {  	v26 =	vmin.f32 v28, v22;
	v27 =	vmin.f32 v17, v18;
	(xrf1) =	vsort.ascd.msk.f32 $0xffff, v20, v20  }
0x1c9: {  	v17 =	vmax.f32 v17, v18;
	v20 =	vmax.f32 v28, v22;
	v22, _, _ =	vpop (xrf1);
	(xrf1) =	vsort.ascd.msk.f32 $0xffff, v27, v27  }
0x1ca: {  	v18 =	vmin.f32 v22, v19;
	v27 =	vmax.f32 v23, v20;
	(xrf1) =	vsort.ascd.msk.f32 $0xffff, v17, v17  }
0x1cb: {  	v20 =	vmin.f32 v23, v20;
	v23 =	vmax.f32 v29, v26;
	(xrf1) =	vsort.ascd.msk.f32 $0xffff, v27, v27  }
0x1cc: {  	s21 =	simm.s32 $0x1;
	v26 =	vmin.f32 v29, v26;
	v17 =	vmax.f32 v22, v19;
	v19, _, _ =	vpop (xrf1);
	(xrf1) =	vsort.ascd.msk.f32 $0xffff, v20, v20  }
0x1cd: {  	v22 =	vmin.f32 v19, v21;
	v19 =	vmax.f32 v19, v21;
	v20 =	vor.u32 s21, v1;
	(xrf1) =	vsort.ascd.msk.f32 $0xffff, v23, v23  }
0x1ce: {  	v21, _, _ =	vpop (xrf1);
	v28 =	vmin.f32 v18, v22;
	v18 =	vmax.f32 v18, v22;
	(xrf1) =	vsort.ascd.msk.f32 $0xffff, v26, v26  }
0x1cf: {  	v27 =	vor.u32 s21, v0;
	v22 =	vmin.f32 v17, v19;
	v23 =	vmin.f32 v21, v24;
	v26, _, _ =	vpop (xrf1);
	(xrf1) =	vsort.ascd.msk.f32 $0xffff, v28, v28  }
0x1d0: {  	v21 =	vmax.f32 v21, v24;
	v24 =	vor.u32 s21, v3;
	v28 =	vmax.f32 v26, v25;
	(xrf1) =	vsort.ascd.msk.f32 $0xffff, v18, v18  }
0x1d1: {  	v18 =	vmin.f32 v26, v25;
	v25 =	vmax.f32 v21, v28;
	(xrf1) =	vsort.ascd.msk.f32 $0xffff, v22, v22;
	v22 =	vor.u32 s21, v2  }
0x1d2: {  	v26 =	vld.idx.msk [tilespmem:v20+s10+$0x0], $0xffff;
	v20 =	vmin.f32 v21, v28;
	v21 =	vmax.f32 v23, v18;
	(xrf1) =	vsort.ascd.msk.f32 $0xffff, v25, v25  }
0x1d3: {  	v25 =	vor.u32 s21, v7;
	(xrf1) =	vsort.ascd.msk.f32 $0xffff, v20, v20  }
0x1d4: {  	v27 =	vld.idx.msk [tilespmem:v27+s10+$0x0], $0xffff;
	v28 =	vor.u32 s21, v6;
	v18 =	vmin.f32 v23, v18;
	(xrf1) =	vsort.ascd.msk.f32 $0xffff, v21, v21  }
0x1d5: {  	v17 =	vmax.f32 v17, v19;
	v23 =	vor.u32 s21, v11;
	v21, _, _ =	vpop (xrf1);
	(xrf1) =	vsort.ascd.msk.f32 $0xffff, v18, v18  }
0x1d6: {  	v29 =	vor.u32 s21, v10;
	v24 =	vld.idx.msk [tilespmem:v24+s10+$0x0], $0xffff;
	v20, _, _ =	vpop (xrf1);
	(xrf1) =	vsort.ascd.msk.f32 $0xffff, v17, v17  }
0x1d7: {  	v17 =	vld.idx.msk [tilespmem:v22+s10+$0x0], $0xffff;
	v22 =	vor.u32 s21, v15;
	v18, _, _ =	vpop (xrf1);
	(xrf1) =	vsort.ascd.msk.f32 $0xffff, v26, v26  }
0x1d8: {  	v25 =	vld.idx.msk [tilespmem:v25+s10+$0x0], $0xffff;
	v26 =	vor.u32 s21, v14;
	v19, _, _ =	vpop (xrf1)  }
0x1d9: {  	(xrf1) =	vsort.ascd.msk.f32 $0xffff, v27, v27;
	v27 =	vld.idx.msk [tilespmem:v28+s10+$0x0], $0xffff;
	v30, _, _ =	vpop (xrf1)  }
0x1da: {  	v31 =	vld.idx.msk [tilespmem:v23+s10+$0x0], $0xffff;
	v56, _, _ =	vpop (xrf1)  }
0x1db: {  	v29 =	vld.idx.msk [tilespmem:v29+s10+$0x0], $0xffff;
	v28 =	vor.u32 s21, v5;
	(xrf1) =	vsort.ascd.msk.f32 $0xffff, v24, v24;
	v58, _, _ =	vpop (xrf1)  }
0x1dc: {  	v22 =	vld.idx.msk [tilespmem:v22+s10+$0x0], $0xffff;
	(xrf1) =	vsort.ascd.msk.f32 $0xffff, v17, v17;
	v59, _, _ =	vpop (xrf1)  }
0x1dd: {  	v55 =	vor.u32 s21, v4;
	v26 =	vld.idx.msk [tilespmem:v26+s10+$0x0], $0xffff;
	(xrf1) =	vsort.ascd.msk.f32 $0xffff, v25, v25;
	v23, _, _ =	vpop (xrf1)  }
0x1de: {  	v57 =	vor.u32 s21, v8;
	(xrf1) =	vsort.ascd.msk.f32 $0xffff, v27, v27;
	v24, _, _ =	vpop (xrf1)  }
0x1df: {  	v17 =	vor.u32 s21, v9;
	(xrf1) =	vsort.ascd.msk.f32 $0xffff, v31, v31;
	v25, _, _ =	vpop (xrf1)  }
0x1e0: {  	v60 =	vor.u32 s21, v12;
	v61 =	vld.idx.msk [tilespmem:v28+s10+$0x0], $0xffff;
	(xrf1) =	vsort.ascd.msk.f32 $0xffff, v29, v29;
	v31, _, _ =	vpop (xrf1)  }
0x1e1: {  	v62 =	vor.u32 s21, v13;
	(xrf1) =	vsort.ascd.msk.f32 $0xffff, v22, v22;
	v22, _, _ =	vpop (xrf1)  }
0x1e2: {  	v27 =	vld.idx.msk [tilespmem:v55+s10+$0x0], $0xffff;
	(xrf1) =	vsort.ascd.msk.f32 $0xffff, v26, v26;
	v26, _, _ =	vpop (xrf1)  }
0x1e3: {  	v34 =	vld.idx.msk [tilespmem:v57+s10+$0x0], $0xffff;
	v40 =	vperm.xlane v22, v16;
	v22, _, _ =	vpop (xrf1)  }
0x1e4: {  	v28 =	vperm.xlane v58, v16;
	v17 =	vld.idx.msk [tilespmem:v17+s10+$0x0], $0xffff;
	v36, _, _ =	vpop (xrf1)  }
0x1e5: {  	v63 =	vld.idx.msk [tilespmem:v60+s10+$0x0], $0xffff;
	v32 =	vperm.xlane v59, v16;
	(xrf1) =	vsort.ascd.msk.f32 $0xffff, v61, v61;
	v35 =	vperm.xlane v22, v16;
	v22, _, _ =	vpop (xrf1)  }
0x1e6: {  	v38 =	vperm.xlane v26, v16;
	v26 =	vperm.xlane v22, v16;
	v22 =	vld.idx.msk [tilespmem:v62+s10+$0x0], $0xffff  }
0x1e7: {  	v29 =	vperm.xlane v30, v16;
	v30 =	vperm.xlane v56, v16;
	(xrf1) =	vsort.ascd.msk.f32 $0xffff, v27, v27  }
0x1e8: {  	v37 =	vmax.f32 v18, v28;
	v41 =	vperm.xlane v31, v16;
	(xrf1) =	vsort.ascd.msk.f32 $0xffff, v34, v34  }
0x1e9: {  	v39 =	vmax.f32 v19, v32;
	v33 =	vmax.f32 v21, v29;
	v27, _, _ =	vpop (xrf1);
	(xrf1) =	vsort.ascd.msk.f32 $0xffff, v17, v17  }
0x1ea: {  	s22 =	simm.s32 $0x2;
	v31 =	vmax.f32 v20, v30;
	v17 =	vmin.f32 v23, v41;
	v34, _, _ =	vpop (xrf1);
	(xrf1) =	vsort.ascd.msk.f32 $0xffff, v63, v63  }
.LBB2_5:
0x1eb: {  	p0 =	slt.u32 s22, $0x7E;
	v42 =	vmin.f32 v27, v26;
	v46 =	vperm.xlane v34, v16;
	v43, _, _ =	vpop (xrf1);
	(xrf1) =	vsort.ascd.msk.f32 $0xffff, v22, v22  }
0x1ec: {  	v22 =	vmin.f32 v24, v40;
	v26 =	vmax.f32 v27, v26;
	(xrf1) =	vsort.ascd.msk.f32 $0xffff, v42, v42;
	v27, _, _ =	vpop (xrf1)  }
0x1ed: {  	v42 =	vmax.f32 v43, v46;
	v44 =	vperm.xlane v27, v16;
	(xrf1) =	vsort.ascd.msk.f32 $0xffff, v26, v26;
	v45, _, _ =	vpop (xrf1)  }
0x1ee: {  	v26 =	vmin.f32 v25, v38;
	v27 =	vmin.f32 v43, v46;
	(xrf1) =	vsort.ascd.msk.f32 $0xffff, v42, v42;
	v34, _, _ =	vpop (xrf1)  }
0x1ef: {  	v46 =	vmax.f32 v45, v44;
	v47 =	vperm.xlane v34, v16;
	(xrf1) =	vsort.ascd.msk.f32 $0xffff, v27, v27;
	v43, _, _ =	vpop (xrf1)  }
0x1f0: {  	v27 =	vmin.f32 v36, v35;
	v44 =	vmin.f32 v45, v44;
	(xrf1) =	vsort.ascd.msk.f32 $0xffff, v46, v46;
	v42, _, _ =	vpop (xrf1)  }
0x1f1: {  	v45 =	vmax.f32 v43, v47;
	v42 =	vperm.xlane v42, v16;
	(xrf1) =	vsort.ascd.msk.f32 $0xffff, v44, v44  }
0x1f2: {  	v29 =	vmin.f32 v21, v29;
	v21 =	vmin.f32 v43, v47;
	(xrf1) =	vsort.ascd.msk.f32 $0xffff, v45, v45;
	v34, _, _ =	vpop (xrf1)  }
0x1f3: {  	v30 =	vmin.f32 v20, v30;
	v20 =	vmax.f32 v34, v42;
	v43, _, _ =	vpop (xrf1);
	(xrf1) =	vsort.ascd.msk.f32 $0xffff, v21, v21  }
0x1f4: {  	v42 =	vmin.f32 v34, v42;
	v21 =	vperm.xlane v43, v16;
	(xrf1) =	vsort.ascd.msk.f32 $0xffff, v20, v20  }
0x1f5: {  	v32 =	vmin.f32 v19, v32;
	v34 =	vmin.f32 v18, v28;
	v18, _, _ =	vpop (xrf1);
	(xrf1) =	vsort.ascd.msk.f32 $0xffff, v42, v42  }
0x1f6: {  	v28 =	vmax.f32 v23, v41;
	v23 =	vmax.f32 v24, v40;
	v24 =	vmin.f32 v18, v21;
	v20, _, _ =	vpop (xrf1)  }
0x1f7: {  	v25 =	vmax.f32 v25, v38;
	v21 =	vmax.f32 v18, v21;
	(xrf1) =	vsort.ascd.msk.f32 $0xffff, v24, v24;
	v19, _, _ =	vpop (xrf1)  }
0x1f8: {  	v24 =	vmax.f32 v36, v35;
	v19 =	vperm.xlane v19, v16;
	(xrf1) =	vsort.ascd.msk.f32 $0xffff, v21, v21;
	v18, _, _ =	vpop (xrf1)  }
0x1f9: {  	v35 =	vmin.f32 v33, v37;
	v21 =	vmax.f32 v33, v37;
	v33 =	vmax.f32 v31, v39;
	v36, _, _ =	vpop (xrf1)  }
0x1fa: {  	v37 =	vmin.f32 v31, v39;
	v31 =	vmin.f32 v20, v19;
	v36 =	vperm.xlane v36, v16;
	v38, _, _ =	vpop (xrf1)  }
0x1fb: {  	v39 =	vmin.f32 v17, v26;
	v43 =	vmax.f32 v20, v19;
	v20, _, _ =	vpop (xrf1);
	(xrf1) =	vsort.ascd.msk.f32 $0xffff, v31, v31  }
0x1fc: {  	v40 =	vmin.f32 v22, v27;
	v41 =	vmin.f32 v18, v36;
	v42, _, _ =	vpop (xrf1);
	(xrf1) =	vsort.ascd.msk.f32 $0xffff, v43, v43  }
0x1fd: {  	v31 =	vmax.f32 v29, v34;
	v18 =	vmax.f32 v18, v36;
	v19, _, _ =	vpop (xrf1);
	(xrf1) =	vsort.ascd.msk.f32 $0xffff, v41, v41  }
0x1fe: {  	v44 =	vmin.f32 v21, v33;
	v43 =	vmax.f32 v21, v33;
	v33, _, _ =	vpop (xrf1);
	(xrf1) =	vsort.ascd.msk.f32 $0xffff, v18, v18  }
0x1ff: {  	v45 =	vmax.f32 v35, v37;
	v41 =	vmin.f32 v39, v40;
	(xrf1) =	vsort.ascd.msk.f32 $0xffff, v43, v43;
	v21, _, _ =	vpop (xrf1)  }
0x200: {  	v42 =	vperm.xlane v42, v16;
	v19 =	vperm.xlane v19, v16;
	(xrf1) =	vsort.ascd.msk.f32 $0xffff, v44, v44;
	v36, _, _ =	vpop (xrf1)  }
0x201: {  	v33 =	vperm.xlane v33, v16;
	v21 =	vperm.xlane v21, v16;
	(xrf1) =	vsort.ascd.msk.f32 $0xffff, v45, v45;
	v18, _, _ =	vpop (xrf1)  }
0x202: {  	v36 =	vperm.xlane v36, v16;
	v43 =	vperm.xlane v18, v16;
	(xrf1) =	vsort.ascd.msk.f32 $0xffff, v41, v41;
	v18, _, _ =	vpop (xrf1)  }
0x203: {  	v46 =	vmin.f32 v38, v42;
	v44 =	vmin.f32 v20, v19;
	v18 =	vperm.xlane v18, v16;
	v45, _, _ =	vpop (xrf1)  }
0x204: {  	v38 =	vmax.f32 v38, v42;
	v42 =	vmin.f32 v46, v44;
	v45 =	vperm.xlane v45, v16  }
0x205: {  	v19 =	vmax.f32 v20, v19;
	v46 =	vmax.f32 v46, v44;
	(xrf1) =	vsort.ascd.msk.f32 $0xffff, v42, v42;
	v41, _, _ =	vpop (xrf1)  }
0x206: {  	v42 =	vmin.f32 v38, v19;
	v44 =	vmax.f32 v41, v33;
	(xrf1) =	vsort.ascd.msk.f32 $0xffff, v46, v46;
	v20, _, _ =	vpop (xrf1)  }
0x207: {  	v19 =	vmax.f32 v38, v19;
	v38 =	vmax.f32 v20, v21;
	(xrf1) =	vsort.ascd.msk.f32 $0xffff, v42, v42  }
0x208: {  	v33 =	vmin.f32 v41, v33;
	v41 =	vmax.f32 v44, v38;
	(xrf1) =	vsort.ascd.msk.f32 $0xffff, v19, v19  }
0x209: {  	v19 =	vmin.f32 v20, v21;
	v20 =	vmin.f32 v44, v38;
	(xrf1) =	vsort.ascd.msk.f32 $0xffff, v41, v41;
	v21, _, _ =	vpop (xrf1)  }
0x20a: {  	v38 =	vmax.f32 v33, v19;
	v41 =	vmin.f32 v21, v36;
	(xrf1) =	vsort.ascd.msk.f32 $0xffff, v20, v20;
	v42, _, _ =	vpop (xrf1)  }
0x20b: {  	v47 =	vmin.f32 v33, v19;
	v20 =	vmin.f32 v42, v43;
	(xrf1) =	vsort.ascd.msk.f32 $0xffff, v38, v38;
	v33, _, _ =	vpop (xrf1)  }
0x20c: {  	v38 =	vmin.f32 v41, v20;
	v44 =	vmax.f32 v33, v18;
	(xrf1) =	vsort.ascd.msk.f32 $0xffff, v47, v47;
	v46, _, _ =	vpop (xrf1)  }
0x20d: {  	v47 =	vmax.f32 v41, v20;
	v41 =	vmax.f32 v46, v45;
	v19, _, _ =	vpop (xrf1);
	(xrf1) =	vsort.ascd.msk.f32 $0xffff, v38, v38  }
0x20e: {  	v33 =	vmin.f32 v33, v18;
	v38 =	vmax.f32 v44, v41;
	v18, _, _ =	vpop (xrf1);
	(xrf1) =	vsort.ascd.msk.f32 $0xffff, v47, v47  }
0x20f: {  	v45 =	vmin.f32 v46, v45;
	v41 =	vmin.f32 v44, v41;
	v20, _, _ =	vpop (xrf1);
	(xrf1) =	vsort.ascd.msk.f32 $0xffff, v38, v38  }
0x210: {  	v36 =	vmax.f32 v21, v36;
	v38 =	vmax.f32 v33, v45;
	v21, _, _ =	vpop (xrf1);
	(xrf1) =	vsort.ascd.msk.f32 $0xffff, v41, v41  }
0x211: {  	v41 =	vmax.f32 v42, v43;
	v43 =	vmin.f32 v33, v45;
	(xrf1) =	vsort.ascd.msk.f32 $0xffff, v38, v38  }
0x212: {  	v38 =	vmax.f32 v30, v32;
	v42 =	vmin.f32 v36, v41;
	(xrf1) =	vsort.ascd.msk.f32 $0xffff, v43, v43  }
0x213: {  	v17 =	vmax.f32 v17, v26;
	v26 =	vmax.f32 v36, v41;
	v33, _, _ =	vpop (xrf1);
	(xrf1) =	vsort.ascd.msk.f32 $0xffff, v42, v42  }
0x214: {  	v22 =	vmax.f32 v22, v27;
	v35 =	vmin.f32 v35, v37;
	v27, _, _ =	vpop (xrf1);
	(xrf1) =	vsort.ascd.msk.f32 $0xffff, v26, v26  }
0x215: {  	v36 =	vmax.f32 v39, v40;
	v26 =	vmin.f32 v29, v34;
	(xrf1) =	vsort.ascd.msk.f32 $0xffff, v35, v35;
	v34, _, _ =	vpop (xrf1)  }
0x216: {  	v30 =	vmin.f32 v30, v32;
	v37 =	vmax.f32 v31, v38;
	(xrf1) =	vsort.ascd.msk.f32 $0xffff, v36, v36;
	v29, _, _ =	vpop (xrf1)  }
0x217: {  	v39 =	vmin.f32 v17, v22;
	v35 =	vmin.f32 v28, v25;
	(xrf1) =	vsort.ascd.msk.f32 $0xffff, v37, v37;
	v32, _, _ =	vpop (xrf1)  }
0x218: {  	v31 =	vmin.f32 v31, v38;
	v37 =	vmin.f32 v23, v24;
	(xrf1) =	vsort.ascd.msk.f32 $0xffff, v39, v39;
	v36, _, _ =	vpop (xrf1)  }
0x219: {  	v38 =	vmax.f32 v17, v22;
	v25 =	vmax.f32 v28, v25;
	(xrf1) =	vsort.ascd.msk.f32 $0xffff, v31, v31;
	v22, _, _ =	vpop (xrf1)  }
0x21a: {  	v23 =	vmax.f32 v23, v24;
	v31 =	vmin.f32 v26, v30;
	(xrf1) =	vsort.ascd.msk.f32 $0xffff, v38, v38;
	v17, _, _ =	vpop (xrf1)  }
0x21b: {  	v39 =	vmin.f32 v35, v37;
	v38 =	vmax.f32 v26, v30;
	(xrf1) =	vsort.ascd.msk.f32 $0xffff, v31, v31;
	v28, _, _ =	vpop (xrf1)  }
0x21c: {  	v35 =	vmax.f32 v35, v37;
	v30 =	vmin.f32 v25, v23;
	(xrf1) =	vsort.ascd.msk.f32 $0xffff, v38, v38;
	v24, _, _ =	vpop (xrf1)  }
0x21d: {  	v23 =	vmax.f32 v25, v23;
	v25 =	vperm.xlane v32, v16;
	(xrf1) =	vsort.ascd.msk.f32 $0xffff, v39, v39;
	v26, _, _ =	vpop (xrf1)  }
0x21e: {  	v32 =	vperm.xlane v36, v16;
	v22 =	vperm.xlane v22, v16;
	(xrf1) =	vsort.ascd.msk.f32 $0xffff, v35, v35;
	v31, _, _ =	vpop (xrf1)  }
0x21f: {  	v35 =	vperm.xlane v17, v16;
	v26 =	vperm.xlane v26, v16;
	(xrf1) =	vsort.ascd.msk.f32 $0xffff, v23, v23;
	v17, _, _ =	vpop (xrf1)  }
0x220: {  	v23 =	vperm.xlane v31, v16;
	v31 =	vperm.xlane v17, v16;
	(xrf1) =	vsort.ascd.msk.f32 $0xffff, v30, v30;
	v17, _, _ =	vpop (xrf1)  }
0x221: {  	v36 =	vmax.f32 v27, v32;
	v30 =	vmax.f32 v33, v25;
	v37 =	vperm.xlane v17, v16;
	v38, _, _ =	vpop (xrf1)  }
0x222: {  	v39 =	vmax.f32 v34, v22;
	v40 =	vmax.f32 v29, v35;
	v41 =	vmin.f32 v28, v26;
	v42, _, _ =	vpop (xrf1)  }
0x223: {  	v43 =	vmin.f32 v24, v23;
	v44 =	vmin.f32 v38, v31;
	v45 =	vmin.f32 v42, v37;
	v17, _, _ =	vpop (xrf1)  }
0x224: {  	v27 =	vmin.f32 v27, v32;
	v22 =	vmin.f32 v34, v22;
	v25 =	vmin.f32 v33, v25;
	v32, _, _ =	vpop (xrf1)  }
0x225: {  	v29 =	vmin.f32 v29, v35;
	v26 =	vmax.f32 v28, v26;
	v23 =	vmax.f32 v24, v23;
	v24, _, _ =	vpop (xrf1)  }
0x226: {  	v28 =	vmin.f32 v30, v39;
	v47 =	vmin.f32 v36, v40;
	v31 =	vmax.f32 v38, v31;
	v34, _, _ =	vpop (xrf1)  }
0x227: {  	v35 =	vmax.f32 v25, v22;
	v48 =	vmax.f32 v28, v47;
	v37 =	vmax.f32 v42, v37;
	v42, _, _ =	vpop (xrf1)  }
0x228: {  	v46 =	vmax.f32 v27, v29;
	v28 =	vmin.f32 v28, v47;
	v33, _, _ =	vpop (xrf1);
	(xrf1) =	vsort.ascd.msk.f32 $0xffff, v48, v48  }
0x229: {  	v22 =	vmin.f32 v25, v22;
	v25 =	vmax.f32 v35, v46;
	v38, _, _ =	vpop (xrf1);
	(xrf1) =	vsort.ascd.msk.f32 $0xffff, v28, v28  }
0x22a: {  	v27 =	vmin.f32 v27, v29;
	v47 =	vmin.f32 v35, v46;
	v29, _, _ =	vpop (xrf1);
	(xrf1) =	vsort.ascd.msk.f32 $0xffff, v25, v25  }
0x22b: {  	v35 =	vmax.f32 v26, v31;
	v25 =	vmin.f32 v22, v27;
	v46, _, _ =	vpop (xrf1);
	(xrf1) =	vsort.ascd.msk.f32 $0xffff, v47, v47  }
0x22c: {  	v22 =	vmax.f32 v22, v27;
	v27 =	vmax.f32 v23, v37;
	v28, _, _ =	vpop (xrf1);
	(xrf1) =	vsort.ascd.msk.f32 $0xffff, v25, v25  }
0x22d: {  	v26 =	vmin.f32 v26, v31;
	v31 =	vmax.f32 v35, v27;
	v25 =	vor.u32 s22, v0;
	v47, _, _ =	vpop (xrf1);
	(xrf1) =	vsort.ascd.msk.f32 $0xffff, v22, v22  }
0x22e: {  	v23 =	vmin.f32 v23, v37;
	v27 =	vmin.f32 v35, v27;
	v22 =	vor.u32 s22, v1;
	v35, _, _ =	vpop (xrf1);
	(xrf1) =	vsort.ascd.msk.f32 $0xffff, v31, v31  }
0x22f: {  	v37 =	vmax.f32 v41, v44;
	v31 =	vmax.f32 v26, v23;
	(xrf1) =	vsort.ascd.msk.f32 $0xffff, v27, v27  }
0x230: {  	v23 =	vmin.f32 v26, v23;
	v26 =	vmax.f32 v43, v45;
	(xrf1) =	vsort.ascd.msk.f32 $0xffff, v31, v31  }
0x231: {  	v27 =	vmin.f32 v41, v44;
	v31 =	vmax.f32 v37, v26;
	(xrf1) =	vsort.ascd.msk.f32 $0xffff, v23, v23  }
0x232: {  	v26 =	vmin.f32 v37, v26;
	v23 =	vld.idx.msk [tilespmem:v25+s10+$0x0], $0xffff;
	v25 =	vmin.f32 v43, v45;
	(xrf1) =	vsort.ascd.msk.f32 $0xffff, v31, v31  }
0x233: {  	v30 =	vmax.f32 v30, v39;
	v22 =	vld.idx.msk [tilespmem:v22+s10+$0x0], $0xffff;
	v31 =	vmax.f32 v27, v25;
	(xrf1) =	vsort.ascd.msk.f32 $0xffff, v26, v26  }
0x234: {  	v40 =	vmax.f32 v36, v40;
	v26 =	vor.u32 s22, v2;
	v25 =	vmin.f32 v27, v25;
	(xrf1) =	vsort.ascd.msk.f32 $0xffff, v31, v31  }
0x235: {  	v37 =	vmin.f32 v30, v40;
	v27 =	vor.u32 s22, v3;
	v31 =	vor.u32 s22, v6;
	(xrf1) =	vsort.ascd.msk.f32 $0xffff, v25, v25  }
0x236: {  	v39 =	vor.u32 s22, v10;
	v30 =	vmax.f32 v30, v40;
	v25 =	vor.u32 s22, v7;
	v36, _, _ =	vpop (xrf1);
	(xrf1) =	vsort.ascd.msk.f32 $0xffff, v37, v37  }
0x237: {  	v21 =	vperm.xlane v21, v16;
	v32 =	vperm.xlane v32, v16;
	v37 =	vor.u32 s22, v11;
	v40, _, _ =	vpop (xrf1);
	(xrf1) =	vsort.ascd.msk.f32 $0xffff, v30, v30  }
0x238: {  	v45 =	vperm.xlane v35, v16;
	v30 =	vor.u32 s22, v14;
	(xrf1) =	vsort.ascd.msk.f32 $0xffff, v23, v23;
	v23 =	vperm.xlane v47, v16;
	v41, _, _ =	vpop (xrf1)  }
0x239: {  	v43 =	vor.u32 s22, v15;
	(xrf1) =	vsort.ascd.msk.f32 $0xffff, v22, v22;
	v22 =	vperm.xlane v28, v16;
	v28 =	vperm.xlane v34, v16;
	v34, _, _ =	vpop (xrf1)  }
0x23a: {  	v44 =	vperm.xlane v46, v16;
	v23 =	vmax.f32 v38, v23;
	v38 =	vmax.f32 v29, v45;
	v35, _, _ =	vpop (xrf1)  }
0x23b: {  	v33 =	vperm.xlane v33, v16;
	v38 =	vmin.f32 v23, v38;
	v22 =	vmax.f32 v42, v22;
	v29, _, _ =	vpop (xrf1)  }
0x23c: {  	v19 =	vmax.f32 v19, v21;
	v24 =	vmax.f32 v24, v44;
	v22 =	vmin.f32 v38, v22;
	v21, _, _ =	vpop (xrf1)  }
0x23d: {  	v17 =	vmax.f32 v17, v33;
	v20 =	vmax.f32 v20, v28;
	v22 =	vmin.f32 v22, v24;
	v23, _, _ =	vpop (xrf1)  }
0x23e: {  	v21 =	vperm.xlane v21, v16;
	v17 =	vmin.f32 v22, v17;
	v33 =	vperm.xlane v23, v16;
	v23, _, _ =	vpop (xrf1)  }
0x23f: {  	v18 =	vmax.f32 v18, v32;
	v17 =	vmin.f32 v17, v20;
	v20 =	vperm.xlane v23, v16;
	v23, _, _ =	vpop (xrf1)  }
0x240: {  	v21 =	vmax.f32 v35, v21;
	v32 =	vperm.xlane v23, v16;
	v28 =	vmax.f32 v29, v33;
	v24, _, _ =	vpop (xrf1)  }
0x241: {  	v29 =	vperm.xlane v24, v16;
	v21 =	vmin.f32 v21, v28;
	v20 =	vmax.f32 v34, v20;
	v22, _, _ =	vpop (xrf1)  }
0x242: {  	v28 =	vperm.xlane v22, v16;
	v20 =	vmin.f32 v21, v20;
	v21 =	vmax.f32 v41, v32;
	v23, _, _ =	vpop (xrf1)  }
0x243: {  	v27 =	vld.idx.msk [tilespmem:v27+s10+$0x0], $0xffff;
	v32 =	vperm.xlane v23, v16;
	v20 =	vmin.f32 v20, v21;
	v23 =	vmax.f32 v40, v29;
	v24, _, _ =	vpop (xrf1)  }
0x244: {  	v26 =	vld.idx.msk [tilespmem:v26+s10+$0x0], $0xffff;
	v29 =	vperm.xlane v24, v16;
	v20 =	vmin.f32 v20, v23;
	v28 =	vmax.f32 v36, v28;
	v22, _, _ =	vpop (xrf1)  }
0x245: {  	v17 =	vmin.f32 v17, v18;
	v25 =	vld.idx.msk [tilespmem:v25+s10+$0x0], $0xffff;
	v18 =	vmin.f32 v20, v28;
	v20 =	vmax.f32 v22, v32;
	v21, _, _ =	vpop (xrf1)  }
0x246: {  	v17 =	vmin.f32 v17, v19;
	v22 =	vld.idx.msk [tilespmem:v31+s10+$0x0], $0xffff;
	v23, _, _ =	vpop (xrf1);
	v18 =	vmin.f32 v18, v20;
	v19 =	vmax.f32 v21, v29  }
0x247: {  	v20 =	vor.u32 s22, v5;
	v21 =	vld.idx.msk [tilespmem:v37+s10+$0x0], $0xffff;
	v24, _, _ =	vpop (xrf1);
	v18 =	vmin.f32 v18, v19;
	(xrf0) =	vmin.scan.msk.f32 $0xffff, v17  }
0x248: {  	v17 =	vld.idx.msk [tilespmem:v39+s10+$0x0], $0xffff;
	(xrf0) =	vmin.scan.msk.f32 $0xffff, v18  }
0x249: {  	v18 =	vor.u32 s22, v4;
	v19 =	vld.idx.msk [tilespmem:v43+s10+$0x0], $0xffff;
	(xrf1) =	vsort.ascd.msk.f32 $0xffff, v27, v27  }
0x24a: {  	v27 =	vor.u32 s22, v9;
	(xrf1) =	vsort.ascd.msk.f32 $0xffff, v26, v26  }
0x24b: {  	v26 =	vld.idx.msk [tilespmem:v30+s10+$0x0], $0xffff;
	(xrf1) =	vsort.ascd.msk.f32 $0xffff, v25, v25;
	v25 =	vmov s20;
	s20 =	smov.u32 s22  }
0x24c: {  	v28 =	vor.u32 s22, v8;
	v20 =	vld.idx.msk [tilespmem:v20+s10+$0x0], $0xffff;
	(xrf1) =	vsort.ascd.msk.f32 $0xffff, v22, v22;
	v22 =	vmov s21  }
0x24d: {  	v29 =	vor.u32 s22, v12;
	(xrf1) =	vsort.ascd.msk.f32 $0xffff, v21, v21;
	v21, _, _ =	vpop (xrf0)  }
0x24e: {  	v30 =	vor.u32 s22, v13;
	v18 =	vld.idx.msk [tilespmem:v18+s10+$0x0], $0xffff;
	(xrf1) =	vsort.ascd.msk.f32 $0xffff, v17, v17;
	v17 =	vbroadcast v21, $0xF;
	v21, _, _ =	vpop (xrf0)  }
0x24f: {  	v27 =	vld.idx.msk [tilespmem:v27+s10+$0x0], $0xffff;
	(xrf1) =	vsort.ascd.msk.f32 $0xffff, v19, v19;
	v19 =	vbroadcast v21, $0xF  }
0x250: {  	[tilespmem:v25+s12+$0x0] =	vst.idx.msk $0x1, v17  }
0x251: {  	v17 =	vld.idx.msk [tilespmem:v28+s10+$0x0], $0xffff;
	(xrf1) =	vsort.ascd.msk.f32 $0xffff, v26, v26;
	[tilespmem:v22+s12+$0x0] =	vst.idx.msk $0x1, v19  }
0x252: {  	v19 =	vld.idx.msk [tilespmem:v29+s10+$0x0], $0xffff;
	(xrf1) =	vsort.ascd.msk.f32 $0xffff, v20, v20  }
0x253: {  	v20 =	vld.idx.msk [tilespmem:v30+s10+$0x0], $0xffff  }
0x254: {  	(xrf1) =	vsort.ascd.msk.f32 $0xffff, v18, v18  }
0x255: {  	(xrf1) =	vsort.ascd.msk.f32 $0xffff, v27, v27;
	_ =	sdelay $0x1  }
0x256: {  	v18 =	vperm.xlane v24, v16;
	v21, _, _ =	vpop (xrf1);
	(xrf1) =	vsort.ascd.msk.f32 $0xffff, v17, v17  }
0x257: {  	v17 =	vperm.xlane v21, v16;
	v21, _, _ =	vpop (xrf1);
	(xrf1) =	vsort.ascd.msk.f32 $0xffff, v19, v19  }
0x258: {  	v24 =	vmin.f32 v23, v18;
	v22, _, _ =	vpop (xrf1);
	(xrf1) =	vsort.ascd.msk.f32 $0xffff, v20, v20  }
0x259: {  	v25 =	vmax.f32 v21, v17;
	v22 =	vperm.xlane v22, v16;
	(xrf1) =	vsort.ascd.msk.f32 $0xffff, v24, v24;
	v19, _, _ =	vpop (xrf1)  }
0x25a: {  	v24 =	vmin.f32 v21, v17;
	(xrf1) =	vsort.ascd.msk.f32 $0xffff, v25, v25;
	v20, _, _ =	vpop (xrf1)  }
0x25b: {  	v25 =	vmax.f32 v19, v22;
	v20 =	vperm.xlane v20, v16;
	(xrf1) =	vsort.ascd.msk.f32 $0xffff, v24, v24;
	v17, _, _ =	vpop (xrf1)  }
0x25c: {  	v24 =	vmin.f32 v19, v22;
	(xrf1) =	vsort.ascd.msk.f32 $0xffff, v25, v25;
	v21, _, _ =	vpop (xrf1)  }
0x25d: {  	v25 =	vmax.f32 v17, v20;
	v21 =	vperm.xlane v21, v16;
	(xrf1) =	vsort.ascd.msk.f32 $0xffff, v24, v24  }
0x25e: {  	v17 =	vmin.f32 v17, v20;
	(xrf1) =	vsort.ascd.msk.f32 $0xffff, v25, v25;
	v19, _, _ =	vpop (xrf1)  }
0x25f: {  	v24 =	vmax.f32 v19, v21;
	v22, _, _ =	vpop (xrf1);
	(xrf1) =	vsort.ascd.msk.f32 $0xffff, v17, v17  }
0x260: {  	v19 =	vmin.f32 v19, v21;
	v17 =	vperm.xlane v22, v16;
	(xrf1) =	vsort.ascd.msk.f32 $0xffff, v24, v24  }
0x261: {  	v21 =	vmax.f32 v23, v18;
	v20, _, _ =	vpop (xrf1);
	(xrf1) =	vsort.ascd.msk.f32 $0xffff, v19, v19  }
0x262: {  	v19 =	vmin.f32 v20, v17;
	(xrf1) =	vsort.ascd.msk.f32 $0xffff, v21, v21;
	v18, _, _ =	vpop (xrf1)  }
0x263: {  	v22 =	vmax.f32 v20, v17;
	v18 =	vperm.xlane v18, v16;
	(xrf1) =	vsort.ascd.msk.f32 $0xffff, v19, v19  }
0x264: {  	(xrf1) =	vsort.ascd.msk.f32 $0xffff, v22, v22;
	v17, _, _ =	vpop (xrf1)  }
0x265: {  	v21 =	vmin.f32 v17, v18;
	v20, _, _ =	vpop (xrf1)  }
0x266: {  	(xrf1) =	vsort.ascd.msk.f32 $0xffff, v21, v21;
	v19, _, _ =	vpop (xrf1)  }
0x267: {  	v17 =	vmax.f32 v17, v18;
	v18 =	vperm.xlane v19, v16;
	v19, _, _ =	vpop (xrf1)  }
0x268: {  	v21, _, _ =	vpop (xrf1);
	(xrf1) =	vsort.ascd.msk.f32 $0xffff, v17, v17  }
0x269: {  	v17 =	vmin.f32 v20, v18;
	v22, _, _ =	vpop (xrf1)  }
0x26a: {  	v23, _, _ =	vpop (xrf1);
	(xrf1) =	vsort.ascd.msk.f32 $0xffff, v17, v17  }
0x26b: {  	v17 =	vmax.f32 v20, v18;
	v18, _, _ =	vpop (xrf1)  }
0x26c: {  	v20, _, _ =	vpop (xrf1);
	(xrf1) =	vsort.ascd.msk.f32 $0xffff, v17, v17  }
0x26d: {  	v17 =	vperm.xlane v21, v16;
	v21 =	vperm.xlane v22, v16;
	v22, _, _ =	vpop (xrf1)  }
0x26e: {  	v23 =	vperm.xlane v23, v16;
	v18 =	vperm.xlane v18, v16;
	v24, _, _ =	vpop (xrf1)  }
0x26f: {  	v20 =	vperm.xlane v20, v16;
	v22 =	vperm.xlane v22, v16;
	v25, _, _ =	vpop (xrf1)  }
0x270: {  	v26 =	vmin.f32 v19, v17;
	v24 =	vperm.xlane v24, v16;
	v25 =	vperm.xlane v25, v16;
	v27, _, _ =	vpop (xrf1)  }
0x271: {  	v17 =	vmax.f32 v19, v17;
	v19 =	vmin.f32 v27, v21;
	v21 =	vmax.f32 v27, v21;
	v27, _, _ =	vpop (xrf1)  }
0x272: {  	v28 =	vmin.f32 v26, v19;
	v29 =	vmin.f32 v27, v23;
	v23 =	vmax.f32 v27, v23;
	v27, _, _ =	vpop (xrf1)  }
0x273: {  	v30 =	vmax.f32 v26, v19;
	v26 =	vmin.f32 v27, v18;
	(xrf1) =	vsort.ascd.msk.f32 $0xffff, v28, v28  }
0x274: {  	v28 =	vmin.f32 v17, v21;
	v18 =	vmax.f32 v27, v18;
	(xrf1) =	vsort.ascd.msk.f32 $0xffff, v30, v30;
	v19, _, _ =	vpop (xrf1)  }
0x275: {  	v30 =	vmax.f32 v17, v21;
	v21 =	vmin.f32 v19, v20;
	(xrf1) =	vsort.ascd.msk.f32 $0xffff, v28, v28  }
0x276: {  	v27 =	vmax.f32 v23, v18;
	v19 =	vmax.f32 v19, v20;
	(xrf1) =	vsort.ascd.msk.f32 $0xffff, v30, v30;
	v17, _, _ =	vpop (xrf1)  }
0x277: {  	s21 =	sadd.s32 $0x1, s22;
	v28 =	vmin.f32 v23, v18;
	v20 =	vmin.f32 v17, v22;
	(xrf1) =	vsort.ascd.msk.f32 $0xffff, v27, v27  }
0x278: {  	v23 =	vmax.f32 v29, v26;
	v17 =	vmax.f32 v17, v22;
	v22 =	vor.u32 s21, v1;
	(xrf1) =	vsort.ascd.msk.f32 $0xffff, v28, v28;
	v18, _, _ =	vpop (xrf1)  }
0x279: {  	v29 =	vmin.f32 v29, v26;
	v28 =	vor.u32 s21, v0;
	v27 =	vmin.f32 v18, v24;
	(xrf1) =	vsort.ascd.msk.f32 $0xffff, v23, v23  }
0x27a: {  	v23 =	vmin.f32 v21, v20;
	v18 =	vmax.f32 v18, v24;
	v24 =	vor.u32 s21, v3;
	(xrf1) =	vsort.ascd.msk.f32 $0xffff, v29, v29;
	v26, _, _ =	vpop (xrf1)  }
0x27b: {  	v20 =	vmax.f32 v21, v20;
	v29 =	vor.u32 s21, v2;
	v21 =	vmin.f32 v26, v25;
	(xrf1) =	vsort.ascd.msk.f32 $0xffff, v23, v23  }
0x27c: {  	v23 =	vmin.f32 v19, v17;
	v25 =	vmax.f32 v26, v25;
	v26 =	vor.u32 s21, v7;
	(xrf1) =	vsort.ascd.msk.f32 $0xffff, v20, v20  }
0x27d: {  	v30 =	vor.u32 s21, v6;
	v20 =	vmax.f32 v18, v25;
	v22 =	vld.idx.msk [tilespmem:v22+s10+$0x0], $0xffff;
	(xrf1) =	vsort.ascd.msk.f32 $0xffff, v23, v23  }
0x27e: {  	v18 =	vmin.f32 v18, v25;
	v25 =	vor.u32 s21, v11;
	v23 =	vld.idx.msk [tilespmem:v28+s10+$0x0], $0xffff;
	(xrf1) =	vsort.ascd.msk.f32 $0xffff, v20, v20  }
0x27f: {  	v20 =	vmax.f32 v27, v21;
	v28 =	vor.u32 s21, v10;
	v24 =	vld.idx.msk [tilespmem:v24+s10+$0x0], $0xffff;
	(xrf1) =	vsort.ascd.msk.f32 $0xffff, v18, v18  }
0x280: {  	v18 =	vmin.f32 v27, v21;
	v27 =	vld.idx.msk [tilespmem:v29+s10+$0x0], $0xffff;
	v29 =	vor.u32 s21, v15;
	(xrf1) =	vsort.ascd.msk.f32 $0xffff, v20, v20  }
0x281: {  	v17 =	vmax.f32 v19, v17;
	v26 =	vld.idx.msk [tilespmem:v26+s10+$0x0], $0xffff;
	v21, _, _ =	vpop (xrf1);
	(xrf1) =	vsort.ascd.msk.f32 $0xffff, v18, v18  }
0x282: {  	v31 =	vor.u32 s21, v14;
	v30 =	vld.idx.msk [tilespmem:v30+s10+$0x0], $0xffff;
	v20, _, _ =	vpop (xrf1);
	(xrf1) =	vsort.ascd.msk.f32 $0xffff, v17, v17  }
0x283: {  	v17 =	vor.u32 s21, v5;
	v25 =	vld.idx.msk [tilespmem:v25+s10+$0x0], $0xffff;
	v18, _, _ =	vpop (xrf1);
	(xrf1) =	vsort.ascd.msk.f32 $0xffff, v22, v22  }
0x284: {  	v22 =	vld.idx.msk [tilespmem:v28+s10+$0x0], $0xffff;
	v19, _, _ =	vpop (xrf1);
	(xrf1) =	vsort.ascd.msk.f32 $0xffff, v23, v23  }
0x285: {  	v28 =	vor.u32 s21, v4;
	v29 =	vld.idx.msk [tilespmem:v29+s10+$0x0], $0xffff;
	v32, _, _ =	vpop (xrf1);
	(xrf1) =	vsort.ascd.msk.f32 $0xffff, v24, v24  }
0x286: {  	v33 =	vor.u32 s21, v8;
	v34, _, _ =	vpop (xrf1);
	(xrf1) =	vsort.ascd.msk.f32 $0xffff, v27, v27  }
0x287: {  	v27 =	vor.u32 s21, v9;
	v31 =	vld.idx.msk [tilespmem:v31+s10+$0x0], $0xffff;
	v35, _, _ =	vpop (xrf1);
	(xrf1) =	vsort.ascd.msk.f32 $0xffff, v26, v26  }
0x288: {  	v26 =	vor.u32 s21, v12;
	v17 =	vld.idx.msk [tilespmem:v17+s10+$0x0], $0xffff;
	v36, _, _ =	vpop (xrf1);
	(xrf1) =	vsort.ascd.msk.f32 $0xffff, v30, v30  }
0x289: {  	v37 =	vor.u32 s21, v13;
	v23, _, _ =	vpop (xrf1);
	(xrf1) =	vsort.ascd.msk.f32 $0xffff, v25, v25  }
0x28a: {  	v39 =	vld.idx.msk [tilespmem:v28+s10+$0x0], $0xffff;
	v24, _, _ =	vpop (xrf1);
	(xrf1) =	vsort.ascd.msk.f32 $0xffff, v22, v22  }
0x28b: {  	v42 =	vld.idx.msk [tilespmem:v33+s10+$0x0], $0xffff;
	v25, _, _ =	vpop (xrf1);
	(xrf1) =	vsort.ascd.msk.f32 $0xffff, v29, v29  }
0x28c: {  	v43 =	vld.idx.msk [tilespmem:v27+s10+$0x0], $0xffff;
	v27, _, _ =	vpop (xrf1)  }
0x28d: {  	v30 =	vperm.xlane v34, v16;
	v29 =	vperm.xlane v32, v16;
	v44 =	vld.idx.msk [tilespmem:v26+s10+$0x0], $0xffff;
	v26, _, _ =	vpop (xrf1);
	(xrf1) =	vsort.ascd.msk.f32 $0xffff, v31, v31  }
0x28e: {  	v28 =	vperm.xlane v35, v16;
	v32 =	vperm.xlane v36, v16;
	v22 =	vld.idx.msk [tilespmem:v37+s10+$0x0], $0xffff;
	v31, _, _ =	vpop (xrf1);
	(xrf1) =	vsort.ascd.msk.f32 $0xffff, v17, v17  }
.Ltmp1:
0x28f: {  	v41 =	vperm.xlane v27, v16;
	v40 =	vperm.xlane v26, v16;
	v17, _, _ =	vpop (xrf1);
	(pc) =	sbr.rel @p0 .LBB2_5-.Ltmp1, $4  }
0x290: {  	v38 =	vperm.xlane v31, v16;
	v35 =	vperm.xlane v17, v16;
	v36, _, _ =	vpop (xrf1);
	(xrf1) =	vsort.ascd.msk.f32 $0xffff, v39, v39  }
0x291: {  	v33 =	vmax.f32 v21, v29;
	v31 =	vmax.f32 v20, v30;
	v17, _, _ =	vpop (xrf1);
	(xrf1) =	vsort.ascd.msk.f32 $0xffff, v42, v42  }
0x292: {  	v37 =	vmax.f32 v18, v28;
	v26 =	vperm.xlane v17, v16;
	v27, _, _ =	vpop (xrf1);
	(xrf1) =	vsort.ascd.msk.f32 $0xffff, v43, v43  }
0x293: {  	s22 =	sadd.s32 $0x2, s22;
	v39 =	vmax.f32 v19, v32;
	v17 =	vmin.f32 v23, v41;
	v34, _, _ =	vpop (xrf1);
	(xrf1) =	vsort.ascd.msk.f32 $0xffff, v44, v44  }
0x294: {  	v42 =	vmin.f32 v27, v26;
	v34 =	vperm.xlane v34, v16;
	v43, _, _ =	vpop (xrf1);
	(xrf1) =	vsort.ascd.msk.f32 $0xffff, v22, v22  }
0x295: {  	v22 =	vmin.f32 v24, v40;
	v61 =	vmax.f32 v27, v26;
	v26 =	vmin.f32 v25, v38  }
0x296: {  	v27 =	vmin.f32 v36, v35;
	v29 =	vmin.f32 v21, v29;
	v30 =	vmin.f32 v20, v30;
	v62, _, _ =	vpop (xrf1)  }
0x297: {  	v32 =	vmin.f32 v19, v32;
	v25 =	vmax.f32 v25, v38;
	(xrf1) =	vsort.ascd.msk.f32 $0xffff, v42, v42;
	v45, _, _ =	vpop (xrf1)  }
0x298: {  	v63 =	vmax.f32 v43, v34;
	v44 =	vperm.xlane v62, v16;
	(xrf1) =	vsort.ascd.msk.f32 $0xffff, v61, v61;
	v48, _, _ =	vpop (xrf1)  }
0x299: {  	v59 =	vmax.f32 v33, v37;
	v47 =	vmin.f32 v43, v34;
	(xrf1) =	vsort.ascd.msk.f32 $0xffff, v63, v63;
	v50, _, _ =	vpop (xrf1)  }
0x29a: {  	v49 =	vmax.f32 v45, v44;
	v34 =	vperm.xlane v48, v16;
	(xrf1) =	vsort.ascd.msk.f32 $0xffff, v47, v47;
	v51, _, _ =	vpop (xrf1)  }
0x29b: {  	v60 =	vmax.f32 v31, v39;
	v44 =	vmin.f32 v45, v44;
	(xrf1) =	vsort.ascd.msk.f32 $0xffff, v49, v49;
	v54, _, _ =	vpop (xrf1)  }
0x29c: {  	v52 =	vmax.f32 v50, v34;
	v42 =	vperm.xlane v51, v16;
	(xrf1) =	vsort.ascd.msk.f32 $0xffff, v44, v44;
	v56, _, _ =	vpop (xrf1)  }
0x29d: {  	v53 =	vmin.f32 v50, v34;
	(xrf1) =	vsort.ascd.msk.f32 $0xffff, v52, v52;
	v57 =	vperm.xlane v56, v16  }
0x29e: {  	v55 =	vmax.f32 v54, v42;
	v34 =	vmin.f32 v54, v42;
	v42 =	vmin.f32 v18, v28;
	v18, _, _ =	vpop (xrf1)  }
0x29f: {  	v31 =	vmin.f32 v31, v39;
	(xrf1) =	vsort.ascd.msk.f32 $0xffff, v53, v53;
	v19 =	vmin.f32 v18, v57  }
0x2a0: {  	v38 =	vmin.f32 v17, v26;
	(xrf1) =	vsort.ascd.msk.f32 $0xffff, v55, v55;
	v18 =	vmax.f32 v18, v57  }
0x2a1: {  	v21 =	vmax.f32 v59, v60;
	v17 =	vmax.f32 v17, v26;
	(xrf1) =	vsort.ascd.msk.f32 $0xffff, v34, v34;
	v58, _, _ =	vpop (xrf1)  }
0x2a2: {  	v51 =	vmin.f32 v59, v60;
	v28 =	vmax.f32 v23, v41;
	(xrf1) =	vsort.ascd.msk.f32 $0xffff, v19, v19;
	v19, _, _ =	vpop (xrf1)  }
0x2a3: {  	v23 =	vmax.f32 v24, v40;
	(xrf1) =	vsort.ascd.msk.f32 $0xffff, v18, v18;
	v19 =	vperm.xlane v19, v16;
	v18, _, _ =	vpop (xrf1)  }
0x2a4: {  	v24 =	vmax.f32 v36, v35;
	v36 =	vmin.f32 v22, v27;
	v22 =	vmax.f32 v22, v27;
	v61, _, _ =	vpop (xrf1)  }
0x2a5: {  	v62 =	vmin.f32 v58, v19;
	v35 =	vperm.xlane v61, v16;
	v63, _, _ =	vpop (xrf1);
	v19 =	vmax.f32 v58, v19  }
0x2a6: {  	v41 =	vmax.f32 v29, v42;
	v53 =	vmin.f32 v38, v36;
	v48, _, _ =	vpop (xrf1);
	(xrf1) =	vsort.ascd.msk.f32 $0xffff, v62, v62  }
0x2a7: {  	v34 =	vmin.f32 v33, v37;
	v49 =	vmin.f32 v18, v35;
	v50, _, _ =	vpop (xrf1);
	(xrf1) =	vsort.ascd.msk.f32 $0xffff, v19, v19  }
0x2a8: {  	v18 =	vmax.f32 v18, v35;
	v19, _, _ =	vpop (xrf1);
	(xrf1) =	vsort.ascd.msk.f32 $0xffff, v49, v49;
	v40 =	vperm.xlane v50, v16  }
0x2a9: {  	v52, _, _ =	vpop (xrf1);
	(xrf1) =	vsort.ascd.msk.f32 $0xffff, v18, v18;
	v18 =	vmax.f32 v34, v31;
	v19 =	vperm.xlane v19, v16  }
0x2aa: {  	v31 =	vmin.f32 v34, v31;
	(xrf1) =	vsort.ascd.msk.f32 $0xffff, v21, v21;
	v33 =	vperm.xlane v52, v16  }
0x2ab: {  	v54, _, _ =	vpop (xrf1);
	v56 =	vmin.f32 v63, v40;
	v37 =	vmax.f32 v63, v40;
	(xrf1) =	vsort.ascd.msk.f32 $0xffff, v51, v51  }
0x2ac: {  	v55, _, _ =	vpop (xrf1);
	v21 =	vperm.xlane v54, v16;
	v57 =	vmin.f32 v48, v19;
	v19 =	vmax.f32 v48, v19  }
0x2ad: {  	(xrf1) =	vsort.ascd.msk.f32 $0xffff, v18, v18;
	v18, _, _ =	vpop (xrf1);
	v35 =	vperm.xlane v55, v16;
	v59 =	vmin.f32 v56, v57  }
0x2ae: {  	v60 =	vmax.f32 v56, v57;
	v43 =	vperm.xlane v18, v16;
	(xrf1) =	vsort.ascd.msk.f32 $0xffff, v53, v53;
	v18, _, _ =	vpop (xrf1)  }
0x2af: {  	v62 =	vmin.f32 v37, v19;
	v19 =	vmax.f32 v37, v19;
	v58, _, _ =	vpop (xrf1);
	(xrf1) =	vsort.ascd.msk.f32 $0xffff, v59, v59  }
0x2b0: {  	v18 =	vperm.xlane v18, v16;
	v45 =	vperm.xlane v58, v16;
	v61, _, _ =	vpop (xrf1);
	(xrf1) =	vsort.ascd.msk.f32 $0xffff, v60, v60  }
0x2b1: {  	v63 =	vmax.f32 v61, v33;
	v47, _, _ =	vpop (xrf1);
	(xrf1) =	vsort.ascd.msk.f32 $0xffff, v62, v62;
	v33 =	vmin.f32 v61, v33  }
0x2b2: {  	v48 =	vmax.f32 v47, v21;
	(xrf1) =	vsort.ascd.msk.f32 $0xffff, v19, v19;
	v19 =	vmin.f32 v47, v21  }
0x2b3: {  	v49 =	vmax.f32 v63, v48;
	v50 =	vmin.f32 v63, v48;
	v52 =	vmax.f32 v33, v19  }
0x2b4: {  	v19 =	vmin.f32 v33, v19;
	v63 =	vmax.f32 v30, v32;
	(xrf1) =	vsort.ascd.msk.f32 $0xffff, v49, v49;
	v51, _, _ =	vpop (xrf1)  }
0x2b5: {  	v30 =	vmin.f32 v30, v32;
	v48 =	vmin.f32 v28, v25;
	(xrf1) =	vsort.ascd.msk.f32 $0xffff, v50, v50;
	v54, _, _ =	vpop (xrf1)  }
0x2b6: {  	v53 =	vmin.f32 v51, v35;
	(xrf1) =	vsort.ascd.msk.f32 $0xffff, v52, v52;
	v55 =	vmin.f32 v54, v43;
	v56, _, _ =	vpop (xrf1)  }
0x2b7: {  	v25 =	vmax.f32 v28, v25;
	(xrf1) =	vsort.ascd.msk.f32 $0xffff, v19, v19;
	v57 =	vmin.f32 v53, v55;
	v46, _, _ =	vpop (xrf1)  }
0x2b8: {  	v58 =	vmax.f32 v56, v18;
	v19 =	vmax.f32 v53, v55;
	v59 =	vmax.f32 v46, v45  }
0x2b9: {  	v33 =	vmin.f32 v56, v18;
	(xrf1) =	vsort.ascd.msk.f32 $0xffff, v57, v57;
	v18 =	vmax.f32 v58, v59  }
0x2ba: {  	v47 =	vmax.f32 v41, v63;
	(xrf1) =	vsort.ascd.msk.f32 $0xffff, v19, v19;
	v20 =	vmin.f32 v58, v59  }
0x2bb: {  	v49 =	vmin.f32 v17, v22;
	v60 =	vmin.f32 v46, v45;
	v19, _, _ =	vpop (xrf1);
	(xrf1) =	vsort.ascd.msk.f32 $0xffff, v18, v18  }
0x2bc: {  	v61 =	vmax.f32 v33, v60;
	v33 =	vmin.f32 v33, v60;
	v18, _, _ =	vpop (xrf1);
	(xrf1) =	vsort.ascd.msk.f32 $0xffff, v20, v20  }
0x2bd: {  	v35 =	vmax.f32 v51, v35;
	v62 =	vmax.f32 v54, v43;
	v20, _, _ =	vpop (xrf1);
	(xrf1) =	vsort.ascd.msk.f32 $0xffff, v61, v61  }
0x2be: {  	v17 =	vmax.f32 v17, v22;
	v40 =	vmin.f32 v35, v62;
	v21, _, _ =	vpop (xrf1);
	(xrf1) =	vsort.ascd.msk.f32 $0xffff, v33, v33  }
0x2bf: {  	v51 =	vmin.f32 v41, v63;
	v44 =	vmax.f32 v35, v62;
	v33, _, _ =	vpop (xrf1);
	(xrf1) =	vsort.ascd.msk.f32 $0xffff, v40, v40  }
0x2c0: {  	v52 =	vmin.f32 v23, v24;
	v23 =	vmax.f32 v23, v24;
	v27, _, _ =	vpop (xrf1);
	(xrf1) =	vsort.ascd.msk.f32 $0xffff, v44, v44  }
0x2c1: {  	v34 =	vmax.f32 v48, v52;
	v46 =	vmax.f32 v38, v36;
	(xrf1) =	vsort.ascd.msk.f32 $0xffff, v31, v31;
	v31, _, _ =	vpop (xrf1)  }
0x2c2: {  	v45 =	vmin.f32 v29, v42;
	v57 =	vmin.f32 v48, v52;
	(xrf1) =	vsort.ascd.msk.f32 $0xffff, v46, v46;
	v29, _, _ =	vpop (xrf1)  }
0x2c3: {  	v55 =	vmin.f32 v45, v30;
	v56 =	vmax.f32 v45, v30;
	(xrf1) =	vsort.ascd.msk.f32 $0xffff, v47, v47;
	v50, _, _ =	vpop (xrf1)  }
0x2c4: {  	v59 =	vmin.f32 v25, v23;
	(xrf1) =	vsort.ascd.msk.f32 $0xffff, v49, v49;
	v53, _, _ =	vpop (xrf1);
	v61 =	vperm.xlane v50, v16  }
0x2c5: {  	v23 =	vmax.f32 v25, v23;
	(xrf1) =	vsort.ascd.msk.f32 $0xffff, v51, v51;
	v54, _, _ =	vpop (xrf1);
	v63 =	vperm.xlane v53, v16  }
0x2c6: {  	(xrf1) =	vsort.ascd.msk.f32 $0xffff, v17, v17;
	v17, _, _ =	vpop (xrf1);
	v22 =	vperm.xlane v54, v16;
	v35 =	vmax.f32 v33, v61  }
0x2c7: {  	v25 =	vmin.f32 v33, v61;
	(xrf1) =	vsort.ascd.msk.f32 $0xffff, v55, v55;
	v17 =	vperm.xlane v17, v16  }
0x2c8: {  	v58, _, _ =	vpop (xrf1);
	v36 =	vmax.f32 v27, v63;
	v27 =	vmin.f32 v27, v63;
	(xrf1) =	vsort.ascd.msk.f32 $0xffff, v56, v56  }
0x2c9: {  	v60, _, _ =	vpop (xrf1);
	v38 =	vmax.f32 v31, v22;
	v22 =	vmin.f32 v31, v22;
	(xrf1) =	vsort.ascd.msk.f32 $0xffff, v57, v57  }
0x2ca: {  	v62, _, _ =	vpop (xrf1);
	v39 =	vmax.f32 v29, v17;
	v17 =	vmin.f32 v29, v17;
	v57 =	vmin.f32 v35, v38  }
0x2cb: {  	v31 =	vmax.f32 v25, v22;
	(xrf1) =	vsort.ascd.msk.f32 $0xffff, v34, v34;
	v48, _, _ =	vpop (xrf1);
	v26 =	vperm.xlane v62, v16  }
0x2cc: {  	v22 =	vmin.f32 v25, v22;
	(xrf1) =	vsort.ascd.msk.f32 $0xffff, v23, v23;
	v49, _, _ =	vpop (xrf1);
	v34 =	vperm.xlane v48, v16  }
0x2cd: {  	v23 =	vperm.xlane v49, v16;
	(xrf1) =	vsort.ascd.msk.f32 $0xffff, v59, v59;
	v50, _, _ =	vpop (xrf1);
	v52 =	vmin.f32 v58, v26  }
0x2ce: {  	v26 =	vmax.f32 v58, v26;
	v58 =	vmin.f32 v36, v39;
	v30 =	vperm.xlane v50, v16  }
0x2cf: {  	v54 =	vmin.f32 v60, v34;
	v24 =	vmax.f32 v60, v34;
	v59 =	vmax.f32 v57, v58  }
0x2d0: {  	v51, _, _ =	vpop (xrf1);
	v60 =	vmax.f32 v27, v17;
	v28 =	vmin.f32 v57, v58;
	v17 =	vmin.f32 v27, v17  }
0x2d1: {  	v55 =	vmin.f32 v51, v23;
	v23 =	vmax.f32 v51, v23;
	(xrf1) =	vsort.ascd.msk.f32 $0xffff, v59, v59  }
0x2d2: {  	v53, _, _ =	vpop (xrf1);
	v61 =	vmax.f32 v31, v60;
	v62 =	vmin.f32 v31, v60;
	(xrf1) =	vsort.ascd.msk.f32 $0xffff, v28, v28  }
0x2d3: {  	v33 =	vmin.f32 v22, v17;
	v17 =	vmax.f32 v22, v17;
	v28, _, _ =	vpop (xrf1);
	(xrf1) =	vsort.ascd.msk.f32 $0xffff, v61, v61  }
0x2d4: {  	v56 =	vmin.f32 v53, v30;
	v30 =	vmax.f32 v53, v30;
	v63, _, _ =	vpop (xrf1);
	(xrf1) =	vsort.ascd.msk.f32 $0xffff, v62, v62  }
0x2d5: {  	v34 =	vmax.f32 v26, v23;
	v37 =	vmax.f32 v24, v30;
	v27, _, _ =	vpop (xrf1);
	(xrf1) =	vsort.ascd.msk.f32 $0xffff, v33, v33  }
0x2d6: {  	v23 =	vmin.f32 v26, v23;
	v41 =	vmax.f32 v34, v37;
	v29, _, _ =	vpop (xrf1);
	(xrf1) =	vsort.ascd.msk.f32 $0xffff, v17, v17  }
0x2d7: {  	v24 =	vmin.f32 v24, v30;
	v22 =	vmin.f32 v34, v37;
	v17, _, _ =	vpop (xrf1);
	(xrf1) =	vsort.ascd.msk.f32 $0xffff, v41, v41  }
0x2d8: {  	v46 =	vmax.f32 v52, v55;
	v30 =	vmax.f32 v23, v24;
	v45, _, _ =	vpop (xrf1);
	(xrf1) =	vsort.ascd.msk.f32 $0xffff, v22, v22  }
0x2d9: {  	v48 =	vmax.f32 v54, v56;
	v23 =	vmin.f32 v23, v24;
	v47, _, _ =	vpop (xrf1);
	(xrf1) =	vsort.ascd.msk.f32 $0xffff, v30, v30  }
0x2da: {  	v50 =	vmin.f32 v52, v55;
	v51 =	vmax.f32 v46, v48;
	v49, _, _ =	vpop (xrf1);
	(xrf1) =	vsort.ascd.msk.f32 $0xffff, v23, v23  }
0x2db: {  	v53 =	vmin.f32 v54, v56;
	v24 =	vmin.f32 v46, v48;
	v52, _, _ =	vpop (xrf1);
	(xrf1) =	vsort.ascd.msk.f32 $0xffff, v51, v51  }
0x2dc: {  	v36 =	vmax.f32 v36, v39;
	v56 =	vmax.f32 v50, v53;
	v54, _, _ =	vpop (xrf1);
	(xrf1) =	vsort.ascd.msk.f32 $0xffff, v24, v24  }
0x2dd: {  	v55 =	vmax.f32 v35, v38;
	v32 =	vmin.f32 v50, v53;
	v57, _, _ =	vpop (xrf1);
	(xrf1) =	vsort.ascd.msk.f32 $0xffff, v56, v56  }
0x2de: {  	v59 =	vmin.f32 v55, v36;
	v58, _, _ =	vpop (xrf1);
	(xrf1) =	vsort.ascd.msk.f32 $0xffff, v32, v32  }
0x2df: {  	v60 =	vmax.f32 v55, v36;
	v61, _, _ =	vpop (xrf1);
	(xrf1) =	vsort.ascd.msk.f32 $0xffff, v59, v59  }
0x2e0: {  	v21 =	vperm.xlane v21, v16;
	v25 =	vperm.xlane v63, v16;
	v62, _, _ =	vpop (xrf1);
	(xrf1) =	vsort.ascd.msk.f32 $0xffff, v60, v60  }
0x2e1: {  	v24 =	vperm.xlane v57, v16;
	v63 =	vperm.xlane v58, v16;
	v40, _, _ =	vpop (xrf1)  }
0x2e2: {  	v29 =	vperm.xlane v29, v16;
	v31 =	vperm.xlane v54, v16;
	v41, _, _ =	vpop (xrf1)  }
0x2e3: {  	v23 =	vperm.xlane v52, v16;
	v22 =	vmax.f32 v47, v24;
	v42 =	vmax.f32 v49, v63;
	v43, _, _ =	vpop (xrf1)  }
0x2e4: {  	v26 =	vperm.xlane v45, v16;
	v17 =	vmax.f32 v17, v31;
	v22 =	vmin.f32 v22, v42;
	v44, _, _ =	vpop (xrf1)  }
0x2e5: {  	v19 =	vmax.f32 v19, v21;
	v45 =	vmax.f32 v27, v23;
	v17 =	vmin.f32 v22, v17;
	v46, _, _ =	vpop (xrf1)  }
0x2e6: {  	v20 =	vmax.f32 v20, v29;
	v47 =	vmax.f32 v28, v26;
	v17 =	vmin.f32 v17, v45;
	v48, _, _ =	vpop (xrf1)  }
0x2e7: {  	v17 =	vmin.f32 v17, v47;
	v21 =	vperm.xlane v46, v16;
	v49 =	vperm.xlane v48, v16;
	v50, _, _ =	vpop (xrf1)  }
0x2e8: {  	v18 =	vmax.f32 v18, v25;
	v17 =	vmin.f32 v17, v20;
	v51 =	vperm.xlane v50, v16;
	v52, _, _ =	vpop (xrf1)  }
0x2e9: {  	v21 =	vmax.f32 v43, v21;
	v23 =	vperm.xlane v52, v16;
	v22 =	vmax.f32 v44, v49;
	v53, _, _ =	vpop (xrf1)  }
0x2ea: {  	v24 =	vperm.xlane v53, v16;
	v21 =	vmin.f32 v21, v22;
	v20 =	vmax.f32 v41, v51;
	v54, _, _ =	vpop (xrf1)  }
0x2eb: {  	v22 =	vperm.xlane v54, v16;
	v20 =	vmin.f32 v21, v20;
	v55 =	vmax.f32 v40, v23;
	v56, _, _ =	vpop (xrf1)  }
0x2ec: {  	v23 =	vperm.xlane v56, v16;
	v20 =	vmin.f32 v20, v55;
	v57 =	vmax.f32 v62, v24;
	v58, _, _ =	vpop (xrf1)  }
0x2ed: {  	v24 =	vperm.xlane v58, v16;
	v20 =	vmin.f32 v20, v57;
	v59 =	vmax.f32 v61, v22;
	v60, _, _ =	vpop (xrf1)  }
0x2ee: {  	v17 =	vmin.f32 v17, v18;
	v18 =	vmin.f32 v20, v59;
	v61 =	vmax.f32 v60, v23;
	v62, _, _ =	vpop (xrf1)  }
0x2ef: {  	v17 =	vmin.f32 v17, v19;
	v18 =	vmin.f32 v18, v61;
	v19 =	vmax.f32 v62, v24  }
0x2f0: {  	(xrf0) =	vmin.scan.msk.f32 $0xffff, v17;
	v18 =	vmin.f32 v18, v19  }
0x2f1: {  	(xrf0) =	vmin.scan.msk.f32 $0xffff, v18;
	_ =	sdelay $0x2  }
0x2f2: {  	v17 =	vmov s20  }
0x2f3: {  	v18 =	vmov s21  }
0x2f4: {  	v19, _, _ =	vpop (xrf0)  }
0x2f5: {  	s17 =	sadd.s32 s17, s18;
	v19 =	vbroadcast v19, $0xF;
	v63, _, _ =	vpop (xrf0)  }
0x2f6: {  	s16 =	sadd.s32 $0x1, s16;
	s17 =	sor.u32 s19, s17;
	v20 =	vbroadcast v63, $0xF  }
0x2f7: {  	p0 =	sne.s32 s16, $0x6;
	s17 =	sshrl.u32 s17, $0x3;
	[tilespmem:v17+s12+$0x0] =	vst.idx.msk $0x1, v19  }
.Ltmp2:
0x2f8: {  	s17 =	sadd.s32 s3, s17;
	[tilespmem:v18+s12+$0x0] =	vst.idx.msk $0x1, v20;
	(pc) =	sbr.rel @p0 .LBB2_2-.Ltmp2, $4  }
0x2f9: {  	[hbm4b:s17+s4] =	stream.linear.scatter [tilespmem:s12], [sflag:$0x3], $0x80, $0x38;
	[tilespmem:$0x10080] =	vst v63  }
0x2fa: {  	_ =	swait.ge [sflag:s13], $0x80  }
0x2fb: {  	[sflag:s13] =	ssyncset.done $0x0  }
0x2fc: {  	[sflag:s13] =	ssyncadd.s32 $0xFFFFFF80  }
0x2fd: {  	s15 =	sadd.s32 $0x1, s15  }
0x2fe: {  	p0 =	sne.s32 s15, s7  }
.Ltmp3:
0x2ff: {  	_ = 	snop;
	(pc) =	sbr.rel @p0 .LBB2_1-.Ltmp3, $1  }
0x300: {  	_ =	sdelay $0x3  }
0x301: {  	_ =	sfence.sel $0x180000  }
0x302: {  	[bflag:$0x0] =	sbarrier.arrive $0xFFFF  }
0x303: {  	p0 =	sne.s32 s0, $0x0;
	_ =	strace $0x90000047  }
0x304: {  	s0 =	sadd.s32 @!p0 $0x100000, s2;
	[bflag:$0x2] =	sbarrier.arrive $0xFFFF  }
0x305: {  	[sflag:s0] =	ssyncadd.tile.s32 @!p0 $0x1;
	_ =	shalt  }
.Lfunc_end2:
_tile_overlayer_lowered:
.L_overlay_start_2:
0x306: {  	(tag) =	ssettag $0x2  }
0x307: {  	s0 =	rddreg [dreg:$0x0];
	s2 =	stileid.u32  }
0x308: {  	s1 =	rddreg [dreg:$0x1];
	p0 =	sne.s32 s2, $0x0  }
0x309: {  	s3 =	rddreg [dreg:$0x2];
	[bflag:$0x3] =	sbarrier.arrive $0xFFFF;
	s2 =	simm.s32 @!p0 $0x1C03  }
0x30a: {  	[timem:s3], [sflag:s2] =	dma.local @!p0 [hbm:s0], s1  }
0x30b: {  	s0 =	simm.s32 @!p0 $0x3  }
0x30c: {  	_ =	swait.ge @!p0 [sflag:s0], s1  }
0x30d: {  	s1 =	ssub.s32 @!p0 $0x0, s1;
	[sflag:s0] =	ssyncset.done @!p0 $0x0  }
0x30e: {  	[sflag:s0] =	ssyncadd.s32 @!p0 s1  }
0x30f: {  	[bflag:$0x3] =	sbarrier.arrive $0xFFFF  }
0x310: {  	_ =	shalt  }

</sc_bundles>
